<compile_context>
chip_gen: v7x
topology: tpu7x:2x2x1
jax: 0.10.2.dev20260603
libtpu: 0.0.44.dev20260713+nightly
codegen_flags: <defaults>
</compile_context>

<pallas_src>
import functools

import jax
import jax.numpy as jnp
from jax import lax
from jax.experimental import pallas as pl
from jax.experimental.pallas import tpu as pltpu
from jax.experimental.pallas import tpu_sc as plsc

N = 10000
E = 320000
EDGES = E + N
H = 8
C = 10
F = 80
FP = 128
NEG = 0.2

NC = 2
NS = 16
NW = NC * NS
CH = 128
CPW = 82
EPW = CH * CPW
EP = NW * EPW
CPS = EP // NS // CH
NHALF = N // 2
NACC = 6400
RPT = NACC // NS

BE = 4096
BN = 2000
BNN = 200

_mesh = functools.partial(
    plsc.VectorSubcoreMesh, core_axis_name="c", subcore_axis_name="s")



def _proj_body(x_ref, wl_ref, wr_ref, bl_ref, br_ref, xl_ref, xr_ref):
  x = x_ref[...]
  xl_ref[...] = jnp.dot(x, wl_ref[...],
                        preferred_element_type=jnp.float32) + bl_ref[...]
  xr_ref[...] = jnp.dot(x, wr_ref[...],
                        preferred_element_type=jnp.float32) + br_ref[...]


def _proj(x, Wl, Wr, bl, br):
  n, d = x.shape
  return pl.pallas_call(
      _proj_body,
      grid=(n // BN,),
      in_specs=[
          pl.BlockSpec((BN, d), lambda i: (i, 0)),
          pl.BlockSpec((d, FP), lambda i: (0, 0)),
          pl.BlockSpec((d, FP), lambda i: (0, 0)),
          pl.BlockSpec((1, FP), lambda i: (0, 0)),
          pl.BlockSpec((1, FP), lambda i: (0, 0)),
      ],
      out_specs=[
          pl.BlockSpec((BN, FP), lambda i: (i, 0)),
          pl.BlockSpec((BN, FP), lambda i: (i, 0)),
      ],
      out_shape=[jax.ShapeDtypeStruct((n, FP), jnp.float32)] * 2,
  )(x, Wl, Wr, bl, br)


def _edge_body(xj_ref, xi_ref, a_ref, bmat_ref, emat_ref, q_ref):
  xj = xj_ref[...]
  z = xj + xi_ref[...]
  t = jnp.where(z > 0, z, NEG * z)
  logits = jnp.dot(t, a_ref[...], preferred_element_type=jnp.float32)
  eid = pl.program_id(0) * BE + lax.broadcasted_iota(jnp.int32, (BE, 16), 0)
  col = lax.broadcasted_iota(jnp.int32, (BE, 16), 1)
  ex = jnp.where((eid < EDGES) & (col < H), jnp.exp(logits), 0.0)
  q_ref[...] = xj * jnp.dot(ex, bmat_ref[...],
                            preferred_element_type=jnp.float32) + jnp.dot(
                                ex, emat_ref[...],
                                preferred_element_type=jnp.float32)


def _edge(xj, xi, a16, bmat, emat):
  return pl.pallas_call(
      _edge_body,
      grid=(EP // BE,),
      in_specs=[
          pl.BlockSpec((BE, FP), lambda i: (i, 0)),
          pl.BlockSpec((BE, FP), lambda i: (i, 0)),
          pl.BlockSpec((FP, 16), lambda i: (0, 0)),
          pl.BlockSpec((16, FP), lambda i: (0, 0)),
          pl.BlockSpec((16, FP), lambda i: (0, 0)),
      ],
      out_specs=pl.BlockSpec((BE, FP), lambda i: (i, 0)),
      out_shape=jax.ShapeDtypeStruct((EP, FP), jnp.float32),
  )(xj, xi, a16, bmat, emat)


def _norm_body(a_ref, b_ref, sel_ref, h_ref):
  acc = a_ref[...]
  den = jnp.dot(acc, sel_ref[...], preferred_element_type=jnp.float32) + 1e-16
  colm = lax.broadcasted_iota(jnp.int32, (BNN, FP), 1) < F
  o = jnp.where(colm, acc, 0.0) / den + b_ref[...]
  h_ref[...] = jnp.where(o > 0, o, jnp.exp(o) - 1.0)


def _norm(acc, b, sel):
  return pl.pallas_call(
      _norm_body,
      grid=(N // BNN,),
      in_specs=[
          pl.BlockSpec((BNN, FP),
                       lambda i: (jnp.where(i >= NHALF // BNN,
                                            i + (NACC - NHALF) // BNN, i), 0)),
          pl.BlockSpec((1, FP), lambda i: (0, 0)),
          pl.BlockSpec((FP, FP), lambda i: (0, 0)),
      ],
      out_specs=pl.BlockSpec((BNN, FP), lambda i: (i, 0)),
      out_shape=jax.ShapeDtypeStruct((N, FP), jnp.float32),
  )(acc, b, sel)



def _gather_body(xl_hbm, xr_hbm, src_hbm, dst_hbm, xj_hbm, xi_hbm,
                 sidx_v, didx_v, rA0, rA1, rB0, rB1, sA0, sA1, sB0, sB1):
  wid = lax.axis_index("s") * NC + lax.axis_index("c")
  base = wid * EPW
  pltpu.sync_copy(src_hbm.at[pl.ds(base, EPW)], sidx_v)
  pltpu.sync_copy(dst_hbm.at[pl.ds(base, EPW)], didx_v)

  def start(j, bufa, sema, bufb, semb):
    pltpu.async_copy(xl_hbm.at[sidx_v.at[pl.ds(j * CH, CH)]], bufa, sema)
    pltpu.async_copy(xr_hbm.at[didx_v.at[pl.ds(j * CH, CH)]], bufb, semb)

  def drain(j, bufa, sema, bufb, semb):
    pltpu.make_async_copy(
        xl_hbm.at[sidx_v.at[pl.ds(j * CH, CH)]], bufa, sema).wait()
    pltpu.sync_copy(bufa, xj_hbm.at[pl.ds(base + j * CH, CH)])
    pltpu.make_async_copy(
        xr_hbm.at[didx_v.at[pl.ds(j * CH, CH)]], bufb, semb).wait()
    pltpu.sync_copy(bufb, xi_hbm.at[pl.ds(base + j * CH, CH)])

  start(0, rA0, sA0, rB0, sB0)

  def pair(t, carry):
    j0 = 2 * t
    start(j0 + 1, rA1, sA1, rB1, sB1)
    drain(j0, rA0, sA0, rB0, sB0)

    @pl.when(t + 1 < CPW // 2)
    def _():
      start(j0 + 2, rA0, sA0, rB0, sB0)

    drain(j0 + 1, rA1, sA1, rB1, sB1)
    return carry

  lax.fori_loop(0, CPW // 2, pair, 0)


def _sc_gather(xl, xr, srcp, dstp):
  return pl.kernel(
      _gather_body,
      out_type=[
          jax.ShapeDtypeStruct((EP, FP), jnp.float32),
          jax.ShapeDtypeStruct((EP, FP), jnp.float32),
      ],
      mesh=_mesh(),
      scratch_types=[
          pltpu.VMEM((EPW,), jnp.int32),
          pltpu.VMEM((EPW,), jnp.int32),
          pltpu.VMEM((CH, FP), jnp.float32),
          pltpu.VMEM((CH, FP), jnp.float32),
          pltpu.VMEM((CH, FP), jnp.float32),
          pltpu.VMEM((CH, FP), jnp.float32),
          pltpu.SemaphoreType.DMA,
          pltpu.SemaphoreType.DMA,
          pltpu.SemaphoreType.DMA,
          pltpu.SemaphoreType.DMA,
      ],
  )(xl, xr, srcp, dstp)


def _scatter_body(q_hbm, dst4_hbm, z_hbm, acc_hbm,
                  didx_v, q0, q1, a_sh, sQ0, sQ1):
  cid = lax.axis_index("c")
  sid = lax.axis_index("s")
  base = sid * (CPS * CH)
  row0 = sid * RPT

  pltpu.sync_copy(z_hbm, a_sh.at[pl.ds(row0, RPT)])
  plsc.subcore_barrier()

  pltpu.sync_copy(dst4_hbm.at[cid, sid], didx_v)

  def start(j, qv, semq):
    pltpu.async_copy(q_hbm.at[pl.ds(base + j * CH, CH)], qv, semq)

  def drain(j, qv, semq):
    pltpu.make_async_copy(
        q_hbm.at[pl.ds(base + j * CH, CH)], qv, semq).wait()
    pltpu.sync_copy(qv, a_sh.at[didx_v.at[j, 0]], add=True)

  start(0, q0, sQ0)

  def pair(t, carry):
    j0 = 2 * t
    start(j0 + 1, q1, sQ1)
    drain(j0, q0, sQ0)

    @pl.when(t + 1 < CPS // 2)
    def _():
      start(j0 + 2, q0, sQ0)

    drain(j0 + 1, q1, sQ1)
    return carry

  lax.fori_loop(0, CPS // 2, pair, 0)
  plsc.subcore_barrier()

  pltpu.sync_copy(a_sh.at[pl.ds(row0, RPT)],
                  acc_hbm.at[cid, pl.ds(row0, RPT)])


def _sc_scatter(q, dst4, zrows):
  return pl.kernel(
      _scatter_body,
      out_type=jax.ShapeDtypeStruct((NC, NACC, FP), jnp.float32),
      mesh=_mesh(),
      scratch_types=[
          pltpu.VMEM((CPS, 1, CH), jnp.int32),
          pltpu.VMEM((CH, FP), jnp.float32),
          pltpu.VMEM((CH, FP), jnp.float32),
          pltpu.VMEM_SHARED((NACC, FP), jnp.float32),
          pltpu.SemaphoreType.DMA,
          pltpu.SemaphoreType.DMA,
      ],
  )(q, dst4, zrows)



def kernel(x, edge_index, Wl0, Wr0, bl0, br0, att0, b0,
           Wl1, Wr1, bl1, br1, att1, b1,
           Wl2, Wr2, bl2, br2, att2, b2):
  loop = jnp.arange(N, dtype=edge_index.dtype)
  spad = jnp.zeros((EP - EDGES,), dtype=edge_index.dtype)
  dpad = jnp.full((EP - EDGES,), N, dtype=edge_index.dtype)
  srcp = jnp.concatenate([edge_index[0], loop, spad])
  dstp = jnp.concatenate([edge_index[1], loop, dpad])
  dst0 = jnp.where(dstp < NHALF, dstp, NHALF)
  dst1 = jnp.where(dstp >= NHALF, dstp - NHALF, NHALF)
  dst4 = jnp.stack([dst0, dst1]).reshape(NC, NS, CPS, 1, CH)
  zrows = jnp.zeros((RPT, FP), jnp.float32)

  f_i = jnp.arange(FP, dtype=jnp.int32)
  h16 = jnp.arange(16, dtype=jnp.int32)
  bmat = ((h16[:, None] == f_i[None, :] // C)
          & (f_i[None, :] < F)).astype(jnp.float32)
  emat = ((f_i[None, :] == F + h16[:, None])
          & (h16[:, None] < H)).astype(jnp.float32)
  sel = ((f_i[:, None] == F + f_i[None, :] // C)
         & (f_i[None, :] < F)).astype(jnp.float32)

  h = x
  for (Wl, Wr, bl, br, att, b) in (
      (Wl0, Wr0, bl0, br0, att0, b0),
      (Wl1, Wr1, bl1, br1, att1, b1),
      (Wl2, Wr2, bl2, br2, att2, b2),
  ):
    d_in = h.shape[1]
    Wlp = jnp.pad(Wl, ((0, d_in - Wl.shape[0]), (0, FP - F)))
    Wrp = jnp.pad(Wr, ((0, d_in - Wr.shape[0]), (0, FP - F)))
    blp = jnp.pad(bl, (0, FP - F)).reshape(1, FP)
    brp = jnp.pad(br, (0, FP - F)).reshape(1, FP)
    bp = jnp.pad(b, (0, FP - F)).reshape(1, FP)
    a16 = jnp.pad(att.reshape(F), (0, FP - F))[:, None] * (
        (f_i[:, None] // C == h16[None, :]).astype(jnp.float32))
    xl, xr = _proj(h, Wlp, Wrp, blp, brp)
    xj, xi = _sc_gather(xl, xr, srcp, dstp)
    q = _edge(xj, xi, a16, bmat, emat)
    acc = _sc_scatter(q, dst4, zrows)
    h = _norm(acc.reshape(NC * NACC, FP), bp, sel)
  return h[:, :F]

# --- scband reference (transcript-rebuilt; emitter-appended) ---
"""Pipeline reference for scband-gat-89842125897777 (READ-ONLY COPY).

The authoritative reference and input builder live on the scoring server;
editing this copy changes nothing except your own understanding.
"""

import jax, jax.numpy as jnp
import numpy as np

N = 10000
E = 320000
F_IN = 128
H = 8
C = 10
NEG = 0.2
DIMS = [F_IN, H * C, H * C]


def setup_inputs(seed: int = 0):
    key = jax.random.key(seed)
    inp = {}
    k, key = jax.random.split(key)
    inp["x"] = jax.random.normal(k, (N, F_IN), dtype=jnp.float32)
    k, key = jax.random.split(key)
    inp["edge_index"] = jax.random.randint(k, (2, E), 0, N, dtype=jnp.int32)
    for l in range(3):
        d_in = DIMS[l]
        scale = 1.0 / np.sqrt(d_in)
        k, key = jax.random.split(key)
        inp[f"Wl{l}"] = jax.random.normal(k, (d_in, H * C), dtype=jnp.float32) * scale
        k, key = jax.random.split(key)
        inp[f"Wr{l}"] = jax.random.normal(k, (d_in, H * C), dtype=jnp.float32) * scale
        inp[f"bl{l}"] = jnp.zeros((H * C,), dtype=jnp.float32)
        inp[f"br{l}"] = jnp.zeros((H * C,), dtype=jnp.float32)
        k, key = jax.random.split(key)
        inp[f"att{l}"] = jax.random.normal(k, (H, C), dtype=jnp.float32) * (1.0 / np.sqrt(C))
        inp[f"b{l}"] = jnp.zeros((H * C,), dtype=jnp.float32)
    return inp


def _gatv2_layer(x, src, dst, Wl, Wr, bl, br, att, b):
    # Faithful GATv2Conv (PyG semantics, eval mode so dropout is identity):
    # x_l = lin_l(x), x_r = lin_r(x); message j->i uses e = att . leaky_relu(x_l[j] + x_r[i])
    # alpha = softmax over incoming edges of node i; out_i = sum_j alpha_ij * x_l[j]; concat heads + bias.
    n = x.shape[0]
    xl = (x @ Wl + bl).reshape(n, H, C)
    xr = (x @ Wr + br).reshape(n, H, C)
    xj = xl[src]  # [E', H, C] gather
    xi = xr[dst]  # [E', H, C] gather
    e = jax.nn.leaky_relu(xj + xi, NEG)
    logits = jnp.sum(e * att[None, :, :], axis=-1)  # [E', H]
    m = jax.lax.stop_gradient(jax.ops.segment_max(logits, dst, num_segments=n))
    ex = jnp.exp(logits - m[dst])
    s = jax.ops.segment_sum(ex, dst, num_segments=n)
    alpha = ex / (s[dst] + 1e-16)
    out = jax.ops.segment_sum(xj * alpha[:, :, None], dst, num_segments=n)  # [N, H, C] scatter-add
    return out.reshape(n, H * C) + b


def reference(x, edge_index, Wl0, Wr0, bl0, br0, att0, b0, Wl1, Wr1, bl1, br1, att1, b1, Wl2, Wr2, bl2, br2, att2, b2):
    # GATv2Conv has add_self_loops=True; adding once up front is equivalent for all layers.
    loop = jnp.arange(N, dtype=edge_index.dtype)
    src = jnp.concatenate([edge_index[0], loop])
    dst = jnp.concatenate([edge_index[1], loop])
    layers = [(Wl0, Wr0, bl0, br0, att0, b0),
              (Wl1, Wr1, bl1, br1, att1, b1),
              (Wl2, Wr2, bl2, br2, att2, b2)]
    h = x
    for (Wl, Wr, bl, br, att, b) in layers:
        h = jax.nn.elu(_gatv2_layer(h, src, dst, Wl, Wr, bl, br, att, b))
    return h

if __name__ == "__main__":
    import jax
    _d = setup_inputs()
    print(jax.jit(kernel)(*tuple(_d.values())))

</pallas_src>

<mosaic_0001>
#map = affine_map<(d0, d1) -> (0, 0)>
#map1 = affine_map<(d0, d1) -> (0)>
module attributes {stable_mosaic.version = 14 : i64} {
  func.func @_gather_body(%arg0: i32, %arg1: i32, %arg2: memref<10000x128xf32, #tpu.memory_space<hbm>>, %arg3: memref<10000x128xf32, #tpu.memory_space<hbm>>, %arg4: memref<335872xi32, #tpu.memory_space<hbm>>, %arg5: memref<335872xi32, #tpu.memory_space<hbm>>, %arg6: memref<335872x128xf32, #tpu.memory_space<hbm>>, %arg7: memref<335872x128xf32, #tpu.memory_space<hbm>>, %arg8: memref<10496xi32, #tpu.memory_space<vmem>>, %arg9: memref<10496xi32, #tpu.memory_space<vmem>>, %arg10: memref<128x128xf32, #tpu.memory_space<vmem>>, %arg11: memref<128x128xf32, #tpu.memory_space<vmem>>, %arg12: memref<128x128xf32, #tpu.memory_space<vmem>>, %arg13: memref<128x128xf32, #tpu.memory_space<vmem>>, %arg14: memref<!tpu.dma_semaphore, #tpu.memory_space<semaphore_mem>>, %arg15: memref<!tpu.dma_semaphore, #tpu.memory_space<semaphore_mem>>, %arg16: memref<!tpu.dma_semaphore, #tpu.memory_space<semaphore_mem>>, %arg17: memref<!tpu.dma_semaphore, #tpu.memory_space<semaphore_mem>>) attributes {dimension_semantics = [#tpu.dimension_semantics<core_parallel>, #tpu.dimension_semantics<subcore_parallel>], iteration_bounds = array<i64: 2, 16>, scalar_prefetch = 0 : i64, scratch_operands = 10 : i64, tpu.core_type = #tpu.core_type<sc_vector_subcore>, window_params = [{transform_indices = #map}, {transform_indices = #map}, {transform_indices = #map1}, {transform_indices = #map1}, {transform_indices = #map}, {transform_indices = #map}]} {
    %mul3A = arith.constant 2 : i32
    %mul3A_0 = arith.muli %arg1, %mul3A : i32
    %add3A = arith.addi %mul3A_0, %arg0 : i32
    %mul3A_1 = arith.constant 10496 : i32
    %mul3A_2 = arith.muli %add3A, %mul3A_1 : i32
    "tpu.region"() ({
      %run_scoped3A = tpu.sem_alloc : memref<!tpu.dma_semaphore, #tpu.memory_space<semaphore_mem>>
      %dma_start3A_17 = tpu.memref_slice %arg4[%mul3A_2] : memref<335872xi32, #tpu.memory_space<hbm>> -> memref<10496xi32, #tpu.memory_space<hbm>>
      %dma_start3A_18 = tpu.memref_slice %arg4[%mul3A_2] : memref<335872xi32, #tpu.memory_space<hbm>> -> memref<10496xi32, #tpu.memory_space<hbm>>
      tpu.enqueue_dma source(%dma_start3A_18 : memref<10496xi32, #tpu.memory_space<hbm>>) target(%arg8 : memref<10496xi32, #tpu.memory_space<vmem>>) target_semaphore(%run_scoped3A : memref<!tpu.dma_semaphore, #tpu.memory_space<semaphore_mem>>)
      %dma_wait3A = tpu.memref_slice %arg4[%mul3A_2] : memref<335872xi32, #tpu.memory_space<hbm>> -> memref<10496xi32, #tpu.memory_space<hbm>>
      %dma_wait3A_19 = tpu.memref_slice %arg4[%mul3A_2] : memref<335872xi32, #tpu.memory_space<hbm>> -> memref<10496xi32, #tpu.memory_space<hbm>>
      tpu.wait_dma2 semaphore(%run_scoped3A : memref<!tpu.dma_semaphore, #tpu.memory_space<semaphore_mem>>) src(%dma_wait3A_19 : memref<10496xi32, #tpu.memory_space<hbm>>) dst(%arg8 : memref<10496xi32, #tpu.memory_space<vmem>>)
      tpu.yield
    }) : () -> ()
    "tpu.region"() ({
      %run_scoped3A = tpu.sem_alloc : memref<!tpu.dma_semaphore, #tpu.memory_space<semaphore_mem>>
      %dma_start3A_17 = tpu.memref_slice %arg5[%mul3A_2] : memref<335872xi32, #tpu.memory_space<hbm>> -> memref<10496xi32, #tpu.memory_space<hbm>>
      %dma_start3A_18 = tpu.memref_slice %arg5[%mul3A_2] : memref<335872xi32, #tpu.memory_space<hbm>> -> memref<10496xi32, #tpu.memory_space<hbm>>
      tpu.enqueue_dma source(%dma_start3A_18 : memref<10496xi32, #tpu.memory_space<hbm>>) target(%arg9 : memref<10496xi32, #tpu.memory_space<vmem>>) target_semaphore(%run_scoped3A : memref<!tpu.dma_semaphore, #tpu.memory_space<semaphore_mem>>)
      %dma_wait3A = tpu.memref_slice %arg5[%mul3A_2] : memref<335872xi32, #tpu.memory_space<hbm>> -> memref<10496xi32, #tpu.memory_space<hbm>>
      %dma_wait3A_19 = tpu.memref_slice %arg5[%mul3A_2] : memref<335872xi32, #tpu.memory_space<hbm>> -> memref<10496xi32, #tpu.memory_space<hbm>>
      tpu.wait_dma2 semaphore(%run_scoped3A : memref<!tpu.dma_semaphore, #tpu.memory_space<semaphore_mem>>) src(%dma_wait3A_19 : memref<10496xi32, #tpu.memory_space<hbm>>) dst(%arg9 : memref<10496xi32, #tpu.memory_space<vmem>>)
      tpu.yield
    }) : () -> ()
    %dma_start3A = arith.constant 0 : i32
    %dma_start3A_3 = tpu.memref_slice %arg8[%dma_start3A] : memref<10496xi32, #tpu.memory_space<vmem>> -> memref<128xi32, #tpu.memory_space<vmem>>
    %dma_start3A_4 = arith.constant 0 : i32
    %dma_start3A_5 = arith.constant 0 : i32
    %dma_start3A_6 = tpu.memref_slice %arg2[%dma_start3A_4, %dma_start3A_5] : memref<10000x128xf32, #tpu.memory_space<hbm>> -> memref<10000x128xf32, #tpu.memory_space<hbm>>
    tpu.enqueue_indirect_dma source(%dma_start3A_6 : memref<10000x128xf32, #tpu.memory_space<hbm>>) target(%arg10 : memref<128x128xf32, #tpu.memory_space<vmem>>) offsets(%dma_start3A_3 : memref<128xi32, #tpu.memory_space<vmem>>) semaphore(%arg14 : memref<!tpu.dma_semaphore, #tpu.memory_space<semaphore_mem>>)
    %dma_start3A_7 = arith.constant 0 : i32
    %dma_start3A_8 = tpu.memref_slice %arg9[%dma_start3A_7] : memref<10496xi32, #tpu.memory_space<vmem>> -> memref<128xi32, #tpu.memory_space<vmem>>
    %dma_start3A_9 = arith.constant 0 : i32
    %dma_start3A_10 = arith.constant 0 : i32
    %dma_start3A_11 = tpu.memref_slice %arg3[%dma_start3A_9, %dma_start3A_10] : memref<10000x128xf32, #tpu.memory_space<hbm>> -> memref<10000x128xf32, #tpu.memory_space<hbm>>
    tpu.enqueue_indirect_dma source(%dma_start3A_11 : memref<10000x128xf32, #tpu.memory_space<hbm>>) target(%arg12 : memref<128x128xf32, #tpu.memory_space<vmem>>) offsets(%dma_start3A_8 : memref<128xi32, #tpu.memory_space<vmem>>) semaphore(%arg16 : memref<!tpu.dma_semaphore, #tpu.memory_space<semaphore_mem>>)
    %scan3A = arith.constant 0 : i32
    %scan3A_12 = arith.constant 0 : i32
    %scan3A_13 = arith.constant 41 : i32
    %scan3A_14 = arith.addi %scan3A_12, %scan3A_13 : i32
    %scan3A_15 = arith.constant 1 : i32
    scf.for %scan3A_17 = %scan3A_12 to %scan3A_14 step %scan3A_15  : i32 {
      %mul3A_18 = arith.constant 2 : i32
      %mul3A_19 = arith.muli %mul3A_18, %scan3A_17 : i32
      %add3A_20 = arith.constant 1 : i32
      %add3A_21 = arith.addi %mul3A_19, %add3A_20 : i32
      %mul3A_22 = arith.constant 128 : i32
      %mul3A_23 = arith.muli %add3A_21, %mul3A_22 : i32
      %dma_start3A_24 = tpu.memref_slice %arg8[%mul3A_23] : memref<10496xi32, #tpu.memory_space<vmem>> -> memref<128xi32, #tpu.memory_space<vmem>>
      %dma_start3A_25 = arith.constant 0 : i32
      %dma_start3A_26 = arith.constant 0 : i32
      %dma_start3A_27 = tpu.memref_slice %arg2[%dma_start3A_25, %dma_start3A_26] : memref<10000x128xf32, #tpu.memory_space<hbm>> -> memref<10000x128xf32, #tpu.memory_space<hbm>>
      tpu.enqueue_indirect_dma source(%dma_start3A_27 : memref<10000x128xf32, #tpu.memory_space<hbm>>) target(%arg11 : memref<128x128xf32, #tpu.memory_space<vmem>>) offsets(%dma_start3A_24 : memref<128xi32, #tpu.memory_space<vmem>>) semaphore(%arg15 : memref<!tpu.dma_semaphore, #tpu.memory_space<semaphore_mem>>)
      %mul3A_28 = arith.constant 128 : i32
      %mul3A_29 = arith.muli %add3A_21, %mul3A_28 : i32
      %dma_start3A_30 = tpu.memref_slice %arg9[%mul3A_29] : memref<10496xi32, #tpu.memory_space<vmem>> -> memref<128xi32, #tpu.memory_space<vmem>>
      %dma_start3A_31 = arith.constant 0 : i32
      %dma_start3A_32 = arith.constant 0 : i32
      %dma_start3A_33 = tpu.memref_slice %arg3[%dma_start3A_31, %dma_start3A_32] : memref<10000x128xf32, #tpu.memory_space<hbm>> -> memref<10000x128xf32, #tpu.memory_space<hbm>>
      tpu.enqueue_indirect_dma source(%dma_start3A_33 : memref<10000x128xf32, #tpu.memory_space<hbm>>) target(%arg13 : memref<128x128xf32, #tpu.memory_space<vmem>>) offsets(%dma_start3A_30 : memref<128xi32, #tpu.memory_space<vmem>>) semaphore(%arg17 : memref<!tpu.dma_semaphore, #tpu.memory_space<semaphore_mem>>)
      %mul3A_34 = arith.constant 128 : i32
      %mul3A_35 = arith.muli %mul3A_19, %mul3A_34 : i32
      %dma_wait3A = tpu.memref_slice %arg8[%mul3A_35] : memref<10496xi32, #tpu.memory_space<vmem>> -> memref<128xi32, #tpu.memory_space<vmem>>
      %dma_wait3A_36 = arith.constant 0 : i32
      %dma_wait3A_37 = arith.constant 0 : i32
      %dma_wait3A_38 = tpu.memref_slice %arg2[%dma_wait3A_36, %dma_wait3A_37] : memref<10000x128xf32, #tpu.memory_space<hbm>> -> memref<10000x128xf32, #tpu.memory_space<hbm>>
      tpu.wait_indirect_dma semaphore(%arg14 : memref<!tpu.dma_semaphore, #tpu.memory_space<semaphore_mem>>) src(%dma_wait3A_38 : memref<10000x128xf32, #tpu.memory_space<hbm>>) dst(%arg10 : memref<128x128xf32, #tpu.memory_space<vmem>>)
      %mul3A_39 = arith.constant 128 : i32
      %mul3A_40 = arith.muli %mul3A_19, %mul3A_39 : i32
      %add3A_41 = arith.addi %mul3A_2, %mul3A_40 : i32
      "tpu.region"() ({
        %run_scoped3A = tpu.sem_alloc : memref<!tpu.dma_semaphore, #tpu.memory_space<semaphore_mem>>
        %dma_start3A_75 = arith.constant 0 : i32
        %dma_start3A_76 = tpu.memref_slice %arg6[%add3A_41, %dma_start3A_75] : memref<335872x128xf32, #tpu.memory_space<hbm>> -> memref<128x128xf32, #tpu.memory_space<hbm>>
        %dma_start3A_77 = arith.constant 0 : i32
        %dma_start3A_78 = tpu.memref_slice %arg6[%add3A_41, %dma_start3A_77] : memref<335872x128xf32, #tpu.memory_space<hbm>> -> memref<128x128xf32, #tpu.memory_space<hbm>>
        tpu.enqueue_dma source(%arg10 : memref<128x128xf32, #tpu.memory_space<vmem>>) target(%dma_start3A_78 : memref<128x128xf32, #tpu.memory_space<hbm>>) target_semaphore(%run_scoped3A : memref<!tpu.dma_semaphore, #tpu.memory_space<semaphore_mem>>)
        %dma_wait3A_79 = arith.constant 0 : i32
        %dma_wait3A_80 = tpu.memref_slice %arg6[%add3A_41, %dma_wait3A_79] : memref<335872x128xf32, #tpu.memory_space<hbm>> -> memref<128x128xf32, #tpu.memory_space<hbm>>
        %dma_wait3A_81 = arith.constant 0 : i32
        %dma_wait3A_82 = tpu.memref_slice %arg6[%add3A_41, %dma_wait3A_81] : memref<335872x128xf32, #tpu.memory_space<hbm>> -> memref<128x128xf32, #tpu.memory_space<hbm>>
        tpu.wait_dma2 semaphore(%run_scoped3A : memref<!tpu.dma_semaphore, #tpu.memory_space<semaphore_mem>>) src(%arg10 : memref<128x128xf32, #tpu.memory_space<vmem>>) dst(%dma_wait3A_82 : memref<128x128xf32, #tpu.memory_space<hbm>>)
        tpu.yield
      }) : () -> ()
      %mul3A_42 = arith.constant 128 : i32
      %mul3A_43 = arith.muli %mul3A_19, %mul3A_42 : i32
      %dma_wait3A_44 = tpu.memref_slice %arg9[%mul3A_43] : memref<10496xi32, #tpu.memory_space<vmem>> -> memref<128xi32, #tpu.memory_space<vmem>>
      %dma_wait3A_45 = arith.constant 0 : i32
      %dma_wait3A_46 = arith.constant 0 : i32
      %dma_wait3A_47 = tpu.memref_slice %arg3[%dma_wait3A_45, %dma_wait3A_46] : memref<10000x128xf32, #tpu.memory_space<hbm>> -> memref<10000x128xf32, #tpu.memory_space<hbm>>
      tpu.wait_indirect_dma semaphore(%arg16 : memref<!tpu.dma_semaphore, #tpu.memory_space<semaphore_mem>>) src(%dma_wait3A_47 : memref<10000x128xf32, #tpu.memory_space<hbm>>) dst(%arg12 : memref<128x128xf32, #tpu.memory_space<vmem>>)
      %mul3A_48 = arith.constant 128 : i32
      %mul3A_49 = arith.muli %mul3A_19, %mul3A_48 : i32
      %add3A_50 = arith.addi %mul3A_2, %mul3A_49 : i32
      "tpu.region"() ({
        %run_scoped3A = tpu.sem_alloc : memref<!tpu.dma_semaphore, #tpu.memory_space<semaphore_mem>>
        %dma_start3A_75 = arith.constant 0 : i32
        %dma_start3A_76 = tpu.memref_slice %arg7[%add3A_50, %dma_start3A_75] : memref<335872x128xf32, #tpu.memory_space<hbm>> -> memref<128x128xf32, #tpu.memory_space<hbm>>
        %dma_start3A_77 = arith.constant 0 : i32
        %dma_start3A_78 = tpu.memref_slice %arg7[%add3A_50, %dma_start3A_77] : memref<335872x128xf32, #tpu.memory_space<hbm>> -> memref<128x128xf32, #tpu.memory_space<hbm>>
        tpu.enqueue_dma source(%arg12 : memref<128x128xf32, #tpu.memory_space<vmem>>) target(%dma_start3A_78 : memref<128x128xf32, #tpu.memory_space<hbm>>) target_semaphore(%run_scoped3A : memref<!tpu.dma_semaphore, #tpu.memory_space<semaphore_mem>>)
        %dma_wait3A_79 = arith.constant 0 : i32
        %dma_wait3A_80 = tpu.memref_slice %arg7[%add3A_50, %dma_wait3A_79] : memref<335872x128xf32, #tpu.memory_space<hbm>> -> memref<128x128xf32, #tpu.memory_space<hbm>>
        %dma_wait3A_81 = arith.constant 0 : i32
        %dma_wait3A_82 = tpu.memref_slice %arg7[%add3A_50, %dma_wait3A_81] : memref<335872x128xf32, #tpu.memory_space<hbm>> -> memref<128x128xf32, #tpu.memory_space<hbm>>
        tpu.wait_dma2 semaphore(%run_scoped3A : memref<!tpu.dma_semaphore, #tpu.memory_space<semaphore_mem>>) src(%arg12 : memref<128x128xf32, #tpu.memory_space<vmem>>) dst(%dma_wait3A_82 : memref<128x128xf32, #tpu.memory_space<hbm>>)
        tpu.yield
      }) : () -> ()
      %add3A_51 = arith.constant 1 : i32
      %add3A_52 = arith.addi %scan3A_17, %add3A_51 : i32
      %lt3A = arith.constant 41 : i32
      %lt3A_53 = arith.cmpi slt, %add3A_52, %lt3A : i32
      %convert_element_type3A = arith.extui %lt3A_53 : i1 to i32
      %cond3A = arith.constant 0 : i32
      %cond3A_54 = arith.cmpi ne, %convert_element_type3A, %cond3A : i32
      scf.if %cond3A_54 {
        %add3A_75 = arith.constant 2 : i32
        %add3A_76 = arith.addi %mul3A_19, %add3A_75 : i32
        %mul3A_77 = arith.constant 128 : i32
        %mul3A_78 = arith.muli %add3A_76, %mul3A_77 : i32
        %dma_start3A_79 = tpu.memref_slice %arg8[%mul3A_78] : memref<10496xi32, #tpu.memory_space<vmem>> -> memref<128xi32, #tpu.memory_space<vmem>>
        %dma_start3A_80 = arith.constant 0 : i32
        %dma_start3A_81 = arith.constant 0 : i32
        %dma_start3A_82 = tpu.memref_slice %arg2[%dma_start3A_80, %dma_start3A_81] : memref<10000x128xf32, #tpu.memory_space<hbm>> -> memref<10000x128xf32, #tpu.memory_space<hbm>>
        tpu.enqueue_indirect_dma source(%dma_start3A_82 : memref<10000x128xf32, #tpu.memory_space<hbm>>) target(%arg10 : memref<128x128xf32, #tpu.memory_space<vmem>>) offsets(%dma_start3A_79 : memref<128xi32, #tpu.memory_space<vmem>>) semaphore(%arg14 : memref<!tpu.dma_semaphore, #tpu.memory_space<semaphore_mem>>)
        %mul3A_83 = arith.constant 128 : i32
        %mul3A_84 = arith.muli %add3A_76, %mul3A_83 : i32
        %dma_start3A_85 = tpu.memref_slice %arg9[%mul3A_84] : memref<10496xi32, #tpu.memory_space<vmem>> -> memref<128xi32, #tpu.memory_space<vmem>>
        %dma_start3A_86 = arith.constant 0 : i32
        %dma_start3A_87 = arith.constant 0 : i32
        %dma_start3A_88 = tpu.memref_slice %arg3[%dma_start3A_86, %dma_start3A_87] : memref<10000x128xf32, #tpu.memory_space<hbm>> -> memref<10000x128xf32, #tpu.memory_space<hbm>>
        tpu.enqueue_indirect_dma source(%dma_start3A_88 : memref<10000x128xf32, #tpu.memory_space<hbm>>) target(%arg12 : memref<128x128xf32, #tpu.memory_space<vmem>>) offsets(%dma_start3A_85 : memref<128xi32, #tpu.memory_space<vmem>>) semaphore(%arg16 : memref<!tpu.dma_semaphore, #tpu.memory_space<semaphore_mem>>)
      } else {
      }
      %add3A_55 = arith.constant 1 : i32
      %add3A_56 = arith.addi %mul3A_19, %add3A_55 : i32
      %mul3A_57 = arith.constant 128 : i32
      %mul3A_58 = arith.muli %add3A_56, %mul3A_57 : i32
      %dma_wait3A_59 = tpu.memref_slice %arg8[%mul3A_58] : memref<10496xi32, #tpu.memory_space<vmem>> -> memref<128xi32, #tpu.memory_space<vmem>>
      %dma_wait3A_60 = arith.constant 0 : i32
      %dma_wait3A_61 = arith.constant 0 : i32
      %dma_wait3A_62 = tpu.memref_slice %arg2[%dma_wait3A_60, %dma_wait3A_61] : memref<10000x128xf32, #tpu.memory_space<hbm>> -> memref<10000x128xf32, #tpu.memory_space<hbm>>
      tpu.wait_indirect_dma semaphore(%arg15 : memref<!tpu.dma_semaphore, #tpu.memory_space<semaphore_mem>>) src(%dma_wait3A_62 : memref<10000x128xf32, #tpu.memory_space<hbm>>) dst(%arg11 : memref<128x128xf32, #tpu.memory_space<vmem>>)
      %mul3A_63 = arith.constant 128 : i32
      %mul3A_64 = arith.muli %add3A_56, %mul3A_63 : i32
      %add3A_65 = arith.addi %mul3A_2, %mul3A_64 : i32
      "tpu.region"() ({
        %run_scoped3A = tpu.sem_alloc : memref<!tpu.dma_semaphore, #tpu.memory_space<semaphore_mem>>
        %dma_start3A_75 = arith.constant 0 : i32
        %dma_start3A_76 = tpu.memref_slice %arg6[%add3A_65, %dma_start3A_75] : memref<335872x128xf32, #tpu.memory_space<hbm>> -> memref<128x128xf32, #tpu.memory_space<hbm>>
        %dma_start3A_77 = arith.constant 0 : i32
        %dma_start3A_78 = tpu.memref_slice %arg6[%add3A_65, %dma_start3A_77] : memref<335872x128xf32, #tpu.memory_space<hbm>> -> memref<128x128xf32, #tpu.memory_space<hbm>>
        tpu.enqueue_dma source(%arg11 : memref<128x128xf32, #tpu.memory_space<vmem>>) target(%dma_start3A_78 : memref<128x128xf32, #tpu.memory_space<hbm>>) target_semaphore(%run_scoped3A : memref<!tpu.dma_semaphore, #tpu.memory_space<semaphore_mem>>)
        %dma_wait3A_79 = arith.constant 0 : i32
        %dma_wait3A_80 = tpu.memref_slice %arg6[%add3A_65, %dma_wait3A_79] : memref<335872x128xf32, #tpu.memory_space<hbm>> -> memref<128x128xf32, #tpu.memory_space<hbm>>
        %dma_wait3A_81 = arith.constant 0 : i32
        %dma_wait3A_82 = tpu.memref_slice %arg6[%add3A_65, %dma_wait3A_81] : memref<335872x128xf32, #tpu.memory_space<hbm>> -> memref<128x128xf32, #tpu.memory_space<hbm>>
        tpu.wait_dma2 semaphore(%run_scoped3A : memref<!tpu.dma_semaphore, #tpu.memory_space<semaphore_mem>>) src(%arg11 : memref<128x128xf32, #tpu.memory_space<vmem>>) dst(%dma_wait3A_82 : memref<128x128xf32, #tpu.memory_space<hbm>>)
        tpu.yield
      }) : () -> ()
      %mul3A_66 = arith.constant 128 : i32
      %mul3A_67 = arith.muli %add3A_56, %mul3A_66 : i32
      %dma_wait3A_68 = tpu.memref_slice %arg9[%mul3A_67] : memref<10496xi32, #tpu.memory_space<vmem>> -> memref<128xi32, #tpu.memory_space<vmem>>
      %dma_wait3A_69 = arith.constant 0 : i32
      %dma_wait3A_70 = arith.constant 0 : i32
      %dma_wait3A_71 = tpu.memref_slice %arg3[%dma_wait3A_69, %dma_wait3A_70] : memref<10000x128xf32, #tpu.memory_space<hbm>> -> memref<10000x128xf32, #tpu.memory_space<hbm>>
      tpu.wait_indirect_dma semaphore(%arg17 : memref<!tpu.dma_semaphore, #tpu.memory_space<semaphore_mem>>) src(%dma_wait3A_71 : memref<10000x128xf32, #tpu.memory_space<hbm>>) dst(%arg13 : memref<128x128xf32, #tpu.memory_space<vmem>>)
      %mul3A_72 = arith.constant 128 : i32
      %mul3A_73 = arith.muli %add3A_56, %mul3A_72 : i32
      %add3A_74 = arith.addi %mul3A_2, %mul3A_73 : i32
      "tpu.region"() ({
        %run_scoped3A = tpu.sem_alloc : memref<!tpu.dma_semaphore, #tpu.memory_space<semaphore_mem>>
        %dma_start3A_75 = arith.constant 0 : i32
        %dma_start3A_76 = tpu.memref_slice %arg7[%add3A_74, %dma_start3A_75] : memref<335872x128xf32, #tpu.memory_space<hbm>> -> memref<128x128xf32, #tpu.memory_space<hbm>>
        %dma_start3A_77 = arith.constant 0 : i32
        %dma_start3A_78 = tpu.memref_slice %arg7[%add3A_74, %dma_start3A_77] : memref<335872x128xf32, #tpu.memory_space<hbm>> -> memref<128x128xf32, #tpu.memory_space<hbm>>
        tpu.enqueue_dma source(%arg13 : memref<128x128xf32, #tpu.memory_space<vmem>>) target(%dma_start3A_78 : memref<128x128xf32, #tpu.memory_space<hbm>>) target_semaphore(%run_scoped3A : memref<!tpu.dma_semaphore, #tpu.memory_space<semaphore_mem>>)
        %dma_wait3A_79 = arith.constant 0 : i32
        %dma_wait3A_80 = tpu.memref_slice %arg7[%add3A_74, %dma_wait3A_79] : memref<335872x128xf32, #tpu.memory_space<hbm>> -> memref<128x128xf32, #tpu.memory_space<hbm>>
        %dma_wait3A_81 = arith.constant 0 : i32
        %dma_wait3A_82 = tpu.memref_slice %arg7[%add3A_74, %dma_wait3A_81] : memref<335872x128xf32, #tpu.memory_space<hbm>> -> memref<128x128xf32, #tpu.memory_space<hbm>>
        tpu.wait_dma2 semaphore(%run_scoped3A : memref<!tpu.dma_semaphore, #tpu.memory_space<semaphore_mem>>) src(%arg13 : memref<128x128xf32, #tpu.memory_space<vmem>>) dst(%dma_wait3A_82 : memref<128x128xf32, #tpu.memory_space<hbm>>)
        tpu.yield
      }) : () -> ()
    }
    %scan3A_16 = arith.constant 41 : i32
    return
  }
}

#map = affine_map<(d0, d1) -> (0, 0)>
#map1 = affine_map<(d0, d1) -> (0, 0, 0, 0, 0)>
#map2 = affine_map<(d0, d1) -> (0, 0, 0)>
module attributes {stable_mosaic.version = 14 : i64} {
  func.func @_scatter_body(%arg0: i32, %arg1: i32, %arg2: memref<335872x128xf32, #tpu.memory_space<hbm>>, %arg3: memref<2x16x164x1x128xi32, #tpu.memory_space<hbm>>, %arg4: memref<400x128xf32, #tpu.memory_space<hbm>>, %arg5: memref<2x6400x128xf32, #tpu.memory_space<hbm>>, %arg6: memref<164x1x128xi32, #tpu.memory_space<vmem>>, %arg7: memref<128x128xf32, #tpu.memory_space<vmem>>, %arg8: memref<128x128xf32, #tpu.memory_space<vmem>>, %arg9: memref<6400x128xf32, #tpu.memory_space<vmem_shared>>, %arg10: memref<!tpu.dma_semaphore, #tpu.memory_space<semaphore_mem>>, %arg11: memref<!tpu.dma_semaphore, #tpu.memory_space<semaphore_mem>>) attributes {dimension_semantics = [#tpu.dimension_semantics<core_parallel>, #tpu.dimension_semantics<subcore_parallel>], iteration_bounds = array<i64: 2, 16>, scalar_prefetch = 0 : i64, scratch_operands = 6 : i64, tpu.core_type = #tpu.core_type<sc_vector_subcore>, window_params = [{transform_indices = #map}, {transform_indices = #map1}, {transform_indices = #map}, {transform_indices = #map2}]} {
    %mul3A = arith.constant 20992 : i32
    %mul3A_0 = arith.muli %arg1, %mul3A : i32
    %mul3A_1 = arith.constant 400 : i32
    %mul3A_2 = arith.muli %arg1, %mul3A_1 : i32
    "tpu.region"() ({
      %run_scoped3A = tpu.sem_alloc : memref<!tpu.dma_semaphore, #tpu.memory_space<semaphore_mem>>
      %dma_start3A_13 = arith.constant 0 : i32
      %dma_start3A_14 = tpu.memref_slice %arg9[%mul3A_2, %dma_start3A_13] : memref<6400x128xf32, #tpu.memory_space<vmem_shared>> -> memref<400x128xf32, #tpu.memory_space<vmem_shared>>
      tpu.enqueue_dma source(%arg4 : memref<400x128xf32, #tpu.memory_space<hbm>>) target(%dma_start3A_14 : memref<400x128xf32, #tpu.memory_space<vmem_shared>>) target_semaphore(%run_scoped3A : memref<!tpu.dma_semaphore, #tpu.memory_space<semaphore_mem>>)
      %dma_wait3A = arith.constant 0 : i32
      %dma_wait3A_15 = tpu.memref_slice %arg9[%mul3A_2, %dma_wait3A] : memref<6400x128xf32, #tpu.memory_space<vmem_shared>> -> memref<400x128xf32, #tpu.memory_space<vmem_shared>>
      tpu.wait_dma2 semaphore(%run_scoped3A : memref<!tpu.dma_semaphore, #tpu.memory_space<semaphore_mem>>) src(%arg4 : memref<400x128xf32, #tpu.memory_space<hbm>>) dst(%dma_wait3A_15 : memref<400x128xf32, #tpu.memory_space<vmem_shared>>)
      tpu.yield
    }) : () -> ()
    %barrier3A = arith.constant 0 : index
    tpu.barrier barrier_id(%barrier3A)
    "tpu.region"() ({
      %run_scoped3A = tpu.sem_alloc : memref<!tpu.dma_semaphore, #tpu.memory_space<semaphore_mem>>
      %dma_start3A_13 = arith.constant 0 : i32
      %dma_start3A_14 = arith.constant 0 : i32
      %dma_start3A_15 = arith.constant 0 : i32
      %dma_start3A_16 = tpu.memref_slice %arg3[%arg0, %arg1, %dma_start3A_13, %dma_start3A_14, %dma_start3A_15] : memref<2x16x164x1x128xi32, #tpu.memory_space<hbm>> -> memref<1x1x164x1x128xi32, #tpu.memory_space<hbm>>
      %dma_start3A_17 = tpu.memref_squeeze %dma_start3A_16 : memref<1x1x164x1x128xi32, #tpu.memory_space<hbm>> -> memref<164x1x128xi32, #tpu.memory_space<hbm>>
      %dma_start3A_18 = arith.constant 0 : i32
      %dma_start3A_19 = arith.constant 0 : i32
      %dma_start3A_20 = arith.constant 0 : i32
      %dma_start3A_21 = tpu.memref_slice %arg3[%arg0, %arg1, %dma_start3A_18, %dma_start3A_19, %dma_start3A_20] : memref<2x16x164x1x128xi32, #tpu.memory_space<hbm>> -> memref<1x1x164x1x128xi32, #tpu.memory_space<hbm>>
      %dma_start3A_22 = tpu.memref_squeeze %dma_start3A_21 : memref<1x1x164x1x128xi32, #tpu.memory_space<hbm>> -> memref<164x1x128xi32, #tpu.memory_space<hbm>>
      tpu.enqueue_dma source(%dma_start3A_22 : memref<164x1x128xi32, #tpu.memory_space<hbm>>) target(%arg6 : memref<164x1x128xi32, #tpu.memory_space<vmem>>) target_semaphore(%run_scoped3A : memref<!tpu.dma_semaphore, #tpu.memory_space<semaphore_mem>>)
      %dma_wait3A = arith.constant 0 : i32
      %dma_wait3A_23 = arith.constant 0 : i32
      %dma_wait3A_24 = arith.constant 0 : i32
      %dma_wait3A_25 = tpu.memref_slice %arg3[%arg0, %arg1, %dma_wait3A, %dma_wait3A_23, %dma_wait3A_24] : memref<2x16x164x1x128xi32, #tpu.memory_space<hbm>> -> memref<1x1x164x1x128xi32, #tpu.memory_space<hbm>>
      %dma_wait3A_26 = tpu.memref_squeeze %dma_wait3A_25 : memref<1x1x164x1x128xi32, #tpu.memory_space<hbm>> -> memref<164x1x128xi32, #tpu.memory_space<hbm>>
      %dma_wait3A_27 = arith.constant 0 : i32
      %dma_wait3A_28 = arith.constant 0 : i32
      %dma_wait3A_29 = arith.constant 0 : i32
      %dma_wait3A_30 = tpu.memref_slice %arg3[%arg0, %arg1, %dma_wait3A_27, %dma_wait3A_28, %dma_wait3A_29] : memref<2x16x164x1x128xi32, #tpu.memory_space<hbm>> -> memref<1x1x164x1x128xi32, #tpu.memory_space<hbm>>
      %dma_wait3A_31 = tpu.memref_squeeze %dma_wait3A_30 : memref<1x1x164x1x128xi32, #tpu.memory_space<hbm>> -> memref<164x1x128xi32, #tpu.memory_space<hbm>>
      tpu.wait_dma2 semaphore(%run_scoped3A : memref<!tpu.dma_semaphore, #tpu.memory_space<semaphore_mem>>) src(%dma_wait3A_31 : memref<164x1x128xi32, #tpu.memory_space<hbm>>) dst(%arg6 : memref<164x1x128xi32, #tpu.memory_space<vmem>>)
      tpu.yield
    }) : () -> ()
    %add3A = arith.constant 0 : i32
    %add3A_3 = arith.addi %mul3A_0, %add3A : i32
    %dma_start3A = arith.constant 0 : i32
    %dma_start3A_4 = tpu.memref_slice %arg2[%add3A_3, %dma_start3A] : memref<335872x128xf32, #tpu.memory_space<hbm>> -> memref<128x128xf32, #tpu.memory_space<hbm>>
    %dma_start3A_5 = arith.constant 0 : i32
    %dma_start3A_6 = tpu.memref_slice %arg2[%add3A_3, %dma_start3A_5] : memref<335872x128xf32, #tpu.memory_space<hbm>> -> memref<128x128xf32, #tpu.memory_space<hbm>>
    tpu.enqueue_dma source(%dma_start3A_6 : memref<128x128xf32, #tpu.memory_space<hbm>>) target(%arg7 : memref<128x128xf32, #tpu.memory_space<vmem>>) target_semaphore(%arg10 : memref<!tpu.dma_semaphore, #tpu.memory_space<semaphore_mem>>)
    %scan3A = arith.constant 0 : i32
    %scan3A_7 = arith.constant 0 : i32
    %scan3A_8 = arith.constant 82 : i32
    %scan3A_9 = arith.addi %scan3A_7, %scan3A_8 : i32
    %scan3A_10 = arith.constant 1 : i32
    scf.for %scan3A_13 = %scan3A_7 to %scan3A_9 step %scan3A_10  : i32 {
      %mul3A_14 = arith.constant 2 : i32
      %mul3A_15 = arith.muli %mul3A_14, %scan3A_13 : i32
      %add3A_16 = arith.constant 1 : i32
      %add3A_17 = arith.addi %mul3A_15, %add3A_16 : i32
      %mul3A_18 = arith.constant 128 : i32
      %mul3A_19 = arith.muli %add3A_17, %mul3A_18 : i32
      %add3A_20 = arith.addi %mul3A_0, %mul3A_19 : i32
      %dma_start3A_21 = arith.constant 0 : i32
      %dma_start3A_22 = tpu.memref_slice %arg2[%add3A_20, %dma_start3A_21] : memref<335872x128xf32, #tpu.memory_space<hbm>> -> memref<128x128xf32, #tpu.memory_space<hbm>>
      %dma_start3A_23 = arith.constant 0 : i32
      %dma_start3A_24 = tpu.memref_slice %arg2[%add3A_20, %dma_start3A_23] : memref<335872x128xf32, #tpu.memory_space<hbm>> -> memref<128x128xf32, #tpu.memory_space<hbm>>
      tpu.enqueue_dma source(%dma_start3A_24 : memref<128x128xf32, #tpu.memory_space<hbm>>) target(%arg8 : memref<128x128xf32, #tpu.memory_space<vmem>>) target_semaphore(%arg11 : memref<!tpu.dma_semaphore, #tpu.memory_space<semaphore_mem>>)
      %mul3A_25 = arith.constant 128 : i32
      %mul3A_26 = arith.muli %mul3A_15, %mul3A_25 : i32
      %add3A_27 = arith.addi %mul3A_0, %mul3A_26 : i32
      %dma_wait3A = arith.constant 0 : i32
      %dma_wait3A_28 = tpu.memref_slice %arg2[%add3A_27, %dma_wait3A] : memref<335872x128xf32, #tpu.memory_space<hbm>> -> memref<128x128xf32, #tpu.memory_space<hbm>>
      %dma_wait3A_29 = arith.constant 0 : i32
      %dma_wait3A_30 = tpu.memref_slice %arg2[%add3A_27, %dma_wait3A_29] : memref<335872x128xf32, #tpu.memory_space<hbm>> -> memref<128x128xf32, #tpu.memory_space<hbm>>
      tpu.wait_dma2 semaphore(%arg10 : memref<!tpu.dma_semaphore, #tpu.memory_space<semaphore_mem>>) src(%dma_wait3A_30 : memref<128x128xf32, #tpu.memory_space<hbm>>) dst(%arg7 : memref<128x128xf32, #tpu.memory_space<vmem>>)
      %run_scoped3A = arith.constant 0 : i32
      "tpu.region"() ({
        %run_scoped3A_45 = tpu.sem_alloc : memref<!tpu.dma_semaphore, #tpu.memory_space<semaphore_mem>>
        %dma_start3A_46 = arith.constant 0 : i32
        %dma_start3A_47 = tpu.memref_slice %arg6[%mul3A_15, %run_scoped3A, %dma_start3A_46] : memref<164x1x128xi32, #tpu.memory_space<vmem>> -> memref<1x1x128xi32, #tpu.memory_space<vmem>>
        %dma_start3A_48 = tpu.memref_squeeze %dma_start3A_47 : memref<1x1x128xi32, #tpu.memory_space<vmem>> -> memref<128xi32, #tpu.memory_space<vmem>>
        %dma_start3A_49 = arith.constant 0 : i32
        %dma_start3A_50 = arith.constant 0 : i32
        %dma_start3A_51 = tpu.memref_slice %arg9[%dma_start3A_49, %dma_start3A_50] : memref<6400x128xf32, #tpu.memory_space<vmem_shared>> -> memref<6400x128xf32, #tpu.memory_space<vmem_shared>>
        tpu.enqueue_indirect_dma source(%arg7 : memref<128x128xf32, #tpu.memory_space<vmem>>) target(%dma_start3A_51 : memref<6400x128xf32, #tpu.memory_space<vmem_shared>>) offsets(%dma_start3A_48 : memref<128xi32, #tpu.memory_space<vmem>>) semaphore(%run_scoped3A_45 : memref<!tpu.dma_semaphore, #tpu.memory_space<semaphore_mem>>) {add = true}
        %dma_wait3A_52 = arith.constant 0 : i32
        %dma_wait3A_53 = tpu.memref_slice %arg6[%mul3A_15, %run_scoped3A, %dma_wait3A_52] : memref<164x1x128xi32, #tpu.memory_space<vmem>> -> memref<1x1x128xi32, #tpu.memory_space<vmem>>
        %dma_wait3A_54 = tpu.memref_squeeze %dma_wait3A_53 : memref<1x1x128xi32, #tpu.memory_space<vmem>> -> memref<128xi32, #tpu.memory_space<vmem>>
        %dma_wait3A_55 = arith.constant 0 : i32
        %dma_wait3A_56 = arith.constant 0 : i32
        %dma_wait3A_57 = tpu.memref_slice %arg9[%dma_wait3A_55, %dma_wait3A_56] : memref<6400x128xf32, #tpu.memory_space<vmem_shared>> -> memref<6400x128xf32, #tpu.memory_space<vmem_shared>>
        tpu.wait_indirect_dma semaphore(%run_scoped3A_45 : memref<!tpu.dma_semaphore, #tpu.memory_space<semaphore_mem>>) src(%arg7 : memref<128x128xf32, #tpu.memory_space<vmem>>) dst(%dma_wait3A_57 : memref<6400x128xf32, #tpu.memory_space<vmem_shared>>)
        tpu.yield
      }) : () -> ()
      %add3A_31 = arith.constant 1 : i32
      %add3A_32 = arith.addi %scan3A_13, %add3A_31 : i32
      %lt3A = arith.constant 82 : i32
      %lt3A_33 = arith.cmpi slt, %add3A_32, %lt3A : i32
      %convert_element_type3A = arith.extui %lt3A_33 : i1 to i32
      %cond3A = arith.constant 0 : i32
      %cond3A_34 = arith.cmpi ne, %convert_element_type3A, %cond3A : i32
      scf.if %cond3A_34 {
        %add3A_45 = arith.constant 2 : i32
        %add3A_46 = arith.addi %mul3A_15, %add3A_45 : i32
        %mul3A_47 = arith.constant 128 : i32
        %mul3A_48 = arith.muli %add3A_46, %mul3A_47 : i32
        %add3A_49 = arith.addi %mul3A_0, %mul3A_48 : i32
        %dma_start3A_50 = arith.constant 0 : i32
        %dma_start3A_51 = tpu.memref_slice %arg2[%add3A_49, %dma_start3A_50] : memref<335872x128xf32, #tpu.memory_space<hbm>> -> memref<128x128xf32, #tpu.memory_space<hbm>>
        %dma_start3A_52 = arith.constant 0 : i32
        %dma_start3A_53 = tpu.memref_slice %arg2[%add3A_49, %dma_start3A_52] : memref<335872x128xf32, #tpu.memory_space<hbm>> -> memref<128x128xf32, #tpu.memory_space<hbm>>
        tpu.enqueue_dma source(%dma_start3A_53 : memref<128x128xf32, #tpu.memory_space<hbm>>) target(%arg7 : memref<128x128xf32, #tpu.memory_space<vmem>>) target_semaphore(%arg10 : memref<!tpu.dma_semaphore, #tpu.memory_space<semaphore_mem>>)
      } else {
      }
      %add3A_35 = arith.constant 1 : i32
      %add3A_36 = arith.addi %mul3A_15, %add3A_35 : i32
      %mul3A_37 = arith.constant 128 : i32
      %mul3A_38 = arith.muli %add3A_36, %mul3A_37 : i32
      %add3A_39 = arith.addi %mul3A_0, %mul3A_38 : i32
      %dma_wait3A_40 = arith.constant 0 : i32
      %dma_wait3A_41 = tpu.memref_slice %arg2[%add3A_39, %dma_wait3A_40] : memref<335872x128xf32, #tpu.memory_space<hbm>> -> memref<128x128xf32, #tpu.memory_space<hbm>>
      %dma_wait3A_42 = arith.constant 0 : i32
      %dma_wait3A_43 = tpu.memref_slice %arg2[%add3A_39, %dma_wait3A_42] : memref<335872x128xf32, #tpu.memory_space<hbm>> -> memref<128x128xf32, #tpu.memory_space<hbm>>
      tpu.wait_dma2 semaphore(%arg11 : memref<!tpu.dma_semaphore, #tpu.memory_space<semaphore_mem>>) src(%dma_wait3A_43 : memref<128x128xf32, #tpu.memory_space<hbm>>) dst(%arg8 : memref<128x128xf32, #tpu.memory_space<vmem>>)
      %run_scoped3A_44 = arith.constant 0 : i32
      "tpu.region"() ({
        %run_scoped3A_45 = tpu.sem_alloc : memref<!tpu.dma_semaphore, #tpu.memory_space<semaphore_mem>>
        %dma_start3A_46 = arith.constant 0 : i32
        %dma_start3A_47 = tpu.memref_slice %arg6[%add3A_36, %run_scoped3A_44, %dma_start3A_46] : memref<164x1x128xi32, #tpu.memory_space<vmem>> -> memref<1x1x128xi32, #tpu.memory_space<vmem>>
        %dma_start3A_48 = tpu.memref_squeeze %dma_start3A_47 : memref<1x1x128xi32, #tpu.memory_space<vmem>> -> memref<128xi32, #tpu.memory_space<vmem>>
        %dma_start3A_49 = arith.constant 0 : i32
        %dma_start3A_50 = arith.constant 0 : i32
        %dma_start3A_51 = tpu.memref_slice %arg9[%dma_start3A_49, %dma_start3A_50] : memref<6400x128xf32, #tpu.memory_space<vmem_shared>> -> memref<6400x128xf32, #tpu.memory_space<vmem_shared>>
        tpu.enqueue_indirect_dma source(%arg8 : memref<128x128xf32, #tpu.memory_space<vmem>>) target(%dma_start3A_51 : memref<6400x128xf32, #tpu.memory_space<vmem_shared>>) offsets(%dma_start3A_48 : memref<128xi32, #tpu.memory_space<vmem>>) semaphore(%run_scoped3A_45 : memref<!tpu.dma_semaphore, #tpu.memory_space<semaphore_mem>>) {add = true}
        %dma_wait3A_52 = arith.constant 0 : i32
        %dma_wait3A_53 = tpu.memref_slice %arg6[%add3A_36, %run_scoped3A_44, %dma_wait3A_52] : memref<164x1x128xi32, #tpu.memory_space<vmem>> -> memref<1x1x128xi32, #tpu.memory_space<vmem>>
        %dma_wait3A_54 = tpu.memref_squeeze %dma_wait3A_53 : memref<1x1x128xi32, #tpu.memory_space<vmem>> -> memref<128xi32, #tpu.memory_space<vmem>>
        %dma_wait3A_55 = arith.constant 0 : i32
        %dma_wait3A_56 = arith.constant 0 : i32
        %dma_wait3A_57 = tpu.memref_slice %arg9[%dma_wait3A_55, %dma_wait3A_56] : memref<6400x128xf32, #tpu.memory_space<vmem_shared>> -> memref<6400x128xf32, #tpu.memory_space<vmem_shared>>
        tpu.wait_indirect_dma semaphore(%run_scoped3A_45 : memref<!tpu.dma_semaphore, #tpu.memory_space<semaphore_mem>>) src(%arg8 : memref<128x128xf32, #tpu.memory_space<vmem>>) dst(%dma_wait3A_57 : memref<6400x128xf32, #tpu.memory_space<vmem_shared>>)
        tpu.yield
      }) : () -> ()
    }
    %scan3A_11 = arith.constant 82 : i32
    %barrier3A_12 = arith.constant 0 : index
    tpu.barrier barrier_id(%barrier3A_12)
    "tpu.region"() ({
      %run_scoped3A = tpu.sem_alloc : memref<!tpu.dma_semaphore, #tpu.memory_space<semaphore_mem>>
      %dma_start3A_13 = arith.constant 0 : i32
      %dma_start3A_14 = tpu.memref_slice %arg5[%arg0, %mul3A_2, %dma_start3A_13] : memref<2x6400x128xf32, #tpu.memory_space<hbm>> -> memref<1x400x128xf32, #tpu.memory_space<hbm>>
      %dma_start3A_15 = tpu.memref_squeeze %dma_start3A_14 : memref<1x400x128xf32, #tpu.memory_space<hbm>> -> memref<400x128xf32, #tpu.memory_space<hbm>>
      %dma_start3A_16 = arith.constant 0 : i32
      %dma_start3A_17 = tpu.memref_slice %arg9[%mul3A_2, %dma_start3A_16] : memref<6400x128xf32, #tpu.memory_space<vmem_shared>> -> memref<400x128xf32, #tpu.memory_space<vmem_shared>>
      tpu.enqueue_dma source(%dma_start3A_17 : memref<400x128xf32, #tpu.memory_space<vmem_shared>>) target(%dma_start3A_15 : memref<400x128xf32, #tpu.memory_space<hbm>>) target_semaphore(%run_scoped3A : memref<!tpu.dma_semaphore, #tpu.memory_space<semaphore_mem>>)
      %dma_wait3A = arith.constant 0 : i32
      %dma_wait3A_18 = tpu.memref_slice %arg5[%arg0, %mul3A_2, %dma_wait3A] : memref<2x6400x128xf32, #tpu.memory_space<hbm>> -> memref<1x400x128xf32, #tpu.memory_space<hbm>>
      %dma_wait3A_19 = tpu.memref_squeeze %dma_wait3A_18 : memref<1x400x128xf32, #tpu.memory_space<hbm>> -> memref<400x128xf32, #tpu.memory_space<hbm>>
      %dma_wait3A_20 = arith.constant 0 : i32
      %dma_wait3A_21 = tpu.memref_slice %arg9[%mul3A_2, %dma_wait3A_20] : memref<6400x128xf32, #tpu.memory_space<vmem_shared>> -> memref<400x128xf32, #tpu.memory_space<vmem_shared>>
      tpu.wait_dma2 semaphore(%run_scoped3A : memref<!tpu.dma_semaphore, #tpu.memory_space<semaphore_mem>>) src(%dma_wait3A_21 : memref<400x128xf32, #tpu.memory_space<vmem_shared>>) dst(%dma_wait3A_19 : memref<400x128xf32, #tpu.memory_space<hbm>>)
      tpu.yield
    }) : () -> ()
    return
  }
}

#map = affine_map<(d0, d1) -> (0, 0)>
#map1 = affine_map<(d0, d1) -> (0)>
module attributes {stable_mosaic.version = 14 : i64} {
  func.func @_gather_body(%arg0: i32, %arg1: i32, %arg2: memref<10000x128xf32, #tpu.memory_space<hbm>>, %arg3: memref<10000x128xf32, #tpu.memory_space<hbm>>, %arg4: memref<335872xi32, #tpu.memory_space<hbm>>, %arg5: memref<335872xi32, #tpu.memory_space<hbm>>, %arg6: memref<335872x128xf32, #tpu.memory_space<hbm>>, %arg7: memref<335872x128xf32, #tpu.memory_space<hbm>>, %arg8: memref<10496xi32, #tpu.memory_space<vmem>>, %arg9: memref<10496xi32, #tpu.memory_space<vmem>>, %arg10: memref<128x128xf32, #tpu.memory_space<vmem>>, %arg11: memref<128x128xf32, #tpu.memory_space<vmem>>, %arg12: memref<128x128xf32, #tpu.memory_space<vmem>>, %arg13: memref<128x128xf32, #tpu.memory_space<vmem>>, %arg14: memref<!tpu.dma_semaphore, #tpu.memory_space<semaphore_mem>>, %arg15: memref<!tpu.dma_semaphore, #tpu.memory_space<semaphore_mem>>, %arg16: memref<!tpu.dma_semaphore, #tpu.memory_space<semaphore_mem>>, %arg17: memref<!tpu.dma_semaphore, #tpu.memory_space<semaphore_mem>>) attributes {dimension_semantics = [#tpu.dimension_semantics<core_parallel>, #tpu.dimension_semantics<subcore_parallel>], iteration_bounds = array<i64: 2, 16>, scalar_prefetch = 0 : i64, scratch_operands = 10 : i64, tpu.core_type = #tpu.core_type<sc_vector_subcore>, window_params = [{transform_indices = #map}, {transform_indices = #map}, {transform_indices = #map1}, {transform_indices = #map1}, {transform_indices = #map}, {transform_indices = #map}]} {
    %mul3A = arith.constant 2 : i32
    %mul3A_0 = arith.muli %arg1, %mul3A : i32
    %add3A = arith.addi %mul3A_0, %arg0 : i32
    %mul3A_1 = arith.constant 10496 : i32
    %mul3A_2 = arith.muli %add3A, %mul3A_1 : i32
    "tpu.region"() ({
      %run_scoped3A = tpu.sem_alloc : memref<!tpu.dma_semaphore, #tpu.memory_space<semaphore_mem>>
      %dma_start3A_17 = tpu.memref_slice %arg4[%mul3A_2] : memref<335872xi32, #tpu.memory_space<hbm>> -> memref<10496xi32, #tpu.memory_space<hbm>>
      %dma_start3A_18 = tpu.memref_slice %arg4[%mul3A_2] : memref<335872xi32, #tpu.memory_space<hbm>> -> memref<10496xi32, #tpu.memory_space<hbm>>
      tpu.enqueue_dma source(%dma_start3A_18 : memref<10496xi32, #tpu.memory_space<hbm>>) target(%arg8 : memref<10496xi32, #tpu.memory_space<vmem>>) target_semaphore(%run_scoped3A : memref<!tpu.dma_semaphore, #tpu.memory_space<semaphore_mem>>)
      %dma_wait3A = tpu.memref_slice %arg4[%mul3A_2] : memref<335872xi32, #tpu.memory_space<hbm>> -> memref<10496xi32, #tpu.memory_space<hbm>>
      %dma_wait3A_19 = tpu.memref_slice %arg4[%mul3A_2] : memref<335872xi32, #tpu.memory_space<hbm>> -> memref<10496xi32, #tpu.memory_space<hbm>>
      tpu.wait_dma2 semaphore(%run_scoped3A : memref<!tpu.dma_semaphore, #tpu.memory_space<semaphore_mem>>) src(%dma_wait3A_19 : memref<10496xi32, #tpu.memory_space<hbm>>) dst(%arg8 : memref<10496xi32, #tpu.memory_space<vmem>>)
      tpu.yield
    }) : () -> ()
    "tpu.region"() ({
      %run_scoped3A = tpu.sem_alloc : memref<!tpu.dma_semaphore, #tpu.memory_space<semaphore_mem>>
      %dma_start3A_17 = tpu.memref_slice %arg5[%mul3A_2] : memref<335872xi32, #tpu.memory_space<hbm>> -> memref<10496xi32, #tpu.memory_space<hbm>>
      %dma_start3A_18 = tpu.memref_slice %arg5[%mul3A_2] : memref<335872xi32, #tpu.memory_space<hbm>> -> memref<10496xi32, #tpu.memory_space<hbm>>
      tpu.enqueue_dma source(%dma_start3A_18 : memref<10496xi32, #tpu.memory_space<hbm>>) target(%arg9 : memref<10496xi32, #tpu.memory_space<vmem>>) target_semaphore(%run_scoped3A : memref<!tpu.dma_semaphore, #tpu.memory_space<semaphore_mem>>)
      %dma_wait3A = tpu.memref_slice %arg5[%mul3A_2] : memref<335872xi32, #tpu.memory_space<hbm>> -> memref<10496xi32, #tpu.memory_space<hbm>>
      %dma_wait3A_19 = tpu.memref_slice %arg5[%mul3A_2] : memref<335872xi32, #tpu.memory_space<hbm>> -> memref<10496xi32, #tpu.memory_space<hbm>>
      tpu.wait_dma2 semaphore(%run_scoped3A : memref<!tpu.dma_semaphore, #tpu.memory_space<semaphore_mem>>) src(%dma_wait3A_19 : memref<10496xi32, #tpu.memory_space<hbm>>) dst(%arg9 : memref<10496xi32, #tpu.memory_space<vmem>>)
      tpu.yield
    }) : () -> ()
    %dma_start3A = arith.constant 0 : i32
    %dma_start3A_3 = tpu.memref_slice %arg8[%dma_start3A] : memref<10496xi32, #tpu.memory_space<vmem>> -> memref<128xi32, #tpu.memory_space<vmem>>
    %dma_start3A_4 = arith.constant 0 : i32
    %dma_start3A_5 = arith.constant 0 : i32
    %dma_start3A_6 = tpu.memref_slice %arg2[%dma_start3A_4, %dma_start3A_5] : memref<10000x128xf32, #tpu.memory_space<hbm>> -> memref<10000x128xf32, #tpu.memory_space<hbm>>
    tpu.enqueue_indirect_dma source(%dma_start3A_6 : memref<10000x128xf32, #tpu.memory_space<hbm>>) target(%arg10 : memref<128x128xf32, #tpu.memory_space<vmem>>) offsets(%dma_start3A_3 : memref<128xi32, #tpu.memory_space<vmem>>) semaphore(%arg14 : memref<!tpu.dma_semaphore, #tpu.memory_space<semaphore_mem>>)
    %dma_start3A_7 = arith.constant 0 : i32
    %dma_start3A_8 = tpu.memref_slice %arg9[%dma_start3A_7] : memref<10496xi32, #tpu.memory_space<vmem>> -> memref<128xi32, #tpu.memory_space<vmem>>
    %dma_start3A_9 = arith.constant 0 : i32
    %dma_start3A_10 = arith.constant 0 : i32
    %dma_start3A_11 = tpu.memref_slice %arg3[%dma_start3A_9, %dma_start3A_10] : memref<10000x128xf32, #tpu.memory_space<hbm>> -> memref<10000x128xf32, #tpu.memory_space<hbm>>
    tpu.enqueue_indirect_dma source(%dma_start3A_11 : memref<10000x128xf32, #tpu.memory_space<hbm>>) target(%arg12 : memref<128x128xf32, #tpu.memory_space<vmem>>) offsets(%dma_start3A_8 : memref<128xi32, #tpu.memory_space<vmem>>) semaphore(%arg16 : memref<!tpu.dma_semaphore, #tpu.memory_space<semaphore_mem>>)
    %scan3A = arith.constant 0 : i32
    %scan3A_12 = arith.constant 0 : i32
    %scan3A_13 = arith.constant 41 : i32
    %scan3A_14 = arith.addi %scan3A_12, %scan3A_13 : i32
    %scan3A_15 = arith.constant 1 : i32
    scf.for %scan3A_17 = %scan3A_12 to %scan3A_14 step %scan3A_15  : i32 {
      %mul3A_18 = arith.constant 2 : i32
      %mul3A_19 = arith.muli %mul3A_18, %scan3A_17 : i32
      %add3A_20 = arith.constant 1 : i32
      %add3A_21 = arith.addi %mul3A_19, %add3A_20 : i32
      %mul3A_22 = arith.constant 128 : i32
      %mul3A_23 = arith.muli %add3A_21, %mul3A_22 : i32
      %dma_start3A_24 = tpu.memref_slice %arg8[%mul3A_23] : memref<10496xi32, #tpu.memory_space<vmem>> -> memref<128xi32, #tpu.memory_space<vmem>>
      %dma_start3A_25 = arith.constant 0 : i32
      %dma_start3A_26 = arith.constant 0 : i32
      %dma_start3A_27 = tpu.memref_slice %arg2[%dma_start3A_25, %dma_start3A_26] : memref<10000x128xf32, #tpu.memory_space<hbm>> -> memref<10000x128xf32, #tpu.memory_space<hbm>>
      tpu.enqueue_indirect_dma source(%dma_start3A_27 : memref<10000x128xf32, #tpu.memory_space<hbm>>) target(%arg11 : memref<128x128xf32, #tpu.memory_space<vmem>>) offsets(%dma_start3A_24 : memref<128xi32, #tpu.memory_space<vmem>>) semaphore(%arg15 : memref<!tpu.dma_semaphore, #tpu.memory_space<semaphore_mem>>)
      %mul3A_28 = arith.constant 128 : i32
      %mul3A_29 = arith.muli %add3A_21, %mul3A_28 : i32
      %dma_start3A_30 = tpu.memref_slice %arg9[%mul3A_29] : memref<10496xi32, #tpu.memory_space<vmem>> -> memref<128xi32, #tpu.memory_space<vmem>>
      %dma_start3A_31 = arith.constant 0 : i32
      %dma_start3A_32 = arith.constant 0 : i32
      %dma_start3A_33 = tpu.memref_slice %arg3[%dma_start3A_31, %dma_start3A_32] : memref<10000x128xf32, #tpu.memory_space<hbm>> -> memref<10000x128xf32, #tpu.memory_space<hbm>>
      tpu.enqueue_indirect_dma source(%dma_start3A_33 : memref<10000x128xf32, #tpu.memory_space<hbm>>) target(%arg13 : memref<128x128xf32, #tpu.memory_space<vmem>>) offsets(%dma_start3A_30 : memref<128xi32, #tpu.memory_space<vmem>>) semaphore(%arg17 : memref<!tpu.dma_semaphore, #tpu.memory_space<semaphore_mem>>)
      %mul3A_34 = arith.constant 128 : i32
      %mul3A_35 = arith.muli %mul3A_19, %mul3A_34 : i32
      %dma_wait3A = tpu.memref_slice %arg8[%mul3A_35] : memref<10496xi32, #tpu.memory_space<vmem>> -> memref<128xi32, #tpu.memory_space<vmem>>
      %dma_wait3A_36 = arith.constant 0 : i32
      %dma_wait3A_37 = arith.constant 0 : i32
      %dma_wait3A_38 = tpu.memref_slice %arg2[%dma_wait3A_36, %dma_wait3A_37] : memref<10000x128xf32, #tpu.memory_space<hbm>> -> memref<10000x128xf32, #tpu.memory_space<hbm>>
      tpu.wait_indirect_dma semaphore(%arg14 : memref<!tpu.dma_semaphore, #tpu.memory_space<semaphore_mem>>) src(%dma_wait3A_38 : memref<10000x128xf32, #tpu.memory_space<hbm>>) dst(%arg10 : memref<128x128xf32, #tpu.memory_space<vmem>>)
      %mul3A_39 = arith.constant 128 : i32
      %mul3A_40 = arith.muli %mul3A_19, %mul3A_39 : i32
      %add3A_41 = arith.addi %mul3A_2, %mul3A_40 : i32
      "tpu.region"() ({
        %run_scoped3A = tpu.sem_alloc : memref<!tpu.dma_semaphore, #tpu.memory_space<semaphore_mem>>
        %dma_start3A_75 = arith.constant 0 : i32
        %dma_start3A_76 = tpu.memref_slice %arg6[%add3A_41, %dma_start3A_75] : memref<335872x128xf32, #tpu.memory_space<hbm>> -> memref<128x128xf32, #tpu.memory_space<hbm>>
        %dma_start3A_77 = arith.constant 0 : i32
        %dma_start3A_78 = tpu.memref_slice %arg6[%add3A_41, %dma_start3A_77] : memref<335872x128xf32, #tpu.memory_space<hbm>> -> memref<128x128xf32, #tpu.memory_space<hbm>>
        tpu.enqueue_dma source(%arg10 : memref<128x128xf32, #tpu.memory_space<vmem>>) target(%dma_start3A_78 : memref<128x128xf32, #tpu.memory_space<hbm>>) target_semaphore(%run_scoped3A : memref<!tpu.dma_semaphore, #tpu.memory_space<semaphore_mem>>)
        %dma_wait3A_79 = arith.constant 0 : i32
        %dma_wait3A_80 = tpu.memref_slice %arg6[%add3A_41, %dma_wait3A_79] : memref<335872x128xf32, #tpu.memory_space<hbm>> -> memref<128x128xf32, #tpu.memory_space<hbm>>
        %dma_wait3A_81 = arith.constant 0 : i32
        %dma_wait3A_82 = tpu.memref_slice %arg6[%add3A_41, %dma_wait3A_81] : memref<335872x128xf32, #tpu.memory_space<hbm>> -> memref<128x128xf32, #tpu.memory_space<hbm>>
        tpu.wait_dma2 semaphore(%run_scoped3A : memref<!tpu.dma_semaphore, #tpu.memory_space<semaphore_mem>>) src(%arg10 : memref<128x128xf32, #tpu.memory_space<vmem>>) dst(%dma_wait3A_82 : memref<128x128xf32, #tpu.memory_space<hbm>>)
        tpu.yield
      }) : () -> ()
      %mul3A_42 = arith.constant 128 : i32
      %mul3A_43 = arith.muli %mul3A_19, %mul3A_42 : i32
      %dma_wait3A_44 = tpu.memref_slice %arg9[%mul3A_43] : memref<10496xi32, #tpu.memory_space<vmem>> -> memref<128xi32, #tpu.memory_space<vmem>>
      %dma_wait3A_45 = arith.constant 0 : i32
      %dma_wait3A_46 = arith.constant 0 : i32
      %dma_wait3A_47 = tpu.memref_slice %arg3[%dma_wait3A_45, %dma_wait3A_46] : memref<10000x128xf32, #tpu.memory_space<hbm>> -> memref<10000x128xf32, #tpu.memory_space<hbm>>
      tpu.wait_indirect_dma semaphore(%arg16 : memref<!tpu.dma_semaphore, #tpu.memory_space<semaphore_mem>>) src(%dma_wait3A_47 : memref<10000x128xf32, #tpu.memory_space<hbm>>) dst(%arg12 : memref<128x128xf32, #tpu.memory_space<vmem>>)
      %mul3A_48 = arith.constant 128 : i32
      %mul3A_49 = arith.muli %mul3A_19, %mul3A_48 : i32
      %add3A_50 = arith.addi %mul3A_2, %mul3A_49 : i32
      "tpu.region"() ({
        %run_scoped3A = tpu.sem_alloc : memref<!tpu.dma_semaphore, #tpu.memory_space<semaphore_mem>>
        %dma_start3A_75 = arith.constant 0 : i32
        %dma_start3A_76 = tpu.memref_slice %arg7[%add3A_50, %dma_start3A_75] : memref<335872x128xf32, #tpu.memory_space<hbm>> -> memref<128x128xf32, #tpu.memory_space<hbm>>
        %dma_start3A_77 = arith.constant 0 : i32
        %dma_start3A_78 = tpu.memref_slice %arg7[%add3A_50, %dma_start3A_77] : memref<335872x128xf32, #tpu.memory_space<hbm>> -> memref<128x128xf32, #tpu.memory_space<hbm>>
        tpu.enqueue_dma source(%arg12 : memref<128x128xf32, #tpu.memory_space<vmem>>) target(%dma_start3A_78 : memref<128x128xf32, #tpu.memory_space<hbm>>) target_semaphore(%run_scoped3A : memref<!tpu.dma_semaphore, #tpu.memory_space<semaphore_mem>>)
        %dma_wait3A_79 = arith.constant 0 : i32
        %dma_wait3A_80 = tpu.memref_slice %arg7[%add3A_50, %dma_wait3A_79] : memref<335872x128xf32, #tpu.memory_space<hbm>> -> memref<128x128xf32, #tpu.memory_space<hbm>>
        %dma_wait3A_81 = arith.constant 0 : i32
        %dma_wait3A_82 = tpu.memref_slice %arg7[%add3A_50, %dma_wait3A_81] : memref<335872x128xf32, #tpu.memory_space<hbm>> -> memref<128x128xf32, #tpu.memory_space<hbm>>
        tpu.wait_dma2 semaphore(%run_scoped3A : memref<!tpu.dma_semaphore, #tpu.memory_space<semaphore_mem>>) src(%arg12 : memref<128x128xf32, #tpu.memory_space<vmem>>) dst(%dma_wait3A_82 : memref<128x128xf32, #tpu.memory_space<hbm>>)
        tpu.yield
      }) : () -> ()
      %add3A_51 = arith.constant 1 : i32
      %add3A_52 = arith.addi %scan3A_17, %add3A_51 : i32
      %lt3A = arith.constant 41 : i32
      %lt3A_53 = arith.cmpi slt, %add3A_52, %lt3A : i32
      %convert_element_type3A = arith.extui %lt3A_53 : i1 to i32
      %cond3A = arith.constant 0 : i32
      %cond3A_54 = arith.cmpi ne, %convert_element_type3A, %cond3A : i32
      scf.if %cond3A_54 {
        %add3A_75 = arith.constant 2 : i32
        %add3A_76 = arith.addi %mul3A_19, %add3A_75 : i32
        %mul3A_77 = arith.constant 128 : i32
        %mul3A_78 = arith.muli %add3A_76, %mul3A_77 : i32
        %dma_start3A_79 = tpu.memref_slice %arg8[%mul3A_78] : memref<10496xi32, #tpu.memory_space<vmem>> -> memref<128xi32, #tpu.memory_space<vmem>>
        %dma_start3A_80 = arith.constant 0 : i32
        %dma_start3A_81 = arith.constant 0 : i32
        %dma_start3A_82 = tpu.memref_slice %arg2[%dma_start3A_80, %dma_start3A_81] : memref<10000x128xf32, #tpu.memory_space<hbm>> -> memref<10000x128xf32, #tpu.memory_space<hbm>>
        tpu.enqueue_indirect_dma source(%dma_start3A_82 : memref<10000x128xf32, #tpu.memory_space<hbm>>) target(%arg10 : memref<128x128xf32, #tpu.memory_space<vmem>>) offsets(%dma_start3A_79 : memref<128xi32, #tpu.memory_space<vmem>>) semaphore(%arg14 : memref<!tpu.dma_semaphore, #tpu.memory_space<semaphore_mem>>)
        %mul3A_83 = arith.constant 128 : i32
        %mul3A_84 = arith.muli %add3A_76, %mul3A_83 : i32
        %dma_start3A_85 = tpu.memref_slice %arg9[%mul3A_84] : memref<10496xi32, #tpu.memory_space<vmem>> -> memref<128xi32, #tpu.memory_space<vmem>>
        %dma_start3A_86 = arith.constant 0 : i32
        %dma_start3A_87 = arith.constant 0 : i32
        %dma_start3A_88 = tpu.memref_slice %arg3[%dma_start3A_86, %dma_start3A_87] : memref<10000x128xf32, #tpu.memory_space<hbm>> -> memref<10000x128xf32, #tpu.memory_space<hbm>>
        tpu.enqueue_indirect_dma source(%dma_start3A_88 : memref<10000x128xf32, #tpu.memory_space<hbm>>) target(%arg12 : memref<128x128xf32, #tpu.memory_space<vmem>>) offsets(%dma_start3A_85 : memref<128xi32, #tpu.memory_space<vmem>>) semaphore(%arg16 : memref<!tpu.dma_semaphore, #tpu.memory_space<semaphore_mem>>)
      } else {
      }
      %add3A_55 = arith.constant 1 : i32
      %add3A_56 = arith.addi %mul3A_19, %add3A_55 : i32
      %mul3A_57 = arith.constant 128 : i32
      %mul3A_58 = arith.muli %add3A_56, %mul3A_57 : i32
      %dma_wait3A_59 = tpu.memref_slice %arg8[%mul3A_58] : memref<10496xi32, #tpu.memory_space<vmem>> -> memref<128xi32, #tpu.memory_space<vmem>>
      %dma_wait3A_60 = arith.constant 0 : i32
      %dma_wait3A_61 = arith.constant 0 : i32
      %dma_wait3A_62 = tpu.memref_slice %arg2[%dma_wait3A_60, %dma_wait3A_61] : memref<10000x128xf32, #tpu.memory_space<hbm>> -> memref<10000x128xf32, #tpu.memory_space<hbm>>
      tpu.wait_indirect_dma semaphore(%arg15 : memref<!tpu.dma_semaphore, #tpu.memory_space<semaphore_mem>>) src(%dma_wait3A_62 : memref<10000x128xf32, #tpu.memory_space<hbm>>) dst(%arg11 : memref<128x128xf32, #tpu.memory_space<vmem>>)
      %mul3A_63 = arith.constant 128 : i32
      %mul3A_64 = arith.muli %add3A_56, %mul3A_63 : i32
      %add3A_65 = arith.addi %mul3A_2, %mul3A_64 : i32
      "tpu.region"() ({
        %run_scoped3A = tpu.sem_alloc : memref<!tpu.dma_semaphore, #tpu.memory_space<semaphore_mem>>
        %dma_start3A_75 = arith.constant 0 : i32
        %dma_start3A_76 = tpu.memref_slice %arg6[%add3A_65, %dma_start3A_75] : memref<335872x128xf32, #tpu.memory_space<hbm>> -> memref<128x128xf32, #tpu.memory_space<hbm>>
        %dma_start3A_77 = arith.constant 0 : i32
        %dma_start3A_78 = tpu.memref_slice %arg6[%add3A_65, %dma_start3A_77] : memref<335872x128xf32, #tpu.memory_space<hbm>> -> memref<128x128xf32, #tpu.memory_space<hbm>>
        tpu.enqueue_dma source(%arg11 : memref<128x128xf32, #tpu.memory_space<vmem>>) target(%dma_start3A_78 : memref<128x128xf32, #tpu.memory_space<hbm>>) target_semaphore(%run_scoped3A : memref<!tpu.dma_semaphore, #tpu.memory_space<semaphore_mem>>)
        %dma_wait3A_79 = arith.constant 0 : i32
        %dma_wait3A_80 = tpu.memref_slice %arg6[%add3A_65, %dma_wait3A_79] : memref<335872x128xf32, #tpu.memory_space<hbm>> -> memref<128x128xf32, #tpu.memory_space<hbm>>
        %dma_wait3A_81 = arith.constant 0 : i32
        %dma_wait3A_82 = tpu.memref_slice %arg6[%add3A_65, %dma_wait3A_81] : memref<335872x128xf32, #tpu.memory_space<hbm>> -> memref<128x128xf32, #tpu.memory_space<hbm>>
        tpu.wait_dma2 semaphore(%run_scoped3A : memref<!tpu.dma_semaphore, #tpu.memory_space<semaphore_mem>>) src(%arg11 : memref<128x128xf32, #tpu.memory_space<vmem>>) dst(%dma_wait3A_82 : memref<128x128xf32, #tpu.memory_space<hbm>>)
        tpu.yield
      }) : () -> ()
      %mul3A_66 = arith.constant 128 : i32
      %mul3A_67 = arith.muli %add3A_56, %mul3A_66 : i32
      %dma_wait3A_68 = tpu.memref_slice %arg9[%mul3A_67] : memref<10496xi32, #tpu.memory_space<vmem>> -> memref<128xi32, #tpu.memory_space<vmem>>
      %dma_wait3A_69 = arith.constant 0 : i32
      %dma_wait3A_70 = arith.constant 0 : i32
      %dma_wait3A_71 = tpu.memref_slice %arg3[%dma_wait3A_69, %dma_wait3A_70] : memref<10000x128xf32, #tpu.memory_space<hbm>> -> memref<10000x128xf32, #tpu.memory_space<hbm>>
      tpu.wait_indirect_dma semaphore(%arg17 : memref<!tpu.dma_semaphore, #tpu.memory_space<semaphore_mem>>) src(%dma_wait3A_71 : memref<10000x128xf32, #tpu.memory_space<hbm>>) dst(%arg13 : memref<128x128xf32, #tpu.memory_space<vmem>>)
      %mul3A_72 = arith.constant 128 : i32
      %mul3A_73 = arith.muli %add3A_56, %mul3A_72 : i32
      %add3A_74 = arith.addi %mul3A_2, %mul3A_73 : i32
      "tpu.region"() ({
        %run_scoped3A = tpu.sem_alloc : memref<!tpu.dma_semaphore, #tpu.memory_space<semaphore_mem>>
        %dma_start3A_75 = arith.constant 0 : i32
        %dma_start3A_76 = tpu.memref_slice %arg7[%add3A_74, %dma_start3A_75] : memref<335872x128xf32, #tpu.memory_space<hbm>> -> memref<128x128xf32, #tpu.memory_space<hbm>>
        %dma_start3A_77 = arith.constant 0 : i32
        %dma_start3A_78 = tpu.memref_slice %arg7[%add3A_74, %dma_start3A_77] : memref<335872x128xf32, #tpu.memory_space<hbm>> -> memref<128x128xf32, #tpu.memory_space<hbm>>
        tpu.enqueue_dma source(%arg13 : memref<128x128xf32, #tpu.memory_space<vmem>>) target(%dma_start3A_78 : memref<128x128xf32, #tpu.memory_space<hbm>>) target_semaphore(%run_scoped3A : memref<!tpu.dma_semaphore, #tpu.memory_space<semaphore_mem>>)
        %dma_wait3A_79 = arith.constant 0 : i32
        %dma_wait3A_80 = tpu.memref_slice %arg7[%add3A_74, %dma_wait3A_79] : memref<335872x128xf32, #tpu.memory_space<hbm>> -> memref<128x128xf32, #tpu.memory_space<hbm>>
        %dma_wait3A_81 = arith.constant 0 : i32
        %dma_wait3A_82 = tpu.memref_slice %arg7[%add3A_74, %dma_wait3A_81] : memref<335872x128xf32, #tpu.memory_space<hbm>> -> memref<128x128xf32, #tpu.memory_space<hbm>>
        tpu.wait_dma2 semaphore(%run_scoped3A : memref<!tpu.dma_semaphore, #tpu.memory_space<semaphore_mem>>) src(%arg13 : memref<128x128xf32, #tpu.memory_space<vmem>>) dst(%dma_wait3A_82 : memref<128x128xf32, #tpu.memory_space<hbm>>)
        tpu.yield
      }) : () -> ()
    }
    %scan3A_16 = arith.constant 41 : i32
    return
  }
}

#map = affine_map<(d0, d1) -> (0, 0)>
#map1 = affine_map<(d0, d1) -> (0, 0, 0, 0, 0)>
#map2 = affine_map<(d0, d1) -> (0, 0, 0)>
module attributes {stable_mosaic.version = 14 : i64} {
  func.func @_scatter_body(%arg0: i32, %arg1: i32, %arg2: memref<335872x128xf32, #tpu.memory_space<hbm>>, %arg3: memref<2x16x164x1x128xi32, #tpu.memory_space<hbm>>, %arg4: memref<400x128xf32, #tpu.memory_space<hbm>>, %arg5: memref<2x6400x128xf32, #tpu.memory_space<hbm>>, %arg6: memref<164x1x128xi32, #tpu.memory_space<vmem>>, %arg7: memref<128x128xf32, #tpu.memory_space<vmem>>, %arg8: memref<128x128xf32, #tpu.memory_space<vmem>>, %arg9: memref<6400x128xf32, #tpu.memory_space<vmem_shared>>, %arg10: memref<!tpu.dma_semaphore, #tpu.memory_space<semaphore_mem>>, %arg11: memref<!tpu.dma_semaphore, #tpu.memory_space<semaphore_mem>>) attributes {dimension_semantics = [#tpu.dimension_semantics<core_parallel>, #tpu.dimension_semantics<subcore_parallel>], iteration_bounds = array<i64: 2, 16>, scalar_prefetch = 0 : i64, scratch_operands = 6 : i64, tpu.core_type = #tpu.core_type<sc_vector_subcore>, window_params = [{transform_indices = #map}, {transform_indices = #map1}, {transform_indices = #map}, {transform_indices = #map2}]} {
    %mul3A = arith.constant 20992 : i32
    %mul3A_0 = arith.muli %arg1, %mul3A : i32
    %mul3A_1 = arith.constant 400 : i32
    %mul3A_2 = arith.muli %arg1, %mul3A_1 : i32
    "tpu.region"() ({
      %run_scoped3A = tpu.sem_alloc : memref<!tpu.dma_semaphore, #tpu.memory_space<semaphore_mem>>
      %dma_start3A_13 = arith.constant 0 : i32
      %dma_start3A_14 = tpu.memref_slice %arg9[%mul3A_2, %dma_start3A_13] : memref<6400x128xf32, #tpu.memory_space<vmem_shared>> -> memref<400x128xf32, #tpu.memory_space<vmem_shared>>
      tpu.enqueue_dma source(%arg4 : memref<400x128xf32, #tpu.memory_space<hbm>>) target(%dma_start3A_14 : memref<400x128xf32, #tpu.memory_space<vmem_shared>>) target_semaphore(%run_scoped3A : memref<!tpu.dma_semaphore, #tpu.memory_space<semaphore_mem>>)
      %dma_wait3A = arith.constant 0 : i32
      %dma_wait3A_15 = tpu.memref_slice %arg9[%mul3A_2, %dma_wait3A] : memref<6400x128xf32, #tpu.memory_space<vmem_shared>> -> memref<400x128xf32, #tpu.memory_space<vmem_shared>>
      tpu.wait_dma2 semaphore(%run_scoped3A : memref<!tpu.dma_semaphore, #tpu.memory_space<semaphore_mem>>) src(%arg4 : memref<400x128xf32, #tpu.memory_space<hbm>>) dst(%dma_wait3A_15 : memref<400x128xf32, #tpu.memory_space<vmem_shared>>)
      tpu.yield
    }) : () -> ()
    %barrier3A = arith.constant 0 : index
    tpu.barrier barrier_id(%barrier3A)
    "tpu.region"() ({
      %run_scoped3A = tpu.sem_alloc : memref<!tpu.dma_semaphore, #tpu.memory_space<semaphore_mem>>
      %dma_start3A_13 = arith.constant 0 : i32
      %dma_start3A_14 = arith.constant 0 : i32
      %dma_start3A_15 = arith.constant 0 : i32
      %dma_start3A_16 = tpu.memref_slice %arg3[%arg0, %arg1, %dma_start3A_13, %dma_start3A_14, %dma_start3A_15] : memref<2x16x164x1x128xi32, #tpu.memory_space<hbm>> -> memref<1x1x164x1x128xi32, #tpu.memory_space<hbm>>
      %dma_start3A_17 = tpu.memref_squeeze %dma_start3A_16 : memref<1x1x164x1x128xi32, #tpu.memory_space<hbm>> -> memref<164x1x128xi32, #tpu.memory_space<hbm>>
      %dma_start3A_18 = arith.constant 0 : i32
      %dma_start3A_19 = arith.constant 0 : i32
      %dma_start3A_20 = arith.constant 0 : i32
      %dma_start3A_21 = tpu.memref_slice %arg3[%arg0, %arg1, %dma_start3A_18, %dma_start3A_19, %dma_start3A_20] : memref<2x16x164x1x128xi32, #tpu.memory_space<hbm>> -> memref<1x1x164x1x128xi32, #tpu.memory_space<hbm>>
      %dma_start3A_22 = tpu.memref_squeeze %dma_start3A_21 : memref<1x1x164x1x128xi32, #tpu.memory_space<hbm>> -> memref<164x1x128xi32, #tpu.memory_space<hbm>>
      tpu.enqueue_dma source(%dma_start3A_22 : memref<164x1x128xi32, #tpu.memory_space<hbm>>) target(%arg6 : memref<164x1x128xi32, #tpu.memory_space<vmem>>) target_semaphore(%run_scoped3A : memref<!tpu.dma_semaphore, #tpu.memory_space<semaphore_mem>>)
      %dma_wait3A = arith.constant 0 : i32
      %dma_wait3A_23 = arith.constant 0 : i32
      %dma_wait3A_24 = arith.constant 0 : i32
      %dma_wait3A_25 = tpu.memref_slice %arg3[%arg0, %arg1, %dma_wait3A, %dma_wait3A_23, %dma_wait3A_24] : memref<2x16x164x1x128xi32, #tpu.memory_space<hbm>> -> memref<1x1x164x1x128xi32, #tpu.memory_space<hbm>>
      %dma_wait3A_26 = tpu.memref_squeeze %dma_wait3A_25 : memref<1x1x164x1x128xi32, #tpu.memory_space<hbm>> -> memref<164x1x128xi32, #tpu.memory_space<hbm>>
      %dma_wait3A_27 = arith.constant 0 : i32
      %dma_wait3A_28 = arith.constant 0 : i32
      %dma_wait3A_29 = arith.constant 0 : i32
      %dma_wait3A_30 = tpu.memref_slice %arg3[%arg0, %arg1, %dma_wait3A_27, %dma_wait3A_28, %dma_wait3A_29] : memref<2x16x164x1x128xi32, #tpu.memory_space<hbm>> -> memref<1x1x164x1x128xi32, #tpu.memory_space<hbm>>
      %dma_wait3A_31 = tpu.memref_squeeze %dma_wait3A_30 : memref<1x1x164x1x128xi32, #tpu.memory_space<hbm>> -> memref<164x1x128xi32, #tpu.memory_space<hbm>>
      tpu.wait_dma2 semaphore(%run_scoped3A : memref<!tpu.dma_semaphore, #tpu.memory_space<semaphore_mem>>) src(%dma_wait3A_31 : memref<164x1x128xi32, #tpu.memory_space<hbm>>) dst(%arg6 : memref<164x1x128xi32, #tpu.memory_space<vmem>>)
      tpu.yield
    }) : () -> ()
    %add3A = arith.constant 0 : i32
    %add3A_3 = arith.addi %mul3A_0, %add3A : i32
    %dma_start3A = arith.constant 0 : i32
    %dma_start3A_4 = tpu.memref_slice %arg2[%add3A_3, %dma_start3A] : memref<335872x128xf32, #tpu.memory_space<hbm>> -> memref<128x128xf32, #tpu.memory_space<hbm>>
    %dma_start3A_5 = arith.constant 0 : i32
    %dma_start3A_6 = tpu.memref_slice %arg2[%add3A_3, %dma_start3A_5] : memref<335872x128xf32, #tpu.memory_space<hbm>> -> memref<128x128xf32, #tpu.memory_space<hbm>>
    tpu.enqueue_dma source(%dma_start3A_6 : memref<128x128xf32, #tpu.memory_space<hbm>>) target(%arg7 : memref<128x128xf32, #tpu.memory_space<vmem>>) target_semaphore(%arg10 : memref<!tpu.dma_semaphore, #tpu.memory_space<semaphore_mem>>)
    %scan3A = arith.constant 0 : i32
    %scan3A_7 = arith.constant 0 : i32
    %scan3A_8 = arith.constant 82 : i32
    %scan3A_9 = arith.addi %scan3A_7, %scan3A_8 : i32
    %scan3A_10 = arith.constant 1 : i32
    scf.for %scan3A_13 = %scan3A_7 to %scan3A_9 step %scan3A_10  : i32 {
      %mul3A_14 = arith.constant 2 : i32
      %mul3A_15 = arith.muli %mul3A_14, %scan3A_13 : i32
      %add3A_16 = arith.constant 1 : i32
      %add3A_17 = arith.addi %mul3A_15, %add3A_16 : i32
      %mul3A_18 = arith.constant 128 : i32
      %mul3A_19 = arith.muli %add3A_17, %mul3A_18 : i32
      %add3A_20 = arith.addi %mul3A_0, %mul3A_19 : i32
      %dma_start3A_21 = arith.constant 0 : i32
      %dma_start3A_22 = tpu.memref_slice %arg2[%add3A_20, %dma_start3A_21] : memref<335872x128xf32, #tpu.memory_space<hbm>> -> memref<128x128xf32, #tpu.memory_space<hbm>>
      %dma_start3A_23 = arith.constant 0 : i32
      %dma_start3A_24 = tpu.memref_slice %arg2[%add3A_20, %dma_start3A_23] : memref<335872x128xf32, #tpu.memory_space<hbm>> -> memref<128x128xf32, #tpu.memory_space<hbm>>
      tpu.enqueue_dma source(%dma_start3A_24 : memref<128x128xf32, #tpu.memory_space<hbm>>) target(%arg8 : memref<128x128xf32, #tpu.memory_space<vmem>>) target_semaphore(%arg11 : memref<!tpu.dma_semaphore, #tpu.memory_space<semaphore_mem>>)
      %mul3A_25 = arith.constant 128 : i32
      %mul3A_26 = arith.muli %mul3A_15, %mul3A_25 : i32
      %add3A_27 = arith.addi %mul3A_0, %mul3A_26 : i32
      %dma_wait3A = arith.constant 0 : i32
      %dma_wait3A_28 = tpu.memref_slice %arg2[%add3A_27, %dma_wait3A] : memref<335872x128xf32, #tpu.memory_space<hbm>> -> memref<128x128xf32, #tpu.memory_space<hbm>>
      %dma_wait3A_29 = arith.constant 0 : i32
      %dma_wait3A_30 = tpu.memref_slice %arg2[%add3A_27, %dma_wait3A_29] : memref<335872x128xf32, #tpu.memory_space<hbm>> -> memref<128x128xf32, #tpu.memory_space<hbm>>
      tpu.wait_dma2 semaphore(%arg10 : memref<!tpu.dma_semaphore, #tpu.memory_space<semaphore_mem>>) src(%dma_wait3A_30 : memref<128x128xf32, #tpu.memory_space<hbm>>) dst(%arg7 : memref<128x128xf32, #tpu.memory_space<vmem>>)
      %run_scoped3A = arith.constant 0 : i32
      "tpu.region"() ({
        %run_scoped3A_45 = tpu.sem_alloc : memref<!tpu.dma_semaphore, #tpu.memory_space<semaphore_mem>>
        %dma_start3A_46 = arith.constant 0 : i32
        %dma_start3A_47 = tpu.memref_slice %arg6[%mul3A_15, %run_scoped3A, %dma_start3A_46] : memref<164x1x128xi32, #tpu.memory_space<vmem>> -> memref<1x1x128xi32, #tpu.memory_space<vmem>>
        %dma_start3A_48 = tpu.memref_squeeze %dma_start3A_47 : memref<1x1x128xi32, #tpu.memory_space<vmem>> -> memref<128xi32, #tpu.memory_space<vmem>>
        %dma_start3A_49 = arith.constant 0 : i32
        %dma_start3A_50 = arith.constant 0 : i32
        %dma_start3A_51 = tpu.memref_slice %arg9[%dma_start3A_49, %dma_start3A_50] : memref<6400x128xf32, #tpu.memory_space<vmem_shared>> -> memref<6400x128xf32, #tpu.memory_space<vmem_shared>>
        tpu.enqueue_indirect_dma source(%arg7 : memref<128x128xf32, #tpu.memory_space<vmem>>) target(%dma_start3A_51 : memref<6400x128xf32, #tpu.memory_space<vmem_shared>>) offsets(%dma_start3A_48 : memref<128xi32, #tpu.memory_space<vmem>>) semaphore(%run_scoped3A_45 : memref<!tpu.dma_semaphore, #tpu.memory_space<semaphore_mem>>) {add = true}
        %dma_wait3A_52 = arith.constant 0 : i32
        %dma_wait3A_53 = tpu.memref_slice %arg6[%mul3A_15, %run_scoped3A, %dma_wait3A_52] : memref<164x1x128xi32, #tpu.memory_space<vmem>> -> memref<1x1x128xi32, #tpu.memory_space<vmem>>
        %dma_wait3A_54 = tpu.memref_squeeze %dma_wait3A_53 : memref<1x1x128xi32, #tpu.memory_space<vmem>> -> memref<128xi32, #tpu.memory_space<vmem>>
        %dma_wait3A_55 = arith.constant 0 : i32
        %dma_wait3A_56 = arith.constant 0 : i32
        %dma_wait3A_57 = tpu.memref_slice %arg9[%dma_wait3A_55, %dma_wait3A_56] : memref<6400x128xf32, #tpu.memory_space<vmem_shared>> -> memref<6400x128xf32, #tpu.memory_space<vmem_shared>>
        tpu.wait_indirect_dma semaphore(%run_scoped3A_45 : memref<!tpu.dma_semaphore, #tpu.memory_space<semaphore_mem>>) src(%arg7 : memref<128x128xf32, #tpu.memory_space<vmem>>) dst(%dma_wait3A_57 : memref<6400x128xf32, #tpu.memory_space<vmem_shared>>)
        tpu.yield
      }) : () -> ()
      %add3A_31 = arith.constant 1 : i32
      %add3A_32 = arith.addi %scan3A_13, %add3A_31 : i32
      %lt3A = arith.constant 82 : i32
      %lt3A_33 = arith.cmpi slt, %add3A_32, %lt3A : i32
      %convert_element_type3A = arith.extui %lt3A_33 : i1 to i32
      %cond3A = arith.constant 0 : i32
      %cond3A_34 = arith.cmpi ne, %convert_element_type3A, %cond3A : i32
      scf.if %cond3A_34 {
        %add3A_45 = arith.constant 2 : i32
        %add3A_46 = arith.addi %mul3A_15, %add3A_45 : i32
        %mul3A_47 = arith.constant 128 : i32
        %mul3A_48 = arith.muli %add3A_46, %mul3A_47 : i32
        %add3A_49 = arith.addi %mul3A_0, %mul3A_48 : i32
        %dma_start3A_50 = arith.constant 0 : i32
        %dma_start3A_51 = tpu.memref_slice %arg2[%add3A_49, %dma_start3A_50] : memref<335872x128xf32, #tpu.memory_space<hbm>> -> memref<128x128xf32, #tpu.memory_space<hbm>>
        %dma_start3A_52 = arith.constant 0 : i32
        %dma_start3A_53 = tpu.memref_slice %arg2[%add3A_49, %dma_start3A_52] : memref<335872x128xf32, #tpu.memory_space<hbm>> -> memref<128x128xf32, #tpu.memory_space<hbm>>
        tpu.enqueue_dma source(%dma_start3A_53 : memref<128x128xf32, #tpu.memory_space<hbm>>) target(%arg7 : memref<128x128xf32, #tpu.memory_space<vmem>>) target_semaphore(%arg10 : memref<!tpu.dma_semaphore, #tpu.memory_space<semaphore_mem>>)
      } else {
      }
      %add3A_35 = arith.constant 1 : i32
      %add3A_36 = arith.addi %mul3A_15, %add3A_35 : i32
      %mul3A_37 = arith.constant 128 : i32
      %mul3A_38 = arith.muli %add3A_36, %mul3A_37 : i32
      %add3A_39 = arith.addi %mul3A_0, %mul3A_38 : i32
      %dma_wait3A_40 = arith.constant 0 : i32
      %dma_wait3A_41 = tpu.memref_slice %arg2[%add3A_39, %dma_wait3A_40] : memref<335872x128xf32, #tpu.memory_space<hbm>> -> memref<128x128xf32, #tpu.memory_space<hbm>>
      %dma_wait3A_42 = arith.constant 0 : i32
      %dma_wait3A_43 = tpu.memref_slice %arg2[%add3A_39, %dma_wait3A_42] : memref<335872x128xf32, #tpu.memory_space<hbm>> -> memref<128x128xf32, #tpu.memory_space<hbm>>
      tpu.wait_dma2 semaphore(%arg11 : memref<!tpu.dma_semaphore, #tpu.memory_space<semaphore_mem>>) src(%dma_wait3A_43 : memref<128x128xf32, #tpu.memory_space<hbm>>) dst(%arg8 : memref<128x128xf32, #tpu.memory_space<vmem>>)
      %run_scoped3A_44 = arith.constant 0 : i32
      "tpu.region"() ({
        %run_scoped3A_45 = tpu.sem_alloc : memref<!tpu.dma_semaphore, #tpu.memory_space<semaphore_mem>>
        %dma_start3A_46 = arith.constant 0 : i32
        %dma_start3A_47 = tpu.memref_slice %arg6[%add3A_36, %run_scoped3A_44, %dma_start3A_46] : memref<164x1x128xi32, #tpu.memory_space<vmem>> -> memref<1x1x128xi32, #tpu.memory_space<vmem>>
        %dma_start3A_48 = tpu.memref_squeeze %dma_start3A_47 : memref<1x1x128xi32, #tpu.memory_space<vmem>> -> memref<128xi32, #tpu.memory_space<vmem>>
        %dma_start3A_49 = arith.constant 0 : i32
        %dma_start3A_50 = arith.constant 0 : i32
        %dma_start3A_51 = tpu.memref_slice %arg9[%dma_start3A_49, %dma_start3A_50] : memref<6400x128xf32, #tpu.memory_space<vmem_shared>> -> memref<6400x128xf32, #tpu.memory_space<vmem_shared>>
        tpu.enqueue_indirect_dma source(%arg8 : memref<128x128xf32, #tpu.memory_space<vmem>>) target(%dma_start3A_51 : memref<6400x128xf32, #tpu.memory_space<vmem_shared>>) offsets(%dma_start3A_48 : memref<128xi32, #tpu.memory_space<vmem>>) semaphore(%run_scoped3A_45 : memref<!tpu.dma_semaphore, #tpu.memory_space<semaphore_mem>>) {add = true}
        %dma_wait3A_52 = arith.constant 0 : i32
        %dma_wait3A_53 = tpu.memref_slice %arg6[%add3A_36, %run_scoped3A_44, %dma_wait3A_52] : memref<164x1x128xi32, #tpu.memory_space<vmem>> -> memref<1x1x128xi32, #tpu.memory_space<vmem>>
        %dma_wait3A_54 = tpu.memref_squeeze %dma_wait3A_53 : memref<1x1x128xi32, #tpu.memory_space<vmem>> -> memref<128xi32, #tpu.memory_space<vmem>>
        %dma_wait3A_55 = arith.constant 0 : i32
        %dma_wait3A_56 = arith.constant 0 : i32
        %dma_wait3A_57 = tpu.memref_slice %arg9[%dma_wait3A_55, %dma_wait3A_56] : memref<6400x128xf32, #tpu.memory_space<vmem_shared>> -> memref<6400x128xf32, #tpu.memory_space<vmem_shared>>
        tpu.wait_indirect_dma semaphore(%run_scoped3A_45 : memref<!tpu.dma_semaphore, #tpu.memory_space<semaphore_mem>>) src(%arg8 : memref<128x128xf32, #tpu.memory_space<vmem>>) dst(%dma_wait3A_57 : memref<6400x128xf32, #tpu.memory_space<vmem_shared>>)
        tpu.yield
      }) : () -> ()
    }
    %scan3A_11 = arith.constant 82 : i32
    %barrier3A_12 = arith.constant 0 : index
    tpu.barrier barrier_id(%barrier3A_12)
    "tpu.region"() ({
      %run_scoped3A = tpu.sem_alloc : memref<!tpu.dma_semaphore, #tpu.memory_space<semaphore_mem>>
      %dma_start3A_13 = arith.constant 0 : i32
      %dma_start3A_14 = tpu.memref_slice %arg5[%arg0, %mul3A_2, %dma_start3A_13] : memref<2x6400x128xf32, #tpu.memory_space<hbm>> -> memref<1x400x128xf32, #tpu.memory_space<hbm>>
      %dma_start3A_15 = tpu.memref_squeeze %dma_start3A_14 : memref<1x400x128xf32, #tpu.memory_space<hbm>> -> memref<400x128xf32, #tpu.memory_space<hbm>>
      %dma_start3A_16 = arith.constant 0 : i32
      %dma_start3A_17 = tpu.memref_slice %arg9[%mul3A_2, %dma_start3A_16] : memref<6400x128xf32, #tpu.memory_space<vmem_shared>> -> memref<400x128xf32, #tpu.memory_space<vmem_shared>>
      tpu.enqueue_dma source(%dma_start3A_17 : memref<400x128xf32, #tpu.memory_space<vmem_shared>>) target(%dma_start3A_15 : memref<400x128xf32, #tpu.memory_space<hbm>>) target_semaphore(%run_scoped3A : memref<!tpu.dma_semaphore, #tpu.memory_space<semaphore_mem>>)
      %dma_wait3A = arith.constant 0 : i32
      %dma_wait3A_18 = tpu.memref_slice %arg5[%arg0, %mul3A_2, %dma_wait3A] : memref<2x6400x128xf32, #tpu.memory_space<hbm>> -> memref<1x400x128xf32, #tpu.memory_space<hbm>>
      %dma_wait3A_19 = tpu.memref_squeeze %dma_wait3A_18 : memref<1x400x128xf32, #tpu.memory_space<hbm>> -> memref<400x128xf32, #tpu.memory_space<hbm>>
      %dma_wait3A_20 = arith.constant 0 : i32
      %dma_wait3A_21 = tpu.memref_slice %arg9[%mul3A_2, %dma_wait3A_20] : memref<6400x128xf32, #tpu.memory_space<vmem_shared>> -> memref<400x128xf32, #tpu.memory_space<vmem_shared>>
      tpu.wait_dma2 semaphore(%run_scoped3A : memref<!tpu.dma_semaphore, #tpu.memory_space<semaphore_mem>>) src(%dma_wait3A_21 : memref<400x128xf32, #tpu.memory_space<vmem_shared>>) dst(%dma_wait3A_19 : memref<400x128xf32, #tpu.memory_space<hbm>>)
      tpu.yield
    }) : () -> ()
    return
  }
}

#map = affine_map<(d0, d1) -> (0, 0)>
#map1 = affine_map<(d0, d1) -> (0)>
module attributes {stable_mosaic.version = 14 : i64} {
  func.func @_gather_body(%arg0: i32, %arg1: i32, %arg2: memref<10000x128xf32, #tpu.memory_space<hbm>>, %arg3: memref<10000x128xf32, #tpu.memory_space<hbm>>, %arg4: memref<335872xi32, #tpu.memory_space<hbm>>, %arg5: memref<335872xi32, #tpu.memory_space<hbm>>, %arg6: memref<335872x128xf32, #tpu.memory_space<hbm>>, %arg7: memref<335872x128xf32, #tpu.memory_space<hbm>>, %arg8: memref<10496xi32, #tpu.memory_space<vmem>>, %arg9: memref<10496xi32, #tpu.memory_space<vmem>>, %arg10: memref<128x128xf32, #tpu.memory_space<vmem>>, %arg11: memref<128x128xf32, #tpu.memory_space<vmem>>, %arg12: memref<128x128xf32, #tpu.memory_space<vmem>>, %arg13: memref<128x128xf32, #tpu.memory_space<vmem>>, %arg14: memref<!tpu.dma_semaphore, #tpu.memory_space<semaphore_mem>>, %arg15: memref<!tpu.dma_semaphore, #tpu.memory_space<semaphore_mem>>, %arg16: memref<!tpu.dma_semaphore, #tpu.memory_space<semaphore_mem>>, %arg17: memref<!tpu.dma_semaphore, #tpu.memory_space<semaphore_mem>>) attributes {dimension_semantics = [#tpu.dimension_semantics<core_parallel>, #tpu.dimension_semantics<subcore_parallel>], iteration_bounds = array<i64: 2, 16>, scalar_prefetch = 0 : i64, scratch_operands = 10 : i64, tpu.core_type = #tpu.core_type<sc_vector_subcore>, window_params = [{transform_indices = #map}, {transform_indices = #map}, {transform_indices = #map1}, {transform_indices = #map1}, {transform_indices = #map}, {transform_indices = #map}]} {
    %mul3A = arith.constant 2 : i32
    %mul3A_0 = arith.muli %arg1, %mul3A : i32
    %add3A = arith.addi %mul3A_0, %arg0 : i32
    %mul3A_1 = arith.constant 10496 : i32
    %mul3A_2 = arith.muli %add3A, %mul3A_1 : i32
    "tpu.region"() ({
      %run_scoped3A = tpu.sem_alloc : memref<!tpu.dma_semaphore, #tpu.memory_space<semaphore_mem>>
      %dma_start3A_17 = tpu.memref_slice %arg4[%mul3A_2] : memref<335872xi32, #tpu.memory_space<hbm>> -> memref<10496xi32, #tpu.memory_space<hbm>>
      %dma_start3A_18 = tpu.memref_slice %arg4[%mul3A_2] : memref<335872xi32, #tpu.memory_space<hbm>> -> memref<10496xi32, #tpu.memory_space<hbm>>
      tpu.enqueue_dma source(%dma_start3A_18 : memref<10496xi32, #tpu.memory_space<hbm>>) target(%arg8 : memref<10496xi32, #tpu.memory_space<vmem>>) target_semaphore(%run_scoped3A : memref<!tpu.dma_semaphore, #tpu.memory_space<semaphore_mem>>)
      %dma_wait3A = tpu.memref_slice %arg4[%mul3A_2] : memref<335872xi32, #tpu.memory_space<hbm>> -> memref<10496xi32, #tpu.memory_space<hbm>>
      %dma_wait3A_19 = tpu.memref_slice %arg4[%mul3A_2] : memref<335872xi32, #tpu.memory_space<hbm>> -> memref<10496xi32, #tpu.memory_space<hbm>>
      tpu.wait_dma2 semaphore(%run_scoped3A : memref<!tpu.dma_semaphore, #tpu.memory_space<semaphore_mem>>) src(%dma_wait3A_19 : memref<10496xi32, #tpu.memory_space<hbm>>) dst(%arg8 : memref<10496xi32, #tpu.memory_space<vmem>>)
      tpu.yield
    }) : () -> ()
    "tpu.region"() ({
      %run_scoped3A = tpu.sem_alloc : memref<!tpu.dma_semaphore, #tpu.memory_space<semaphore_mem>>
      %dma_start3A_17 = tpu.memref_slice %arg5[%mul3A_2] : memref<335872xi32, #tpu.memory_space<hbm>> -> memref<10496xi32, #tpu.memory_space<hbm>>
      %dma_start3A_18 = tpu.memref_slice %arg5[%mul3A_2] : memref<335872xi32, #tpu.memory_space<hbm>> -> memref<10496xi32, #tpu.memory_space<hbm>>
      tpu.enqueue_dma source(%dma_start3A_18 : memref<10496xi32, #tpu.memory_space<hbm>>) target(%arg9 : memref<10496xi32, #tpu.memory_space<vmem>>) target_semaphore(%run_scoped3A : memref<!tpu.dma_semaphore, #tpu.memory_space<semaphore_mem>>)
      %dma_wait3A = tpu.memref_slice %arg5[%mul3A_2] : memref<335872xi32, #tpu.memory_space<hbm>> -> memref<10496xi32, #tpu.memory_space<hbm>>
      %dma_wait3A_19 = tpu.memref_slice %arg5[%mul3A_2] : memref<335872xi32, #tpu.memory_space<hbm>> -> memref<10496xi32, #tpu.memory_space<hbm>>
      tpu.wait_dma2 semaphore(%run_scoped3A : memref<!tpu.dma_semaphore, #tpu.memory_space<semaphore_mem>>) src(%dma_wait3A_19 : memref<10496xi32, #tpu.memory_space<hbm>>) dst(%arg9 : memref<10496xi32, #tpu.memory_space<vmem>>)
      tpu.yield
    }) : () -> ()
    %dma_start3A = arith.constant 0 : i32
    %dma_start3A_3 = tpu.memref_slice %arg8[%dma_start3A] : memref<10496xi32, #tpu.memory_space<vmem>> -> memref<128xi32, #tpu.memory_space<vmem>>
    %dma_start3A_4 = arith.constant 0 : i32
    %dma_start3A_5 = arith.constant 0 : i32
    %dma_start3A_6 = tpu.memref_slice %arg2[%dma_start3A_4, %dma_start3A_5] : memref<10000x128xf32, #tpu.memory_space<hbm>> -> memref<10000x128xf32, #tpu.memory_space<hbm>>
    tpu.enqueue_indirect_dma source(%dma_start3A_6 : memref<10000x128xf32, #tpu.memory_space<hbm>>) target(%arg10 : memref<128x128xf32, #tpu.memory_space<vmem>>) offsets(%dma_start3A_3 : memref<128xi32, #tpu.memory_space<vmem>>) semaphore(%arg14 : memref<!tpu.dma_semaphore, #tpu.memory_space<semaphore_mem>>)
    %dma_start3A_7 = arith.constant 0 : i32
    %dma_start3A_8 = tpu.memref_slice %arg9[%dma_start3A_7] : memref<10496xi32, #tpu.memory_space<vmem>> -> memref<128xi32, #tpu.memory_space<vmem>>
    %dma_start3A_9 = arith.constant 0 : i32
    %dma_start3A_10 = arith.constant 0 : i32
    %dma_start3A_11 = tpu.memref_slice %arg3[%dma_start3A_9, %dma_start3A_10] : memref<10000x128xf32, #tpu.memory_space<hbm>> -> memref<10000x128xf32, #tpu.memory_space<hbm>>
    tpu.enqueue_indirect_dma source(%dma_start3A_11 : memref<10000x128xf32, #tpu.memory_space<hbm>>) target(%arg12 : memref<128x128xf32, #tpu.memory_space<vmem>>) offsets(%dma_start3A_8 : memref<128xi32, #tpu.memory_space<vmem>>) semaphore(%arg16 : memref<!tpu.dma_semaphore, #tpu.memory_space<semaphore_mem>>)
    %scan3A = arith.constant 0 : i32
    %scan3A_12 = arith.constant 0 : i32
    %scan3A_13 = arith.constant 41 : i32
    %scan3A_14 = arith.addi %scan3A_12, %scan3A_13 : i32
    %scan3A_15 = arith.constant 1 : i32
    scf.for %scan3A_17 = %scan3A_12 to %scan3A_14 step %scan3A_15  : i32 {
      %mul3A_18 = arith.constant 2 : i32
      %mul3A_19 = arith.muli %mul3A_18, %scan3A_17 : i32
      %add3A_20 = arith.constant 1 : i32
      %add3A_21 = arith.addi %mul3A_19, %add3A_20 : i32
      %mul3A_22 = arith.constant 128 : i32
      %mul3A_23 = arith.muli %add3A_21, %mul3A_22 : i32
      %dma_start3A_24 = tpu.memref_slice %arg8[%mul3A_23] : memref<10496xi32, #tpu.memory_space<vmem>> -> memref<128xi32, #tpu.memory_space<vmem>>
      %dma_start3A_25 = arith.constant 0 : i32
      %dma_start3A_26 = arith.constant 0 : i32
      %dma_start3A_27 = tpu.memref_slice %arg2[%dma_start3A_25, %dma_start3A_26] : memref<10000x128xf32, #tpu.memory_space<hbm>> -> memref<10000x128xf32, #tpu.memory_space<hbm>>
      tpu.enqueue_indirect_dma source(%dma_start3A_27 : memref<10000x128xf32, #tpu.memory_space<hbm>>) target(%arg11 : memref<128x128xf32, #tpu.memory_space<vmem>>) offsets(%dma_start3A_24 : memref<128xi32, #tpu.memory_space<vmem>>) semaphore(%arg15 : memref<!tpu.dma_semaphore, #tpu.memory_space<semaphore_mem>>)
      %mul3A_28 = arith.constant 128 : i32
      %mul3A_29 = arith.muli %add3A_21, %mul3A_28 : i32
      %dma_start3A_30 = tpu.memref_slice %arg9[%mul3A_29] : memref<10496xi32, #tpu.memory_space<vmem>> -> memref<128xi32, #tpu.memory_space<vmem>>
      %dma_start3A_31 = arith.constant 0 : i32
      %dma_start3A_32 = arith.constant 0 : i32
      %dma_start3A_33 = tpu.memref_slice %arg3[%dma_start3A_31, %dma_start3A_32] : memref<10000x128xf32, #tpu.memory_space<hbm>> -> memref<10000x128xf32, #tpu.memory_space<hbm>>
      tpu.enqueue_indirect_dma source(%dma_start3A_33 : memref<10000x128xf32, #tpu.memory_space<hbm>>) target(%arg13 : memref<128x128xf32, #tpu.memory_space<vmem>>) offsets(%dma_start3A_30 : memref<128xi32, #tpu.memory_space<vmem>>) semaphore(%arg17 : memref<!tpu.dma_semaphore, #tpu.memory_space<semaphore_mem>>)
      %mul3A_34 = arith.constant 128 : i32
      %mul3A_35 = arith.muli %mul3A_19, %mul3A_34 : i32
      %dma_wait3A = tpu.memref_slice %arg8[%mul3A_35] : memref<10496xi32, #tpu.memory_space<vmem>> -> memref<128xi32, #tpu.memory_space<vmem>>
      %dma_wait3A_36 = arith.constant 0 : i32
      %dma_wait3A_37 = arith.constant 0 : i32
      %dma_wait3A_38 = tpu.memref_slice %arg2[%dma_wait3A_36, %dma_wait3A_37] : memref<10000x128xf32, #tpu.memory_space<hbm>> -> memref<10000x128xf32, #tpu.memory_space<hbm>>
      tpu.wait_indirect_dma semaphore(%arg14 : memref<!tpu.dma_semaphore, #tpu.memory_space<semaphore_mem>>) src(%dma_wait3A_38 : memref<10000x128xf32, #tpu.memory_space<hbm>>) dst(%arg10 : memref<128x128xf32, #tpu.memory_space<vmem>>)
      %mul3A_39 = arith.constant 128 : i32
      %mul3A_40 = arith.muli %mul3A_19, %mul3A_39 : i32
      %add3A_41 = arith.addi %mul3A_2, %mul3A_40 : i32
      "tpu.region"() ({
        %run_scoped3A = tpu.sem_alloc : memref<!tpu.dma_semaphore, #tpu.memory_space<semaphore_mem>>
        %dma_start3A_75 = arith.constant 0 : i32
        %dma_start3A_76 = tpu.memref_slice %arg6[%add3A_41, %dma_start3A_75] : memref<335872x128xf32, #tpu.memory_space<hbm>> -> memref<128x128xf32, #tpu.memory_space<hbm>>
        %dma_start3A_77 = arith.constant 0 : i32
        %dma_start3A_78 = tpu.memref_slice %arg6[%add3A_41, %dma_start3A_77] : memref<335872x128xf32, #tpu.memory_space<hbm>> -> memref<128x128xf32, #tpu.memory_space<hbm>>
        tpu.enqueue_dma source(%arg10 : memref<128x128xf32, #tpu.memory_space<vmem>>) target(%dma_start3A_78 : memref<128x128xf32, #tpu.memory_space<hbm>>) target_semaphore(%run_scoped3A : memref<!tpu.dma_semaphore, #tpu.memory_space<semaphore_mem>>)
        %dma_wait3A_79 = arith.constant 0 : i32
        %dma_wait3A_80 = tpu.memref_slice %arg6[%add3A_41, %dma_wait3A_79] : memref<335872x128xf32, #tpu.memory_space<hbm>> -> memref<128x128xf32, #tpu.memory_space<hbm>>
        %dma_wait3A_81 = arith.constant 0 : i32
        %dma_wait3A_82 = tpu.memref_slice %arg6[%add3A_41, %dma_wait3A_81] : memref<335872x128xf32, #tpu.memory_space<hbm>> -> memref<128x128xf32, #tpu.memory_space<hbm>>
        tpu.wait_dma2 semaphore(%run_scoped3A : memref<!tpu.dma_semaphore, #tpu.memory_space<semaphore_mem>>) src(%arg10 : memref<128x128xf32, #tpu.memory_space<vmem>>) dst(%dma_wait3A_82 : memref<128x128xf32, #tpu.memory_space<hbm>>)
        tpu.yield
      }) : () -> ()
      %mul3A_42 = arith.constant 128 : i32
      %mul3A_43 = arith.muli %mul3A_19, %mul3A_42 : i32
      %dma_wait3A_44 = tpu.memref_slice %arg9[%mul3A_43] : memref<10496xi32, #tpu.memory_space<vmem>> -> memref<128xi32, #tpu.memory_space<vmem>>
      %dma_wait3A_45 = arith.constant 0 : i32
      %dma_wait3A_46 = arith.constant 0 : i32
      %dma_wait3A_47 = tpu.memref_slice %arg3[%dma_wait3A_45, %dma_wait3A_46] : memref<10000x128xf32, #tpu.memory_space<hbm>> -> memref<10000x128xf32, #tpu.memory_space<hbm>>
      tpu.wait_indirect_dma semaphore(%arg16 : memref<!tpu.dma_semaphore, #tpu.memory_space<semaphore_mem>>) src(%dma_wait3A_47 : memref<10000x128xf32, #tpu.memory_space<hbm>>) dst(%arg12 : memref<128x128xf32, #tpu.memory_space<vmem>>)
      %mul3A_48 = arith.constant 128 : i32
      %mul3A_49 = arith.muli %mul3A_19, %mul3A_48 : i32
      %add3A_50 = arith.addi %mul3A_2, %mul3A_49 : i32
      "tpu.region"() ({
        %run_scoped3A = tpu.sem_alloc : memref<!tpu.dma_semaphore, #tpu.memory_space<semaphore_mem>>
        %dma_start3A_75 = arith.constant 0 : i32
        %dma_start3A_76 = tpu.memref_slice %arg7[%add3A_50, %dma_start3A_75] : memref<335872x128xf32, #tpu.memory_space<hbm>> -> memref<128x128xf32, #tpu.memory_space<hbm>>
        %dma_start3A_77 = arith.constant 0 : i32
        %dma_start3A_78 = tpu.memref_slice %arg7[%add3A_50, %dma_start3A_77] : memref<335872x128xf32, #tpu.memory_space<hbm>> -> memref<128x128xf32, #tpu.memory_space<hbm>>
        tpu.enqueue_dma source(%arg12 : memref<128x128xf32, #tpu.memory_space<vmem>>) target(%dma_start3A_78 : memref<128x128xf32, #tpu.memory_space<hbm>>) target_semaphore(%run_scoped3A : memref<!tpu.dma_semaphore, #tpu.memory_space<semaphore_mem>>)
        %dma_wait3A_79 = arith.constant 0 : i32
        %dma_wait3A_80 = tpu.memref_slice %arg7[%add3A_50, %dma_wait3A_79] : memref<335872x128xf32, #tpu.memory_space<hbm>> -> memref<128x128xf32, #tpu.memory_space<hbm>>
        %dma_wait3A_81 = arith.constant 0 : i32
        %dma_wait3A_82 = tpu.memref_slice %arg7[%add3A_50, %dma_wait3A_81] : memref<335872x128xf32, #tpu.memory_space<hbm>> -> memref<128x128xf32, #tpu.memory_space<hbm>>
        tpu.wait_dma2 semaphore(%run_scoped3A : memref<!tpu.dma_semaphore, #tpu.memory_space<semaphore_mem>>) src(%arg12 : memref<128x128xf32, #tpu.memory_space<vmem>>) dst(%dma_wait3A_82 : memref<128x128xf32, #tpu.memory_space<hbm>>)
        tpu.yield
      }) : () -> ()
      %add3A_51 = arith.constant 1 : i32
      %add3A_52 = arith.addi %scan3A_17, %add3A_51 : i32
      %lt3A = arith.constant 41 : i32
      %lt3A_53 = arith.cmpi slt, %add3A_52, %lt3A : i32
      %convert_element_type3A = arith.extui %lt3A_53 : i1 to i32
      %cond3A = arith.constant 0 : i32
      %cond3A_54 = arith.cmpi ne, %convert_element_type3A, %cond3A : i32
      scf.if %cond3A_54 {
        %add3A_75 = arith.constant 2 : i32
        %add3A_76 = arith.addi %mul3A_19, %add3A_75 : i32
        %mul3A_77 = arith.constant 128 : i32
        %mul3A_78 = arith.muli %add3A_76, %mul3A_77 : i32
        %dma_start3A_79 = tpu.memref_slice %arg8[%mul3A_78] : memref<10496xi32, #tpu.memory_space<vmem>> -> memref<128xi32, #tpu.memory_space<vmem>>
        %dma_start3A_80 = arith.constant 0 : i32
        %dma_start3A_81 = arith.constant 0 : i32
        %dma_start3A_82 = tpu.memref_slice %arg2[%dma_start3A_80, %dma_start3A_81] : memref<10000x128xf32, #tpu.memory_space<hbm>> -> memref<10000x128xf32, #tpu.memory_space<hbm>>
        tpu.enqueue_indirect_dma source(%dma_start3A_82 : memref<10000x128xf32, #tpu.memory_space<hbm>>) target(%arg10 : memref<128x128xf32, #tpu.memory_space<vmem>>) offsets(%dma_start3A_79 : memref<128xi32, #tpu.memory_space<vmem>>) semaphore(%arg14 : memref<!tpu.dma_semaphore, #tpu.memory_space<semaphore_mem>>)
        %mul3A_83 = arith.constant 128 : i32
        %mul3A_84 = arith.muli %add3A_76, %mul3A_83 : i32
        %dma_start3A_85 = tpu.memref_slice %arg9[%mul3A_84] : memref<10496xi32, #tpu.memory_space<vmem>> -> memref<128xi32, #tpu.memory_space<vmem>>
        %dma_start3A_86 = arith.constant 0 : i32
        %dma_start3A_87 = arith.constant 0 : i32
        %dma_start3A_88 = tpu.memref_slice %arg3[%dma_start3A_86, %dma_start3A_87] : memref<10000x128xf32, #tpu.memory_space<hbm>> -> memref<10000x128xf32, #tpu.memory_space<hbm>>
        tpu.enqueue_indirect_dma source(%dma_start3A_88 : memref<10000x128xf32, #tpu.memory_space<hbm>>) target(%arg12 : memref<128x128xf32, #tpu.memory_space<vmem>>) offsets(%dma_start3A_85 : memref<128xi32, #tpu.memory_space<vmem>>) semaphore(%arg16 : memref<!tpu.dma_semaphore, #tpu.memory_space<semaphore_mem>>)
      } else {
      }
      %add3A_55 = arith.constant 1 : i32
      %add3A_56 = arith.addi %mul3A_19, %add3A_55 : i32
      %mul3A_57 = arith.constant 128 : i32
      %mul3A_58 = arith.muli %add3A_56, %mul3A_57 : i32
      %dma_wait3A_59 = tpu.memref_slice %arg8[%mul3A_58] : memref<10496xi32, #tpu.memory_space<vmem>> -> memref<128xi32, #tpu.memory_space<vmem>>
      %dma_wait3A_60 = arith.constant 0 : i32
      %dma_wait3A_61 = arith.constant 0 : i32
      %dma_wait3A_62 = tpu.memref_slice %arg2[%dma_wait3A_60, %dma_wait3A_61] : memref<10000x128xf32, #tpu.memory_space<hbm>> -> memref<10000x128xf32, #tpu.memory_space<hbm>>
      tpu.wait_indirect_dma semaphore(%arg15 : memref<!tpu.dma_semaphore, #tpu.memory_space<semaphore_mem>>) src(%dma_wait3A_62 : memref<10000x128xf32, #tpu.memory_space<hbm>>) dst(%arg11 : memref<128x128xf32, #tpu.memory_space<vmem>>)
      %mul3A_63 = arith.constant 128 : i32
      %mul3A_64 = arith.muli %add3A_56, %mul3A_63 : i32
      %add3A_65 = arith.addi %mul3A_2, %mul3A_64 : i32
      "tpu.region"() ({
        %run_scoped3A = tpu.sem_alloc : memref<!tpu.dma_semaphore, #tpu.memory_space<semaphore_mem>>
        %dma_start3A_75 = arith.constant 0 : i32
        %dma_start3A_76 = tpu.memref_slice %arg6[%add3A_65, %dma_start3A_75] : memref<335872x128xf32, #tpu.memory_space<hbm>> -> memref<128x128xf32, #tpu.memory_space<hbm>>
        %dma_start3A_77 = arith.constant 0 : i32
        %dma_start3A_78 = tpu.memref_slice %arg6[%add3A_65, %dma_start3A_77] : memref<335872x128xf32, #tpu.memory_space<hbm>> -> memref<128x128xf32, #tpu.memory_space<hbm>>
        tpu.enqueue_dma source(%arg11 : memref<128x128xf32, #tpu.memory_space<vmem>>) target(%dma_start3A_78 : memref<128x128xf32, #tpu.memory_space<hbm>>) target_semaphore(%run_scoped3A : memref<!tpu.dma_semaphore, #tpu.memory_space<semaphore_mem>>)
        %dma_wait3A_79 = arith.constant 0 : i32
        %dma_wait3A_80 = tpu.memref_slice %arg6[%add3A_65, %dma_wait3A_79] : memref<335872x128xf32, #tpu.memory_space<hbm>> -> memref<128x128xf32, #tpu.memory_space<hbm>>
        %dma_wait3A_81 = arith.constant 0 : i32
        %dma_wait3A_82 = tpu.memref_slice %arg6[%add3A_65, %dma_wait3A_81] : memref<335872x128xf32, #tpu.memory_space<hbm>> -> memref<128x128xf32, #tpu.memory_space<hbm>>
        tpu.wait_dma2 semaphore(%run_scoped3A : memref<!tpu.dma_semaphore, #tpu.memory_space<semaphore_mem>>) src(%arg11 : memref<128x128xf32, #tpu.memory_space<vmem>>) dst(%dma_wait3A_82 : memref<128x128xf32, #tpu.memory_space<hbm>>)
        tpu.yield
      }) : () -> ()
      %mul3A_66 = arith.constant 128 : i32
      %mul3A_67 = arith.muli %add3A_56, %mul3A_66 : i32
      %dma_wait3A_68 = tpu.memref_slice %arg9[%mul3A_67] : memref<10496xi32, #tpu.memory_space<vmem>> -> memref<128xi32, #tpu.memory_space<vmem>>
      %dma_wait3A_69 = arith.constant 0 : i32
      %dma_wait3A_70 = arith.constant 0 : i32
      %dma_wait3A_71 = tpu.memref_slice %arg3[%dma_wait3A_69, %dma_wait3A_70] : memref<10000x128xf32, #tpu.memory_space<hbm>> -> memref<10000x128xf32, #tpu.memory_space<hbm>>
      tpu.wait_indirect_dma semaphore(%arg17 : memref<!tpu.dma_semaphore, #tpu.memory_space<semaphore_mem>>) src(%dma_wait3A_71 : memref<10000x128xf32, #tpu.memory_space<hbm>>) dst(%arg13 : memref<128x128xf32, #tpu.memory_space<vmem>>)
      %mul3A_72 = arith.constant 128 : i32
      %mul3A_73 = arith.muli %add3A_56, %mul3A_72 : i32
      %add3A_74 = arith.addi %mul3A_2, %mul3A_73 : i32
      "tpu.region"() ({
        %run_scoped3A = tpu.sem_alloc : memref<!tpu.dma_semaphore, #tpu.memory_space<semaphore_mem>>
        %dma_start3A_75 = arith.constant 0 : i32
        %dma_start3A_76 = tpu.memref_slice %arg7[%add3A_74, %dma_start3A_75] : memref<335872x128xf32, #tpu.memory_space<hbm>> -> memref<128x128xf32, #tpu.memory_space<hbm>>
        %dma_start3A_77 = arith.constant 0 : i32
        %dma_start3A_78 = tpu.memref_slice %arg7[%add3A_74, %dma_start3A_77] : memref<335872x128xf32, #tpu.memory_space<hbm>> -> memref<128x128xf32, #tpu.memory_space<hbm>>
        tpu.enqueue_dma source(%arg13 : memref<128x128xf32, #tpu.memory_space<vmem>>) target(%dma_start3A_78 : memref<128x128xf32, #tpu.memory_space<hbm>>) target_semaphore(%run_scoped3A : memref<!tpu.dma_semaphore, #tpu.memory_space<semaphore_mem>>)
        %dma_wait3A_79 = arith.constant 0 : i32
        %dma_wait3A_80 = tpu.memref_slice %arg7[%add3A_74, %dma_wait3A_79] : memref<335872x128xf32, #tpu.memory_space<hbm>> -> memref<128x128xf32, #tpu.memory_space<hbm>>
        %dma_wait3A_81 = arith.constant 0 : i32
        %dma_wait3A_82 = tpu.memref_slice %arg7[%add3A_74, %dma_wait3A_81] : memref<335872x128xf32, #tpu.memory_space<hbm>> -> memref<128x128xf32, #tpu.memory_space<hbm>>
        tpu.wait_dma2 semaphore(%run_scoped3A : memref<!tpu.dma_semaphore, #tpu.memory_space<semaphore_mem>>) src(%arg13 : memref<128x128xf32, #tpu.memory_space<vmem>>) dst(%dma_wait3A_82 : memref<128x128xf32, #tpu.memory_space<hbm>>)
        tpu.yield
      }) : () -> ()
    }
    %scan3A_16 = arith.constant 41 : i32
    return
  }
}

#map = affine_map<(d0, d1) -> (0, 0)>
#map1 = affine_map<(d0, d1) -> (0, 0, 0, 0, 0)>
#map2 = affine_map<(d0, d1) -> (0, 0, 0)>
module attributes {stable_mosaic.version = 14 : i64} {
  func.func @_scatter_body(%arg0: i32, %arg1: i32, %arg2: memref<335872x128xf32, #tpu.memory_space<hbm>>, %arg3: memref<2x16x164x1x128xi32, #tpu.memory_space<hbm>>, %arg4: memref<400x128xf32, #tpu.memory_space<hbm>>, %arg5: memref<2x6400x128xf32, #tpu.memory_space<hbm>>, %arg6: memref<164x1x128xi32, #tpu.memory_space<vmem>>, %arg7: memref<128x128xf32, #tpu.memory_space<vmem>>, %arg8: memref<128x128xf32, #tpu.memory_space<vmem>>, %arg9: memref<6400x128xf32, #tpu.memory_space<vmem_shared>>, %arg10: memref<!tpu.dma_semaphore, #tpu.memory_space<semaphore_mem>>, %arg11: memref<!tpu.dma_semaphore, #tpu.memory_space<semaphore_mem>>) attributes {dimension_semantics = [#tpu.dimension_semantics<core_parallel>, #tpu.dimension_semantics<subcore_parallel>], iteration_bounds = array<i64: 2, 16>, scalar_prefetch = 0 : i64, scratch_operands = 6 : i64, tpu.core_type = #tpu.core_type<sc_vector_subcore>, window_params = [{transform_indices = #map}, {transform_indices = #map1}, {transform_indices = #map}, {transform_indices = #map2}]} {
    %mul3A = arith.constant 20992 : i32
    %mul3A_0 = arith.muli %arg1, %mul3A : i32
    %mul3A_1 = arith.constant 400 : i32
    %mul3A_2 = arith.muli %arg1, %mul3A_1 : i32
    "tpu.region"() ({
      %run_scoped3A = tpu.sem_alloc : memref<!tpu.dma_semaphore, #tpu.memory_space<semaphore_mem>>
      %dma_start3A_13 = arith.constant 0 : i32
      %dma_start3A_14 = tpu.memref_slice %arg9[%mul3A_2, %dma_start3A_13] : memref<6400x128xf32, #tpu.memory_space<vmem_shared>> -> memref<400x128xf32, #tpu.memory_space<vmem_shared>>
      tpu.enqueue_dma source(%arg4 : memref<400x128xf32, #tpu.memory_space<hbm>>) target(%dma_start3A_14 : memref<400x128xf32, #tpu.memory_space<vmem_shared>>) target_semaphore(%run_scoped3A : memref<!tpu.dma_semaphore, #tpu.memory_space<semaphore_mem>>)
      %dma_wait3A = arith.constant 0 : i32
      %dma_wait3A_15 = tpu.memref_slice %arg9[%mul3A_2, %dma_wait3A] : memref<6400x128xf32, #tpu.memory_space<vmem_shared>> -> memref<400x128xf32, #tpu.memory_space<vmem_shared>>
      tpu.wait_dma2 semaphore(%run_scoped3A : memref<!tpu.dma_semaphore, #tpu.memory_space<semaphore_mem>>) src(%arg4 : memref<400x128xf32, #tpu.memory_space<hbm>>) dst(%dma_wait3A_15 : memref<400x128xf32, #tpu.memory_space<vmem_shared>>)
      tpu.yield
    }) : () -> ()
    %barrier3A = arith.constant 0 : index
    tpu.barrier barrier_id(%barrier3A)
    "tpu.region"() ({
      %run_scoped3A = tpu.sem_alloc : memref<!tpu.dma_semaphore, #tpu.memory_space<semaphore_mem>>
      %dma_start3A_13 = arith.constant 0 : i32
      %dma_start3A_14 = arith.constant 0 : i32
      %dma_start3A_15 = arith.constant 0 : i32
      %dma_start3A_16 = tpu.memref_slice %arg3[%arg0, %arg1, %dma_start3A_13, %dma_start3A_14, %dma_start3A_15] : memref<2x16x164x1x128xi32, #tpu.memory_space<hbm>> -> memref<1x1x164x1x128xi32, #tpu.memory_space<hbm>>
      %dma_start3A_17 = tpu.memref_squeeze %dma_start3A_16 : memref<1x1x164x1x128xi32, #tpu.memory_space<hbm>> -> memref<164x1x128xi32, #tpu.memory_space<hbm>>
      %dma_start3A_18 = arith.constant 0 : i32
      %dma_start3A_19 = arith.constant 0 : i32
      %dma_start3A_20 = arith.constant 0 : i32
      %dma_start3A_21 = tpu.memref_slice %arg3[%arg0, %arg1, %dma_start3A_18, %dma_start3A_19, %dma_start3A_20] : memref<2x16x164x1x128xi32, #tpu.memory_space<hbm>> -> memref<1x1x164x1x128xi32, #tpu.memory_space<hbm>>
      %dma_start3A_22 = tpu.memref_squeeze %dma_start3A_21 : memref<1x1x164x1x128xi32, #tpu.memory_space<hbm>> -> memref<164x1x128xi32, #tpu.memory_space<hbm>>
      tpu.enqueue_dma source(%dma_start3A_22 : memref<164x1x128xi32, #tpu.memory_space<hbm>>) target(%arg6 : memref<164x1x128xi32, #tpu.memory_space<vmem>>) target_semaphore(%run_scoped3A : memref<!tpu.dma_semaphore, #tpu.memory_space<semaphore_mem>>)
      %dma_wait3A = arith.constant 0 : i32
      %dma_wait3A_23 = arith.constant 0 : i32
      %dma_wait3A_24 = arith.constant 0 : i32
      %dma_wait3A_25 = tpu.memref_slice %arg3[%arg0, %arg1, %dma_wait3A, %dma_wait3A_23, %dma_wait3A_24] : memref<2x16x164x1x128xi32, #tpu.memory_space<hbm>> -> memref<1x1x164x1x128xi32, #tpu.memory_space<hbm>>
      %dma_wait3A_26 = tpu.memref_squeeze %dma_wait3A_25 : memref<1x1x164x1x128xi32, #tpu.memory_space<hbm>> -> memref<164x1x128xi32, #tpu.memory_space<hbm>>
      %dma_wait3A_27 = arith.constant 0 : i32
      %dma_wait3A_28 = arith.constant 0 : i32
      %dma_wait3A_29 = arith.constant 0 : i32
      %dma_wait3A_30 = tpu.memref_slice %arg3[%arg0, %arg1, %dma_wait3A_27, %dma_wait3A_28, %dma_wait3A_29] : memref<2x16x164x1x128xi32, #tpu.memory_space<hbm>> -> memref<1x1x164x1x128xi32, #tpu.memory_space<hbm>>
      %dma_wait3A_31 = tpu.memref_squeeze %dma_wait3A_30 : memref<1x1x164x1x128xi32, #tpu.memory_space<hbm>> -> memref<164x1x128xi32, #tpu.memory_space<hbm>>
      tpu.wait_dma2 semaphore(%run_scoped3A : memref<!tpu.dma_semaphore, #tpu.memory_space<semaphore_mem>>) src(%dma_wait3A_31 : memref<164x1x128xi32, #tpu.memory_space<hbm>>) dst(%arg6 : memref<164x1x128xi32, #tpu.memory_space<vmem>>)
      tpu.yield
    }) : () -> ()
    %add3A = arith.constant 0 : i32
    %add3A_3 = arith.addi %mul3A_0, %add3A : i32
    %dma_start3A = arith.constant 0 : i32
    %dma_start3A_4 = tpu.memref_slice %arg2[%add3A_3, %dma_start3A] : memref<335872x128xf32, #tpu.memory_space<hbm>> -> memref<128x128xf32, #tpu.memory_space<hbm>>
    %dma_start3A_5 = arith.constant 0 : i32
    %dma_start3A_6 = tpu.memref_slice %arg2[%add3A_3, %dma_start3A_5] : memref<335872x128xf32, #tpu.memory_space<hbm>> -> memref<128x128xf32, #tpu.memory_space<hbm>>
    tpu.enqueue_dma source(%dma_start3A_6 : memref<128x128xf32, #tpu.memory_space<hbm>>) target(%arg7 : memref<128x128xf32, #tpu.memory_space<vmem>>) target_semaphore(%arg10 : memref<!tpu.dma_semaphore, #tpu.memory_space<semaphore_mem>>)
    %scan3A = arith.constant 0 : i32
    %scan3A_7 = arith.constant 0 : i32
    %scan3A_8 = arith.constant 82 : i32
    %scan3A_9 = arith.addi %scan3A_7, %scan3A_8 : i32
    %scan3A_10 = arith.constant 1 : i32
    scf.for %scan3A_13 = %scan3A_7 to %scan3A_9 step %scan3A_10  : i32 {
      %mul3A_14 = arith.constant 2 : i32
      %mul3A_15 = arith.muli %mul3A_14, %scan3A_13 : i32
      %add3A_16 = arith.constant 1 : i32
      %add3A_17 = arith.addi %mul3A_15, %add3A_16 : i32
      %mul3A_18 = arith.constant 128 : i32
      %mul3A_19 = arith.muli %add3A_17, %mul3A_18 : i32
      %add3A_20 = arith.addi %mul3A_0, %mul3A_19 : i32
      %dma_start3A_21 = arith.constant 0 : i32
      %dma_start3A_22 = tpu.memref_slice %arg2[%add3A_20, %dma_start3A_21] : memref<335872x128xf32, #tpu.memory_space<hbm>> -> memref<128x128xf32, #tpu.memory_space<hbm>>
      %dma_start3A_23 = arith.constant 0 : i32
      %dma_start3A_24 = tpu.memref_slice %arg2[%add3A_20, %dma_start3A_23] : memref<335872x128xf32, #tpu.memory_space<hbm>> -> memref<128x128xf32, #tpu.memory_space<hbm>>
      tpu.enqueue_dma source(%dma_start3A_24 : memref<128x128xf32, #tpu.memory_space<hbm>>) target(%arg8 : memref<128x128xf32, #tpu.memory_space<vmem>>) target_semaphore(%arg11 : memref<!tpu.dma_semaphore, #tpu.memory_space<semaphore_mem>>)
      %mul3A_25 = arith.constant 128 : i32
      %mul3A_26 = arith.muli %mul3A_15, %mul3A_25 : i32
      %add3A_27 = arith.addi %mul3A_0, %mul3A_26 : i32
      %dma_wait3A = arith.constant 0 : i32
      %dma_wait3A_28 = tpu.memref_slice %arg2[%add3A_27, %dma_wait3A] : memref<335872x128xf32, #tpu.memory_space<hbm>> -> memref<128x128xf32, #tpu.memory_space<hbm>>
      %dma_wait3A_29 = arith.constant 0 : i32
      %dma_wait3A_30 = tpu.memref_slice %arg2[%add3A_27, %dma_wait3A_29] : memref<335872x128xf32, #tpu.memory_space<hbm>> -> memref<128x128xf32, #tpu.memory_space<hbm>>
      tpu.wait_dma2 semaphore(%arg10 : memref<!tpu.dma_semaphore, #tpu.memory_space<semaphore_mem>>) src(%dma_wait3A_30 : memref<128x128xf32, #tpu.memory_space<hbm>>) dst(%arg7 : memref<128x128xf32, #tpu.memory_space<vmem>>)
      %run_scoped3A = arith.constant 0 : i32
      "tpu.region"() ({
        %run_scoped3A_45 = tpu.sem_alloc : memref<!tpu.dma_semaphore, #tpu.memory_space<semaphore_mem>>
        %dma_start3A_46 = arith.constant 0 : i32
        %dma_start3A_47 = tpu.memref_slice %arg6[%mul3A_15, %run_scoped3A, %dma_start3A_46] : memref<164x1x128xi32, #tpu.memory_space<vmem>> -> memref<1x1x128xi32, #tpu.memory_space<vmem>>
        %dma_start3A_48 = tpu.memref_squeeze %dma_start3A_47 : memref<1x1x128xi32, #tpu.memory_space<vmem>> -> memref<128xi32, #tpu.memory_space<vmem>>
        %dma_start3A_49 = arith.constant 0 : i32
        %dma_start3A_50 = arith.constant 0 : i32
        %dma_start3A_51 = tpu.memref_slice %arg9[%dma_start3A_49, %dma_start3A_50] : memref<6400x128xf32, #tpu.memory_space<vmem_shared>> -> memref<6400x128xf32, #tpu.memory_space<vmem_shared>>
        tpu.enqueue_indirect_dma source(%arg7 : memref<128x128xf32, #tpu.memory_space<vmem>>) target(%dma_start3A_51 : memref<6400x128xf32, #tpu.memory_space<vmem_shared>>) offsets(%dma_start3A_48 : memref<128xi32, #tpu.memory_space<vmem>>) semaphore(%run_scoped3A_45 : memref<!tpu.dma_semaphore, #tpu.memory_space<semaphore_mem>>) {add = true}
        %dma_wait3A_52 = arith.constant 0 : i32
        %dma_wait3A_53 = tpu.memref_slice %arg6[%mul3A_15, %run_scoped3A, %dma_wait3A_52] : memref<164x1x128xi32, #tpu.memory_space<vmem>> -> memref<1x1x128xi32, #tpu.memory_space<vmem>>
        %dma_wait3A_54 = tpu.memref_squeeze %dma_wait3A_53 : memref<1x1x128xi32, #tpu.memory_space<vmem>> -> memref<128xi32, #tpu.memory_space<vmem>>
        %dma_wait3A_55 = arith.constant 0 : i32
        %dma_wait3A_56 = arith.constant 0 : i32
        %dma_wait3A_57 = tpu.memref_slice %arg9[%dma_wait3A_55, %dma_wait3A_56] : memref<6400x128xf32, #tpu.memory_space<vmem_shared>> -> memref<6400x128xf32, #tpu.memory_space<vmem_shared>>
        tpu.wait_indirect_dma semaphore(%run_scoped3A_45 : memref<!tpu.dma_semaphore, #tpu.memory_space<semaphore_mem>>) src(%arg7 : memref<128x128xf32, #tpu.memory_space<vmem>>) dst(%dma_wait3A_57 : memref<6400x128xf32, #tpu.memory_space<vmem_shared>>)
        tpu.yield
      }) : () -> ()
      %add3A_31 = arith.constant 1 : i32
      %add3A_32 = arith.addi %scan3A_13, %add3A_31 : i32
      %lt3A = arith.constant 82 : i32
      %lt3A_33 = arith.cmpi slt, %add3A_32, %lt3A : i32
      %convert_element_type3A = arith.extui %lt3A_33 : i1 to i32
      %cond3A = arith.constant 0 : i32
      %cond3A_34 = arith.cmpi ne, %convert_element_type3A, %cond3A : i32
      scf.if %cond3A_34 {
        %add3A_45 = arith.constant 2 : i32
        %add3A_46 = arith.addi %mul3A_15, %add3A_45 : i32
        %mul3A_47 = arith.constant 128 : i32
        %mul3A_48 = arith.muli %add3A_46, %mul3A_47 : i32
        %add3A_49 = arith.addi %mul3A_0, %mul3A_48 : i32
        %dma_start3A_50 = arith.constant 0 : i32
        %dma_start3A_51 = tpu.memref_slice %arg2[%add3A_49, %dma_start3A_50] : memref<335872x128xf32, #tpu.memory_space<hbm>> -> memref<128x128xf32, #tpu.memory_space<hbm>>
        %dma_start3A_52 = arith.constant 0 : i32
        %dma_start3A_53 = tpu.memref_slice %arg2[%add3A_49, %dma_start3A_52] : memref<335872x128xf32, #tpu.memory_space<hbm>> -> memref<128x128xf32, #tpu.memory_space<hbm>>
        tpu.enqueue_dma source(%dma_start3A_53 : memref<128x128xf32, #tpu.memory_space<hbm>>) target(%arg7 : memref<128x128xf32, #tpu.memory_space<vmem>>) target_semaphore(%arg10 : memref<!tpu.dma_semaphore, #tpu.memory_space<semaphore_mem>>)
      } else {
      }
      %add3A_35 = arith.constant 1 : i32
      %add3A_36 = arith.addi %mul3A_15, %add3A_35 : i32
      %mul3A_37 = arith.constant 128 : i32
      %mul3A_38 = arith.muli %add3A_36, %mul3A_37 : i32
      %add3A_39 = arith.addi %mul3A_0, %mul3A_38 : i32
      %dma_wait3A_40 = arith.constant 0 : i32
      %dma_wait3A_41 = tpu.memref_slice %arg2[%add3A_39, %dma_wait3A_40] : memref<335872x128xf32, #tpu.memory_space<hbm>> -> memref<128x128xf32, #tpu.memory_space<hbm>>
      %dma_wait3A_42 = arith.constant 0 : i32
      %dma_wait3A_43 = tpu.memref_slice %arg2[%add3A_39, %dma_wait3A_42] : memref<335872x128xf32, #tpu.memory_space<hbm>> -> memref<128x128xf32, #tpu.memory_space<hbm>>
      tpu.wait_dma2 semaphore(%arg11 : memref<!tpu.dma_semaphore, #tpu.memory_space<semaphore_mem>>) src(%dma_wait3A_43 : memref<128x128xf32, #tpu.memory_space<hbm>>) dst(%arg8 : memref<128x128xf32, #tpu.memory_space<vmem>>)
      %run_scoped3A_44 = arith.constant 0 : i32
      "tpu.region"() ({
        %run_scoped3A_45 = tpu.sem_alloc : memref<!tpu.dma_semaphore, #tpu.memory_space<semaphore_mem>>
        %dma_start3A_46 = arith.constant 0 : i32
        %dma_start3A_47 = tpu.memref_slice %arg6[%add3A_36, %run_scoped3A_44, %dma_start3A_46] : memref<164x1x128xi32, #tpu.memory_space<vmem>> -> memref<1x1x128xi32, #tpu.memory_space<vmem>>
        %dma_start3A_48 = tpu.memref_squeeze %dma_start3A_47 : memref<1x1x128xi32, #tpu.memory_space<vmem>> -> memref<128xi32, #tpu.memory_space<vmem>>
        %dma_start3A_49 = arith.constant 0 : i32
        %dma_start3A_50 = arith.constant 0 : i32
        %dma_start3A_51 = tpu.memref_slice %arg9[%dma_start3A_49, %dma_start3A_50] : memref<6400x128xf32, #tpu.memory_space<vmem_shared>> -> memref<6400x128xf32, #tpu.memory_space<vmem_shared>>
        tpu.enqueue_indirect_dma source(%arg8 : memref<128x128xf32, #tpu.memory_space<vmem>>) target(%dma_start3A_51 : memref<6400x128xf32, #tpu.memory_space<vmem_shared>>) offsets(%dma_start3A_48 : memref<128xi32, #tpu.memory_space<vmem>>) semaphore(%run_scoped3A_45 : memref<!tpu.dma_semaphore, #tpu.memory_space<semaphore_mem>>) {add = true}
        %dma_wait3A_52 = arith.constant 0 : i32
        %dma_wait3A_53 = tpu.memref_slice %arg6[%add3A_36, %run_scoped3A_44, %dma_wait3A_52] : memref<164x1x128xi32, #tpu.memory_space<vmem>> -> memref<1x1x128xi32, #tpu.memory_space<vmem>>
        %dma_wait3A_54 = tpu.memref_squeeze %dma_wait3A_53 : memref<1x1x128xi32, #tpu.memory_space<vmem>> -> memref<128xi32, #tpu.memory_space<vmem>>
        %dma_wait3A_55 = arith.constant 0 : i32
        %dma_wait3A_56 = arith.constant 0 : i32
        %dma_wait3A_57 = tpu.memref_slice %arg9[%dma_wait3A_55, %dma_wait3A_56] : memref<6400x128xf32, #tpu.memory_space<vmem_shared>> -> memref<6400x128xf32, #tpu.memory_space<vmem_shared>>
        tpu.wait_indirect_dma semaphore(%run_scoped3A_45 : memref<!tpu.dma_semaphore, #tpu.memory_space<semaphore_mem>>) src(%arg8 : memref<128x128xf32, #tpu.memory_space<vmem>>) dst(%dma_wait3A_57 : memref<6400x128xf32, #tpu.memory_space<vmem_shared>>)
        tpu.yield
      }) : () -> ()
    }
    %scan3A_11 = arith.constant 82 : i32
    %barrier3A_12 = arith.constant 0 : index
    tpu.barrier barrier_id(%barrier3A_12)
    "tpu.region"() ({
      %run_scoped3A = tpu.sem_alloc : memref<!tpu.dma_semaphore, #tpu.memory_space<semaphore_mem>>
      %dma_start3A_13 = arith.constant 0 : i32
      %dma_start3A_14 = tpu.memref_slice %arg5[%arg0, %mul3A_2, %dma_start3A_13] : memref<2x6400x128xf32, #tpu.memory_space<hbm>> -> memref<1x400x128xf32, #tpu.memory_space<hbm>>
      %dma_start3A_15 = tpu.memref_squeeze %dma_start3A_14 : memref<1x400x128xf32, #tpu.memory_space<hbm>> -> memref<400x128xf32, #tpu.memory_space<hbm>>
      %dma_start3A_16 = arith.constant 0 : i32
      %dma_start3A_17 = tpu.memref_slice %arg9[%mul3A_2, %dma_start3A_16] : memref<6400x128xf32, #tpu.memory_space<vmem_shared>> -> memref<400x128xf32, #tpu.memory_space<vmem_shared>>
      tpu.enqueue_dma source(%dma_start3A_17 : memref<400x128xf32, #tpu.memory_space<vmem_shared>>) target(%dma_start3A_15 : memref<400x128xf32, #tpu.memory_space<hbm>>) target_semaphore(%run_scoped3A : memref<!tpu.dma_semaphore, #tpu.memory_space<semaphore_mem>>)
      %dma_wait3A = arith.constant 0 : i32
      %dma_wait3A_18 = tpu.memref_slice %arg5[%arg0, %mul3A_2, %dma_wait3A] : memref<2x6400x128xf32, #tpu.memory_space<hbm>> -> memref<1x400x128xf32, #tpu.memory_space<hbm>>
      %dma_wait3A_19 = tpu.memref_squeeze %dma_wait3A_18 : memref<1x400x128xf32, #tpu.memory_space<hbm>> -> memref<400x128xf32, #tpu.memory_space<hbm>>
      %dma_wait3A_20 = arith.constant 0 : i32
      %dma_wait3A_21 = tpu.memref_slice %arg9[%mul3A_2, %dma_wait3A_20] : memref<6400x128xf32, #tpu.memory_space<vmem_shared>> -> memref<400x128xf32, #tpu.memory_space<vmem_shared>>
      tpu.wait_dma2 semaphore(%run_scoped3A : memref<!tpu.dma_semaphore, #tpu.memory_space<semaphore_mem>>) src(%dma_wait3A_21 : memref<400x128xf32, #tpu.memory_space<vmem_shared>>) dst(%dma_wait3A_19 : memref<400x128xf32, #tpu.memory_space<hbm>>)
      tpu.yield
    }) : () -> ()
    return
  }
}

module attributes {stable_mosaic.version = 14 : i64} {
  func.func @_proj_body(%arg0: i32, %arg1: memref<2000x128xf32, #tpu.memory_space<vmem>>, %arg2: memref<128x128xf32, #tpu.memory_space<vmem>>, %arg3: memref<128x128xf32, #tpu.memory_space<vmem>>, %arg4: memref<1x128xf32, #tpu.memory_space<vmem>>, %arg5: memref<1x128xf32, #tpu.memory_space<vmem>>, %arg6: memref<2000x128xf32, #tpu.memory_space<vmem>>, %arg7: memref<2000x128xf32, #tpu.memory_space<vmem>>) attributes {dimension_semantics = [#tpu.dimension_semantics<arbitrary>], iteration_bounds = array<i64: 5>, scalar_prefetch = 0 : i64, scratch_operands = 0 : i64, tpu.core_type = #tpu.core_type<tc>, window_params = [{transform_indices = @transform_0, window_bounds = array<i64: 2000, 128>}, {pipeline_mode = #tpu.pipeline_mode<synchronous>, transform_indices = @transform_1, window_bounds = array<i64: 128, 128>}, {pipeline_mode = #tpu.pipeline_mode<synchronous>, transform_indices = @transform_2, window_bounds = array<i64: 128, 128>}, {pipeline_mode = #tpu.pipeline_mode<synchronous>, transform_indices = @transform_3, window_bounds = array<i64: 1, 128>}, {pipeline_mode = #tpu.pipeline_mode<synchronous>, transform_indices = @transform_4, window_bounds = array<i64: 1, 128>}, {transform_indices = @transform_5, window_bounds = array<i64: 2000, 128>}, {transform_indices = @transform_6, window_bounds = array<i64: 2000, 128>}]} {
    %get3A = arith.constant 0 : index
    %get3A_0 = arith.constant 0 : index
    %get3A_1 = vector.load %arg1[%get3A, %get3A_0] : memref<2000x128xf32, #tpu.memory_space<vmem>>, vector<2000x128xf32>
    %get3A_2 = arith.constant 0 : index
    %get3A_3 = arith.constant 0 : index
    %get3A_4 = vector.load %arg2[%get3A_2, %get3A_3] : memref<128x128xf32, #tpu.memory_space<vmem>>, vector<128x128xf32>
    %dot_general3A = arith.constant dense<0.000000e+00> : vector<2000x128xf32>
    %dot_general3A_5 = tpu.matmul %get3A_1, %get3A_4, %dot_general3A {dimension_numbers = #tpu.dot_dimension_numbers<[1], [0], [0], [1], [0, 0, 1, 1], [], []>, transpose_lhs_hint = false} : vector<2000x128xf32>, vector<128x128xf32>, vector<2000x128xf32> -> vector<2000x128xf32>
    %get3A_6 = arith.constant 0 : index
    %get3A_7 = arith.constant 0 : index
    %get3A_8 = vector.load %arg4[%get3A_6, %get3A_7] : memref<1x128xf32, #tpu.memory_space<vmem>>, vector<1x128xf32>
    %add3A = vector.broadcast %get3A_8 : vector<1x128xf32> to vector<2000x128xf32>
    %add3A_9 = arith.addf %dot_general3A_5, %add3A : vector<2000x128xf32>
    %swap3A = arith.constant 0 : index
    %swap3A_10 = arith.constant 0 : index
    %swap3A_11 = vector.load %arg6[%swap3A, %swap3A_10] : memref<2000x128xf32, #tpu.memory_space<vmem>>, vector<2000x128xf32>
    tpu.vector_store %arg6[%swap3A, %swap3A_10], %add3A_9 {strides = array<i32>} : memref<2000x128xf32, #tpu.memory_space<vmem>>, vector<2000x128xf32>,
    %get3A_12 = arith.constant 0 : index
    %get3A_13 = arith.constant 0 : index
    %get3A_14 = vector.load %arg3[%get3A_12, %get3A_13] : memref<128x128xf32, #tpu.memory_space<vmem>>, vector<128x128xf32>
    %dot_general3A_15 = arith.constant dense<0.000000e+00> : vector<2000x128xf32>
    %dot_general3A_16 = tpu.matmul %get3A_1, %get3A_14, %dot_general3A_15 {dimension_numbers = #tpu.dot_dimension_numbers<[1], [0], [0], [1], [0, 0, 1, 1], [], []>, transpose_lhs_hint = false} : vector<2000x128xf32>, vector<128x128xf32>, vector<2000x128xf32> -> vector<2000x128xf32>
    %get3A_17 = arith.constant 0 : index
    %get3A_18 = arith.constant 0 : index
    %get3A_19 = vector.load %arg5[%get3A_17, %get3A_18] : memref<1x128xf32, #tpu.memory_space<vmem>>, vector<1x128xf32>
    %add3A_20 = vector.broadcast %get3A_19 : vector<1x128xf32> to vector<2000x128xf32>
    %add3A_21 = arith.addf %dot_general3A_16, %add3A_20 : vector<2000x128xf32>
    %swap3A_22 = arith.constant 0 : index
    %swap3A_23 = arith.constant 0 : index
    %swap3A_24 = vector.load %arg7[%swap3A_22, %swap3A_23] : memref<2000x128xf32, #tpu.memory_space<vmem>>, vector<2000x128xf32>
    tpu.vector_store %arg7[%swap3A_22, %swap3A_23], %add3A_21 {strides = array<i32>} : memref<2000x128xf32, #tpu.memory_space<vmem>>, vector<2000x128xf32>,
    return
  }
  func.func @transform_0(%arg0: i32) -> (i32, i32) {
    %c0_i32 = arith.constant 0 : i32
    %c0_i32_0 = arith.constant 0 : i32
    return %arg0, %c0_i32 : i32, i32
  }
  func.func @transform_1(%arg0: i32) -> (i32, i32) {
    %c0_i32 = arith.constant 0 : i32
    %c0_i32_0 = arith.constant 0 : i32
    %c0_i32_1 = arith.constant 0 : i32
    return %c0_i32, %c0_i32_0 : i32, i32
  }
  func.func @transform_2(%arg0: i32) -> (i32, i32) {
    %c0_i32 = arith.constant 0 : i32
    %c0_i32_0 = arith.constant 0 : i32
    %c0_i32_1 = arith.constant 0 : i32
    return %c0_i32, %c0_i32_0 : i32, i32
  }
  func.func @transform_3(%arg0: i32) -> (i32, i32) {
    %c0_i32 = arith.constant 0 : i32
    %c0_i32_0 = arith.constant 0 : i32
    %c0_i32_1 = arith.constant 0 : i32
    return %c0_i32, %c0_i32_0 : i32, i32
  }
  func.func @transform_4(%arg0: i32) -> (i32, i32) {
    %c0_i32 = arith.constant 0 : i32
    %c0_i32_0 = arith.constant 0 : i32
    %c0_i32_1 = arith.constant 0 : i32
    return %c0_i32, %c0_i32_0 : i32, i32
  }
  func.func @transform_5(%arg0: i32) -> (i32, i32) {
    %c0_i32 = arith.constant 0 : i32
    %c0_i32_0 = arith.constant 0 : i32
    return %arg0, %c0_i32 : i32, i32
  }
  func.func @transform_6(%arg0: i32) -> (i32, i32) {
    %c0_i32 = arith.constant 0 : i32
    %c0_i32_0 = arith.constant 0 : i32
    return %arg0, %c0_i32 : i32, i32
  }
}

module attributes {stable_mosaic.version = 14 : i64} {
  func.func @_edge_body(%arg0: i32, %arg1: memref<4096x128xf32, #tpu.memory_space<vmem>>, %arg2: memref<4096x128xf32, #tpu.memory_space<vmem>>, %arg3: memref<128x16xf32, #tpu.memory_space<vmem>>, %arg4: memref<16x128xf32, #tpu.memory_space<vmem>>, %arg5: memref<16x128xf32, #tpu.memory_space<vmem>>, %arg6: memref<4096x128xf32, #tpu.memory_space<vmem>>) attributes {dimension_semantics = [#tpu.dimension_semantics<arbitrary>], iteration_bounds = array<i64: 82>, scalar_prefetch = 0 : i64, scratch_operands = 0 : i64, tpu.core_type = #tpu.core_type<tc>, window_params = [{transform_indices = @transform_0, window_bounds = array<i64: 4096, 128>}, {transform_indices = @transform_1, window_bounds = array<i64: 4096, 128>}, {pipeline_mode = #tpu.pipeline_mode<synchronous>, transform_indices = @transform_2, window_bounds = array<i64: 128, 16>}, {pipeline_mode = #tpu.pipeline_mode<synchronous>, transform_indices = @transform_3, window_bounds = array<i64: 16, 128>}, {pipeline_mode = #tpu.pipeline_mode<synchronous>, transform_indices = @transform_4, window_bounds = array<i64: 16, 128>}, {transform_indices = @transform_5, window_bounds = array<i64: 4096, 128>}]} {
    %get3A = arith.constant 0 : index
    %get3A_0 = arith.constant 0 : index
    %get3A_1 = vector.load %arg1[%get3A, %get3A_0] : memref<4096x128xf32, #tpu.memory_space<vmem>>, vector<4096x128xf32>
    %get3A_2 = arith.constant 0 : index
    %get3A_3 = arith.constant 0 : index
    %get3A_4 = vector.load %arg2[%get3A_2, %get3A_3] : memref<4096x128xf32, #tpu.memory_space<vmem>>, vector<4096x128xf32>
    %add3A = arith.addf %get3A_1, %get3A_4 : vector<4096x128xf32>
    %gt3A = arith.constant 0.000000e+00 : f32
    %gt3A_5 = vector.broadcast %gt3A : f32 to vector<4096x128xf32>
    %gt3A_6 = arith.cmpf ogt, %add3A, %gt3A_5 : vector<4096x128xf32>
    %mul3A = arith.constant 2.000000e-01 : f32
    %mul3A_7 = vector.broadcast %mul3A : f32 to vector<4096x128xf32>
    %mul3A_8 = arith.mulf %mul3A_7, %add3A : vector<4096x128xf32>
    %select_n3A = arith.select %gt3A_6, %add3A, %mul3A_8 : vector<4096x128xi1>, vector<4096x128xf32>
    %get3A_9 = arith.constant 0 : index
    %get3A_10 = arith.constant 0 : index
    %get3A_11 = vector.load %arg3[%get3A_9, %get3A_10] : memref<128x16xf32, #tpu.memory_space<vmem>>, vector<128x16xf32>
    %dot_general3A = arith.constant dense<0.000000e+00> : vector<4096x16xf32>
    %dot_general3A_12 = tpu.matmul %select_n3A, %get3A_11, %dot_general3A {dimension_numbers = #tpu.dot_dimension_numbers<[1], [0], [0], [1], [0, 0, 1, 1], [], []>, transpose_lhs_hint = false} : vector<4096x128xf32>, vector<128x16xf32>, vector<4096x16xf32> -> vector<4096x16xf32>
    %mul3A_13 = arith.constant 4096 : i32
    %mul3A_14 = arith.muli %arg0, %mul3A_13 : i32
    %iota3A = tpu.iota {dimensions = array<i32: 0>} : vector<4096x16xi32>
    %add3A_15 = vector.broadcast %mul3A_14 : i32 to vector<4096x16xi32>
    %add3A_16 = arith.addi %add3A_15, %iota3A : vector<4096x16xi32>
    %iota3A_17 = tpu.iota {dimensions = array<i32: 1>} : vector<4096x16xi32>
    %lt3A = arith.constant 330000 : i32
    %lt3A_18 = vector.broadcast %lt3A : i32 to vector<4096x16xi32>
    %lt3A_19 = arith.cmpi slt, %add3A_16, %lt3A_18 : vector<4096x16xi32>
    %lt3A_20 = arith.constant 8 : i32
    %lt3A_21 = vector.broadcast %lt3A_20 : i32 to vector<4096x16xi32>
    %lt3A_22 = arith.cmpi slt, %iota3A_17, %lt3A_21 : vector<4096x16xi32>
    %and3A = arith.andi %lt3A_19, %lt3A_22 : vector<4096x16xi1>
    %exp3A = math.exp %dot_general3A_12 : vector<4096x16xf32>
    %jit3A = arith.constant 0.000000e+00 : f32
    %broadcast_in_dim3A = vector.broadcast %jit3A : f32 to vector<4096x16xf32>
    %select_n3A_23 = arith.select %and3A, %exp3A, %broadcast_in_dim3A : vector<4096x16xi1>, vector<4096x16xf32>
    %get3A_24 = arith.constant 0 : index
    %get3A_25 = arith.constant 0 : index
    %get3A_26 = vector.load %arg4[%get3A_24, %get3A_25] : memref<16x128xf32, #tpu.memory_space<vmem>>, vector<16x128xf32>
    %dot_general3A_27 = arith.constant dense<0.000000e+00> : vector<4096x128xf32>
    %dot_general3A_28 = tpu.matmul %select_n3A_23, %get3A_26, %dot_general3A_27 {dimension_numbers = #tpu.dot_dimension_numbers<[1], [0], [0], [1], [0, 0, 1, 1], [], []>, transpose_lhs_hint = false} : vector<4096x16xf32>, vector<16x128xf32>, vector<4096x128xf32> -> vector<4096x128xf32>
    %mul3A_29 = arith.mulf %get3A_1, %dot_general3A_28 : vector<4096x128xf32>
    %get3A_30 = arith.constant 0 : index
    %get3A_31 = arith.constant 0 : index
    %get3A_32 = vector.load %arg5[%get3A_30, %get3A_31] : memref<16x128xf32, #tpu.memory_space<vmem>>, vector<16x128xf32>
    %dot_general3A_33 = arith.constant dense<0.000000e+00> : vector<4096x128xf32>
    %dot_general3A_34 = tpu.matmul %select_n3A_23, %get3A_32, %dot_general3A_33 {dimension_numbers = #tpu.dot_dimension_numbers<[1], [0], [0], [1], [0, 0, 1, 1], [], []>, transpose_lhs_hint = false} : vector<4096x16xf32>, vector<16x128xf32>, vector<4096x128xf32> -> vector<4096x128xf32>
    %add3A_35 = arith.addf %mul3A_29, %dot_general3A_34 : vector<4096x128xf32>
    %swap3A = arith.constant 0 : index
    %swap3A_36 = arith.constant 0 : index
    %swap3A_37 = vector.load %arg6[%swap3A, %swap3A_36] : memref<4096x128xf32, #tpu.memory_space<vmem>>, vector<4096x128xf32>
    tpu.vector_store %arg6[%swap3A, %swap3A_36], %add3A_35 {strides = array<i32>} : memref<4096x128xf32, #tpu.memory_space<vmem>>, vector<4096x128xf32>,
    return
  }
  func.func @transform_0(%arg0: i32) -> (i32, i32) {
    %c0_i32 = arith.constant 0 : i32
    %c0_i32_0 = arith.constant 0 : i32
    return %arg0, %c0_i32 : i32, i32
  }
  func.func @transform_1(%arg0: i32) -> (i32, i32) {
    %c0_i32 = arith.constant 0 : i32
    %c0_i32_0 = arith.constant 0 : i32
    return %arg0, %c0_i32 : i32, i32
  }
  func.func @transform_2(%arg0: i32) -> (i32, i32) {
    %c0_i32 = arith.constant 0 : i32
    %c0_i32_0 = arith.constant 0 : i32
    %c0_i32_1 = arith.constant 0 : i32
    return %c0_i32, %c0_i32_0 : i32, i32
  }
  func.func @transform_3(%arg0: i32) -> (i32, i32) {
    %c0_i32 = arith.constant 0 : i32
    %c0_i32_0 = arith.constant 0 : i32
    %c0_i32_1 = arith.constant 0 : i32
    return %c0_i32, %c0_i32_0 : i32, i32
  }
  func.func @transform_4(%arg0: i32) -> (i32, i32) {
    %c0_i32 = arith.constant 0 : i32
    %c0_i32_0 = arith.constant 0 : i32
    %c0_i32_1 = arith.constant 0 : i32
    return %c0_i32, %c0_i32_0 : i32, i32
  }
  func.func @transform_5(%arg0: i32) -> (i32, i32) {
    %c0_i32 = arith.constant 0 : i32
    %c0_i32_0 = arith.constant 0 : i32
    return %arg0, %c0_i32 : i32, i32
  }
}

module attributes {stable_mosaic.version = 14 : i64} {
  func.func @_norm_body(%arg0: i32, %arg1: memref<200x128xf32, #tpu.memory_space<vmem>>, %arg2: memref<1x128xf32, #tpu.memory_space<vmem>>, %arg3: memref<128x128xf32, #tpu.memory_space<vmem>>, %arg4: memref<200x128xf32, #tpu.memory_space<vmem>>) attributes {dimension_semantics = [#tpu.dimension_semantics<arbitrary>], iteration_bounds = array<i64: 50>, scalar_prefetch = 0 : i64, scratch_operands = 0 : i64, tpu.core_type = #tpu.core_type<tc>, window_params = [{transform_indices = @transform_0, window_bounds = array<i64: 200, 128>}, {pipeline_mode = #tpu.pipeline_mode<synchronous>, transform_indices = @transform_1, window_bounds = array<i64: 1, 128>}, {pipeline_mode = #tpu.pipeline_mode<synchronous>, transform_indices = @transform_2, window_bounds = array<i64: 128, 128>}, {transform_indices = @transform_3, window_bounds = array<i64: 200, 128>}]} {
    %get3A = arith.constant 0 : index
    %get3A_0 = arith.constant 0 : index
    %get3A_1 = vector.load %arg1[%get3A, %get3A_0] : memref<200x128xf32, #tpu.memory_space<vmem>>, vector<200x128xf32>
    %get3A_2 = arith.constant 0 : index
    %get3A_3 = arith.constant 0 : index
    %get3A_4 = vector.load %arg3[%get3A_2, %get3A_3] : memref<128x128xf32, #tpu.memory_space<vmem>>, vector<128x128xf32>
    %dot_general3A = arith.constant dense<0.000000e+00> : vector<200x128xf32>
    %dot_general3A_5 = tpu.matmul %get3A_1, %get3A_4, %dot_general3A {dimension_numbers = #tpu.dot_dimension_numbers<[1], [0], [0], [1], [0, 0, 1, 1], [], []>, transpose_lhs_hint = false} : vector<200x128xf32>, vector<128x128xf32>, vector<200x128xf32> -> vector<200x128xf32>
    %add3A = arith.constant 1.000000e-16 : f32
    %add3A_6 = vector.broadcast %add3A : f32 to vector<200x128xf32>
    %add3A_7 = arith.addf %dot_general3A_5, %add3A_6 : vector<200x128xf32>
    %iota3A = tpu.iota {dimensions = array<i32: 1>} : vector<200x128xi32>
    %lt3A = arith.constant 80 : i32
    %lt3A_8 = vector.broadcast %lt3A : i32 to vector<200x128xi32>
    %lt3A_9 = arith.cmpi slt, %iota3A, %lt3A_8 : vector<200x128xi32>
    %jit3A = arith.constant 0.000000e+00 : f32
    %broadcast_in_dim3A = vector.broadcast %jit3A : f32 to vector<200x128xf32>
    %select_n3A = arith.select %lt3A_9, %get3A_1, %broadcast_in_dim3A : vector<200x128xi1>, vector<200x128xf32>
    %div3A = arith.divf %select_n3A, %add3A_7 : vector<200x128xf32>
    %get3A_10 = arith.constant 0 : index
    %get3A_11 = arith.constant 0 : index
    %get3A_12 = vector.load %arg2[%get3A_10, %get3A_11] : memref<1x128xf32, #tpu.memory_space<vmem>>, vector<1x128xf32>
    %add3A_13 = vector.broadcast %get3A_12 : vector<1x128xf32> to vector<200x128xf32>
    %add3A_14 = arith.addf %div3A, %add3A_13 : vector<200x128xf32>
    %gt3A = arith.constant 0.000000e+00 : f32
    %gt3A_15 = vector.broadcast %gt3A : f32 to vector<200x128xf32>
    %gt3A_16 = arith.cmpf ogt, %add3A_14, %gt3A_15 : vector<200x128xf32>
    %exp3A = math.exp %add3A_14 : vector<200x128xf32>
    %sub3A = arith.constant 1.000000e+00 : f32
    %sub3A_17 = vector.broadcast %sub3A : f32 to vector<200x128xf32>
    %sub3A_18 = arith.subf %exp3A, %sub3A_17 : vector<200x128xf32>
    %select_n3A_19 = arith.select %gt3A_16, %add3A_14, %sub3A_18 : vector<200x128xi1>, vector<200x128xf32>
    %swap3A = arith.constant 0 : index
    %swap3A_20 = arith.constant 0 : index
    %swap3A_21 = vector.load %arg4[%swap3A, %swap3A_20] : memref<200x128xf32, #tpu.memory_space<vmem>>, vector<200x128xf32>
    tpu.vector_store %arg4[%swap3A, %swap3A_20], %select_n3A_19 {strides = array<i32>} : memref<200x128xf32, #tpu.memory_space<vmem>>, vector<200x128xf32>,
    return
  }
  func.func @transform_0(%arg0: i32) -> (i32, i32) {
    %ge3A = arith.constant 25 : i32
    %ge3A_0 = arith.cmpi sge, %arg0, %ge3A : i32
    %add3A = arith.constant 7 : i32
    %add3A_1 = arith.addi %arg0, %add3A : i32
    %select_n3A = arith.select %ge3A_0, %add3A_1, %arg0 : i32
    %c0_i32 = arith.constant 0 : i32
    %c0_i32_2 = arith.constant 0 : i32
    return %select_n3A, %c0_i32 : i32, i32
  }
  func.func @transform_1(%arg0: i32) -> (i32, i32) {
    %c0_i32 = arith.constant 0 : i32
    %c0_i32_0 = arith.constant 0 : i32
    %c0_i32_1 = arith.constant 0 : i32
    return %c0_i32, %c0_i32_0 : i32, i32
  }
  func.func @transform_2(%arg0: i32) -> (i32, i32) {
    %c0_i32 = arith.constant 0 : i32
    %c0_i32_0 = arith.constant 0 : i32
    %c0_i32_1 = arith.constant 0 : i32
    return %c0_i32, %c0_i32_0 : i32, i32
  }
  func.func @transform_3(%arg0: i32) -> (i32, i32) {
    %c0_i32 = arith.constant 0 : i32
    %c0_i32_0 = arith.constant 0 : i32
    return %arg0, %c0_i32 : i32, i32
  }
}

</mosaic_0001>

<sc_bundles>
// kernel: kernel.17.cloned.1.call-start
scs
__scs_entry_jumppad:
0x0: {  	(pc) =	sbr.rel $0x88, $3  }
0x1: {  	(tag) =	ssettag $0x0;
	lr =	simm.s32 $0x1  }
0x2: {  	[smem:$0x3F8D] =	sst lr;
	_ =	strace $0xD0000000  }
0x3: {  	_ = 	snop  }
0x4: {  	_ = 	snop  }
0x5: {  	_ = 	snop  }
0x6: {  	_ = 	snop  }
0x7: {  	_ = 	snop  }
__scs_overlays_trampoline_lowered:
0x8: {  	[smem:$0x3F9C] =	sst s0  }
0x9: {  	[smem:$0x3F9D] =	sst s1  }
0xa: {  	[smem:$0x3F9E] =	sst s2  }
0xb: {  	[smem:$0x3F9F] =	sst s3  }
0xc: {  	[smem:$0x3FA0] =	sst s4  }
0xd: {  	[smem:$0x3FA1] =	sst s5  }
0xe: {  	[smem:$0x3FA2] =	sst s6  }
0xf: {  	[smem:$0x3FA3] =	sst s7  }
0x10: {  	[smem:$0x3FA4] =	sst s8  }
0x11: {  	[smem:$0x3FA5] =	sst s9;
	s0 =	simm.s32 @!p0 $0x0  }
0x12: {  	s1 =	sld [smem:$0x3F8B];
	s0 =	simm.s32 @p0 $0x1  }
0x13: {  	[smem:$0x3FA6] =	sst s0;
	s0 =	simm.s32 @!p1 $0x0  }
0x14: {  	s2 =	sld [smem:$0x3F8A];
	s0 =	simm.s32 @p1 $0x1  }
0x15: {  	[smem:$0x3FA7] =	sst s0;
	s0 =	simm.s32 @!p2 $0x0  }
0x16: {  	s3 =	sld [smem:$0x3FDB];
	s0 =	simm.s32 @p2 $0x1  }
0x17: {  	s4 =	simm.s32 $0x1BF5;
	[smem:$0x3FA9] =	sst s0  }
0x18: {  	s0 =	sld [smem:$0x3F8C];
	_ =	swait.ge [sflag:s4], $0x0  }
0x19: {  	s7 =	sld [smem:$0x3F8D]  }
0x1a: {  	s8 =	sadd.s32 $0xFFFFE003, lr  }
0x1b: {  	s9 =	sadd.s32 $0xFFFFFEF7, lr;
	s5 =	simm.s32 $0xFFFFFFFF;
	p2 =	slt.u32 s8, $0xFFFFF086  }
0x1c: {  	p1 =	slt.u32 s9, $0xF7A;
	s5 =	simm.s32 @!p2 $0x0  }
0x1d: {  	s5 =	simm.s32 @p1 $0x1;
	p0 =	seq.s32 s7, s2  }
0x1e: {  	s7 =	smul.u32 @!p0 $0xF7A, s2;
	p2 =	seq.s32 @!p0 s5, $0x0  }
0x1f: {  	s9 =	smul.u32 $0xF7A, s1;
	s8 =	simm.s32 @!p0 $0x1BF5;
	p2 =	por !p2, p0  }
0x20: {  	[sflag:s8] =	ssyncset.s32 @!p0 $0xFFFFF086;
	s6 =	sadd.s32 @!p0 s3, s7;
	s7 =	simm.s32 @!p0 $0x108  }
0x21: {  	s3 =	sadd.s32 s3, s9;
	s6 =	sadd.s32 @!p0 $0x88, s6;
	s7 =	simm.s32 @p2 $0x1082  }
0x22: {  	[simem:s7], [sflag:s8] =	dma.local @!p0 [hbm:s6], $0xF7A  }
0x23: {  	s9 =	sor.u32 $0xD0000000, s2;
	s6 =	simm.s32 $0x108;
	_ =	swait.ge @!p0 [sflag:s8], $0x0  }
0x24: {  	s3 =	sadd.s32 $0x88, s3;
	s6 =	simm.s32 @!p1 $0x1082;
	[sflag:s4] =	ssyncset.s32 $0xFFFFF086  }
0x25: {  	[simem:s6], [sflag:s4] =	dma.local [hbm:s3], $0xF7A  }
0x26: {  	[smem:$0x3F8D] =	sst s1;
	(tag) =	ssettag s2;
	_ =	strace s9  }
0x27: {  	s1 =	sld [smem:$0x3F9D]  }
0x28: {  	s2 =	sld [smem:$0x3F9E]  }
0x29: {  	s4 =	sld [smem:$0x3FA0]  }
0x2a: {  	p0 =	seq.s32 s5, $0x0;
	s5 =	sld [smem:$0x3FA1]  }
0x2b: {  	s6 =	sld [smem:$0x3FA2]  }
0x2c: {  	s7 =	sld [smem:$0x3FA3]  }
0x2d: {  	s3 =	simm.s32 $0x108;
	s8 =	sld [smem:$0x3FA4]  }
0x2e: {  	s3 =	simm.s32 @!p0 $0x1082;
	s9 =	sld [smem:$0x3FA5]  }
0x2f: {  	lr =	sadd.s32 s0, s3;
	s0 =	sld [smem:$0x3F9C]  }
0x30: {  	s3 =	sld [smem:$0x3F9F]  }
0x31: {  	[smem:$0x3FA8] =	sst s10  }
0x32: {  	s10 =	sld [smem:$0x3FA6];
	_ =	sdelay $0x3  }
0x33: {  	p0 =	seq.s32 s10, $0x1;
	s10 =	sld [smem:$0x3FA8];
	_ =	sdelay $0x3  }
0x34: {  	[smem:$0x3FA8] =	sst s10  }
0x35: {  	s10 =	sld [smem:$0x3FA7];
	_ =	sdelay $0x3  }
0x36: {  	p1 =	seq.s32 s10, $0x1;
	s10 =	sld [smem:$0x3FA8];
	_ =	sdelay $0x3  }
0x37: {  	[smem:$0x3FA8] =	sst s10  }
0x38: {  	s10 =	sld [smem:$0x3FA9]  }
0x39: {  	_ = 	snop;
	(pc) =	sbr.ind lr, $3  }
0x3a: {  	_ = 	snop  }
0x3b: {  	_ = 	snop  }
0x3c: {  	p2 =	seq.s32 s10, $0x1;
	s10 =	sld [smem:$0x3FA8]  }
0x3d: {  	_ =	shalt  }
0x3e: {  	_ =	shalt  }
0x3f: {  	_ =	shalt  }
0x40: {  	_ =	shalt  }
0x41: {  	_ =	shalt  }
0x42: {  	_ =	shalt  }
0x43: {  	_ =	shalt  }
0x44: {  	_ =	shalt  }
0x45: {  	_ =	shalt  }
0x46: {  	_ =	shalt  }
0x47: {  	_ =	shalt  }
0x48: {  	_ =	shalt  }
0x49: {  	_ =	shalt  }
0x4a: {  	_ =	shalt  }
0x4b: {  	_ =	shalt  }
0x4c: {  	_ =	shalt  }
0x4d: {  	_ =	shalt  }
0x4e: {  	_ =	shalt  }
0x4f: {  	_ =	shalt  }
0x50: {  	_ =	shalt  }
0x51: {  	_ =	shalt  }
0x52: {  	_ =	shalt  }
0x53: {  	_ =	shalt  }
0x54: {  	_ =	shalt  }
0x55: {  	_ =	shalt  }
0x56: {  	_ =	shalt  }
0x57: {  	_ =	shalt  }
0x58: {  	_ =	shalt  }
0x59: {  	_ =	shalt  }
0x5a: {  	_ =	shalt  }
0x5b: {  	_ =	shalt  }
0x5c: {  	_ =	shalt  }
0x5d: {  	_ =	shalt  }
0x5e: {  	_ =	shalt  }
0x5f: {  	_ =	shalt  }
0x60: {  	_ =	shalt  }
0x61: {  	_ =	shalt  }
0x62: {  	_ =	shalt  }
0x63: {  	_ =	shalt  }
0x64: {  	_ =	shalt  }
0x65: {  	_ =	shalt  }
0x66: {  	_ =	shalt  }
0x67: {  	_ =	shalt  }
0x68: {  	_ =	shalt  }
0x69: {  	_ =	shalt  }
0x6a: {  	_ =	shalt  }
0x6b: {  	_ =	shalt  }
0x6c: {  	_ =	shalt  }
0x6d: {  	_ =	shalt  }
0x6e: {  	_ =	shalt  }
0x6f: {  	_ =	shalt  }
0x70: {  	_ =	shalt  }
0x71: {  	_ =	shalt  }
0x72: {  	_ =	shalt  }
0x73: {  	_ =	shalt  }
0x74: {  	_ =	shalt  }
0x75: {  	_ =	shalt  }
0x76: {  	_ =	shalt  }
0x77: {  	_ =	shalt  }
0x78: {  	_ =	shalt  }
0x79: {  	_ =	shalt  }
0x7a: {  	_ =	shalt  }
0x7b: {  	_ =	shalt  }
0x7c: {  	_ =	shalt  }
0x7d: {  	_ =	shalt  }
0x7e: {  	_ =	shalt  }
0x7f: {  	_ =	shalt  }
0x80: {  	_ =	shalt  }
0x81: {  	_ =	shalt  }
0x82: {  	_ =	shalt  }
0x83: {  	_ =	shalt  }
0x84: {  	_ =	shalt  }
0x85: {  	_ =	shalt  }
0x86: {  	_ =	shalt  }
0x87: {  	_ =	shalt  }
.Lfunc_end0:
.L_simem_size_0:
called_computation_lowered:
.L_overlay_start_0:
0x88: {  	s2 =	sld [smem:$0x3FD9]  }
0x89: {  	s3 =	sld [smem:$0x3FFE];
	_ =	sdelay $0x1  }
0x8a: {  	s1 =	srdreg.scid  }
0x8b: {  	s0 =	sand.u32 $0x1, s1  }
0x8c: {  	s16 =	sshll.u32 s0, $0xA;
	s2 =	sadd.s32 s3, s2  }
0x8d: {  	s2 =	sadd.s32 s2, s16  }
0x8e: {  	[smem:$0x3FB4] =	sst s2  }
0x8f: {  	_ = 	snop  }
0x90: {  	(tm) =	ssettm $0x1  }
0x91: {  	s17 =	sld [smem:$0x3FFB];
	_ =	sdelay $0x3  }
0x92: {  	_ =	strace s17  }
0x93: {  	s2 =	sld [smem:$0x3FFC];
	_ =	sdelay $0x3  }
0x94: {  	_ =	strace s2  }
0x95: {  	s2 =	sld [smem:$0x3FFD];
	_ =	sdelay $0x3  }
0x96: {  	_ =	strace s2  }
0x97: {  	_ =	strace $0x8FFFFFFF  }
0x98: {  	s18 =	sld [smem:$0x3FDB];
	_ =	sdelay $0x1  }
0x99: {  	s19 =	simm.s32 $_scs_section_size  }
0x9a: {  	s4 =	simm.s32 $_size__tile_overlayer_lowered;
	s5 =	simm.s32 $_tile_overlayer_lowered  }
0x9b: {  	s22 =	simm.s32 $0x1BFF;
	s21 =	sshll.u32 s5, $0x1;
	s2 =	sadd.s32 s19, s18  }
0x9c: {  	s6 =	simm.s32 $0x0;
	s20 =	sshll.u32 s4, $0x1;
	s4 =	sadd.s32 s21, s2  }
0x9d: {  	[timem:s6], [sflag:s22] =	dma.local [hbm:s4], s20  }
0x9e: {  	_ =	swait.ge [sflag:s22], s20  }
0x9f: {  	s3 =	ssub.s32 $0x0, s20;
	[sflag:s22] =	ssyncset.done $0x0  }
0xa0: {  	[sflag:s22] =	ssyncadd.s32 s3;
	_ =	sdelay $0x1  }
0xa1: {  	s23 =	simm.s32 $0x1B8B  }
0xa2: {  	_ =	swait.ge [sflag:s23], $0x1  }
0xa3: {  	[sflag:s23] =	ssyncset.done $0x0  }
0xa4: {  	s25 =	simm.s32 $0x1B8E;
	s24 =	sld [smem:$0x3FFE];
	[sflag:s23] =	ssyncadd.s32 $0xFFFFFFFF  }
0xa5: {  	s26 =	simm.s32 $execute0_lowered;
	[smem:$0x3FD2] =	sst s25  }
0xa6: {  	s4 =	sshll.u32 s26, $0x1;
	_ =	strace $0x80000046;
	[dreg:$0x1] =	wrdreg $0xFFFFFFFF  }
0xa7: {  	s28 =	simm.s32 $_size_execute0_lowered;
	s2 =	sadd.s32 s2, s4;
	[dreg:$0x0] =	wrdreg $0x0  }
0xa8: {  	s4 =	sshll.u32 s28, $0x1;
	[dreg:$0x2] =	wrdreg s2  }
0xa9: {  	[dreg:$0x3] =	wrdreg s4  }
0xaa: {  	[dreg:$0x4] =	wrdreg $0xC0  }
0xab: {  	_ =	task [dreg:s6], $0x5FFFF  }
0xac: {  	[dreg:$0x1] =	wrdreg $0xFFFFFFFF  }
0xad: {  	[dreg:$0x0] =	wrdreg $0x60  }
0xae: {  	[dreg:$0x2] =	wrdreg s24  }
0xaf: {  	[dreg:$0x3] =	wrdreg $0x9  }
0xb0: {  	_ =	task.clear_ibuf [dreg:s6], $0x4FFFF;
	_ =	strace $0x90000046  }
0xb1: {  	s29 =	simm.s32 $0x9;
	_ =	strace $0x80000048  }
0xb2: {  	_ =	swait.ge [sflag:s29], $0x1  }
0xb3: {  	[sflag:s29] =	ssyncadd.s32 $0xFFFFFFFF  }
0xb4: {  	_ =	strace $0x90000048  }
0xb5: {  	_ =	sfence  }
0xb6: {  	s30 =	sld [smem:$0x0];
	_ =	sdelay $0x2  }
0xb7: {  	s31 =	sshll.u32 s1, $0xD;
	s1 =	sshrl.u32 s1, $0x2  }
0xb8: {  	s3 =	sand.u32 $0x4000, s31;
	s1 =	sadd.s32 s1, s30  }
0xb9: {  	s0 =	sor.u32 s3, s0;
	s1 =	sshll.u32 s1, $0x11  }
0xba: {  	s0 =	sor.u32 s1, s0  }
0xbb: {  	s0 =	sadd.s32 $0x8F2B, s0  }
0xbc: {  	[sflag:s0] =	ssyncadd.remote.s32 $0x1  }
0xbd: {  	_ =	sfence.sel $0xFFFF  }
0xbe: {  	[dreg:$0x0] =	wrdreg $0xFFFFFFFF;
	(pc) =	sbr.abs _section_cstart, $3  }
0xbf: {  	[dreg:$0x1] =	wrdreg $0xFFFFFFFF  }
0xc0: {  	_ =	task.clear_ibuf [dreg:s6], $0x2FFFF;
	_ =	strace $0x9FFFFFFF  }
0xc1: {  	(tm) =	ssettm $0x7FFFFFFF  }
tec
execute0_lowered:
.L_overlay_start_1:
0x0: {  	(tag) =	ssettag $0x1  }
0x1: {  	s0 =	srdreg.scid  }
0x2: {  	s15 =	stileid.u32;
	s1 =	rddreg [dreg:$0x0]  }
0x3: {  	s2 =	simm.s32 $0x0;
	s17 =	simm.s32 $0x2900;
	s18 =	simm.s32 $0x5200  }
0x4: {  	s19 =	simm.s32 $0xD200;
	s20 =	simm.s32 $0x80;
	s21 =	simm.s32 $0x9200  }
0x5: {  	s22 =	simm.s32 $0x11200;
	s23 =	simm.s32 $0x1;
	s24 =	simm.s32 $0x3  }
0x6: {  	s25 =	simm.s32 $0x2;
	s26 =	simm.s32 $0x4;
	s11 =	smul.u32 $0x290000, s15  }
0x7: {  	s0 =	sand.u32 $0x1, s0;
	s3 =	sshll.u32 s15, $0x1;
	s15 =	smul.u32 $0x52000, s15  }
0x8: {  	s30 =	simm.s32 $0x0;
	[smem:$0x7FF] =	sst s2;
	s12 =	smul.u32 $0x148000, s0  }
0x9: {  	s6 =	sor.u32 s0, s3;
	s7 =	ssub.s32 $0x2, s0;
	s0 =	smul.u32 $0x29000, s0  }
0xa: {  	s4 =	sadd.s32 $0x43C00, s1;
	s13 =	sadd.s32 $0x6AE00, s1;
	s5 =	smul.u32 $0x2900, s6  }
0xb: {  	_ =	strace $0x80000047;
	s3 =	sadd.s32 $0x1CA00, s1;
	s9 =	smul.u32 $0x148000, s6  }
0xc: {  	s29 =	sshrl.u32 s7, $0x1;
	s10 =	smul.u32 $0x29000, s6;
	s16 =	sadd.s32 s15, s13  }
0xd: {  	s7 =	ssub.s32 s7, s29;
	s12 =	sadd.s32 s12, s11;
	s16 =	sadd.s32 s0, s16  }
0xe: {  	s5 =	sshrl.u32 s5, $0x3;
	s9 =	sshrl.u32 s9, $0x3;
	s7 =	smax.u32 s7, $0x1  }
0xf: {  	s14 =	sadd.s32 $0x28800, s10;
	s31 =	sshrl.u32 s12, $0x3;
	s8 =	sadd.s32 s5, s1  }
0x10: {  	s1 =	sadd.s32 $0x58AE00, s1;
	s9 =	sadd.s32 $0x28000, s9;
	s5 =	sadd.s32 $0x8200, s8  }
0x11: {  	s6 =	sadd.s32 $0x12600, s8;
	s8 =	sadd.s32 s13, s9;
	s9 =	sadd.s32 s1, s9  }
0x12: {  	s11 =	sadd.s32 s1, s14;
	s12 =	sadd.s32 s31, s1;
	s1 =	sadd.s32 s15, s1  }
0x13: {  	s10 =	sadd.s32 s13, s14;
	s13 =	sadd.s32 s31, s13;
	s0 =	sadd.s32 s0, s1  }
0x14: {  	s14 =	sadd.s32 $0x800, s16;
	s16 =	simm.s32 $0x5;
	s15 =	sadd.s32 $0x800, s0  }
.LBB2_1:
0x15: {  	[tilespmem:s2], [sflag:$0x5] =	stream.linear.gather [hbm4b:s5+s2], $0x2900, $0x38;
	[tilespmem:$0x15200] =	vst v63  }
0x16: {  	_ =	swait.ge [sflag:s16], $0x2900  }
0x17: {  	[sflag:s16] =	ssyncset.done $0x0  }
0x18: {  	[sflag:s16] =	ssyncadd.s32 $0xFFFFD700  }
0x19: {  	[tilespmem:s17], [sflag:$0x5] =	stream.linear.gather [hbm4b:s6+s2], $0x2900, $0x38;
	[tilespmem:$0x15200] =	vst v63  }
0x1a: {  	_ =	swait.ge [sflag:s16], $0x2900  }
0x1b: {  	[sflag:s16] =	ssyncset.done $0x0  }
0x1c: {  	[sflag:s16] =	ssyncadd.s32 $0xFFFFD700  }
0x1d: {  	[tilespmem:s18], [sflag:$0x1] =	stream.indirect.gather [hbm4b:s3+s20], $0x80, s2, s20, $0xb8;
	[tilespmem:$0x15200] =	vst v63  }
0x1e: {  	_ = 	snop  }
0x1f: {  	[tilespmem:s19], [sflag:$0x3] =	stream.indirect.gather [hbm4b:s4+s20], $0x80, s17, s20, $0xb8;
	[tilespmem:$0x15200] =	vst v63  }
0x20: {  	_ = 	snop  }
0x21: {  	[tilespmem:s21], [sflag:$0x2] =	stream.indirect.gather [hbm4b:s3+s20], $0x80, s20, s20, $0xb8;
	[tilespmem:$0x15200] =	vst v63  }
0x22: {  	s31 =	simm.s32 $0x2980  }
0x23: {  	[tilespmem:s22], [sflag:$0x4] =	stream.indirect.gather [hbm4b:s4+s20], $0x80, s31, s20, $0xb8;
	[tilespmem:$0x15200] =	vst v63  }
0x24: {  	_ =	swait.ge [sflag:s23], $0x4000  }
0x25: {  	[sflag:s23] =	ssyncset.done $0x0  }
0x26: {  	s0 =	sadd.s32 $0x0, s13;
	[sflag:s23] =	ssyncadd.s32 $0xFFFFC000  }
0x27: {  	[hbm4b:s0+s2] =	stream.linear.scatter [tilespmem:s18], [sflag:$0x5], $0x4000, $0x38;
	[tilespmem:$0x15200] =	vst v63  }
0x28: {  	_ =	swait.ge [sflag:s16], $0x4000  }
0x29: {  	[sflag:s16] =	ssyncset.done $0x0  }
0x2a: {  	[sflag:s16] =	ssyncadd.s32 $0xFFFFC000  }
0x2b: {  	_ =	swait.ge [sflag:s24], $0x4000  }
0x2c: {  	[sflag:s24] =	ssyncset.done $0x0  }
0x2d: {  	s28 =	sadd.s32 $0x0, s12;
	[sflag:s24] =	ssyncadd.s32 $0xFFFFC000  }
0x2e: {  	[hbm4b:s28+s2] =	stream.linear.scatter [tilespmem:s19], [sflag:$0x5], $0x4000, $0x38;
	[tilespmem:$0x15200] =	vst v63  }
0x2f: {  	_ =	swait.ge [sflag:s16], $0x4000  }
0x30: {  	[sflag:s16] =	ssyncset.done $0x0  }
0x31: {  	s29 =	simm.s32 $0x100;
	[sflag:s16] =	ssyncadd.s32 $0xFFFFC000  }
0x32: {  	[tilespmem:s18], [sflag:$0x1] =	stream.indirect.gather [hbm4b:s3+s20], $0x80, s29, s20, $0xb8;
	[tilespmem:$0x15200] =	vst v63  }
0x33: {  	s1 =	simm.s32 $0x2A00  }
0x34: {  	[tilespmem:s19], [sflag:$0x3] =	stream.indirect.gather [hbm4b:s4+s20], $0x80, s1, s20, $0xb8;
	[tilespmem:$0x15200] =	vst v63  }
0x35: {  	_ =	swait.ge [sflag:s25], $0x4000  }
0x36: {  	[sflag:s25] =	ssyncset.done $0x0  }
0x37: {  	s28 =	sadd.s32 $0x0, s14;
	[sflag:s25] =	ssyncadd.s32 $0xFFFFC000  }
0x38: {  	[hbm4b:s28+s2] =	stream.linear.scatter [tilespmem:s21], [sflag:$0x5], $0x4000, $0x38;
	[tilespmem:$0x15200] =	vst v63  }
0x39: {  	_ =	swait.ge [sflag:s16], $0x4000  }
0x3a: {  	[sflag:s16] =	ssyncset.done $0x0  }
0x3b: {  	[sflag:s16] =	ssyncadd.s32 $0xFFFFC000  }
0x3c: {  	_ =	swait.ge [sflag:s26], $0x4000  }
0x3d: {  	[sflag:s26] =	ssyncset.done $0x0  }
0x3e: {  	s29 =	sadd.s32 $0x0, s15;
	[sflag:s26] =	ssyncadd.s32 $0xFFFFC000  }
0x3f: {  	[hbm4b:s29+s2] =	stream.linear.scatter [tilespmem:s22], [sflag:$0x5], $0x4000, $0x38;
	[tilespmem:$0x15200] =	vst v63  }
0x40: {  	_ =	swait.ge [sflag:s16], $0x4000  }
0x41: {  	s0 =	simm.s32 $0x80;
	s1 =	simm.s32 $0x1000;
	[sflag:s16] =	ssyncset.done $0x0  }
.LBB2_2:
0x42: {  	[sflag:s16] =	ssyncadd.s32 $0xFFFFC000;
	s0 =	sadd.s32 $0x100, s0;
	s31 =	sadd.s32 $0x100, s31  }
0x43: {  	[tilespmem:s21], [sflag:$0x2] =	stream.indirect.gather [hbm4b:s3+s20], $0x80, s0, s20, $0xb8;
	[tilespmem:$0x15200] =	vst v63  }
0x44: {  	p0 =	sne.s32 s1, $0x27000;
	s28 =	smov.u32 s1;
	s1 =	sadd.s32 $0x1000, s1  }
0x45: {  	[tilespmem:s22], [sflag:$0x4] =	stream.indirect.gather [hbm4b:s4+s20], $0x80, s31, s20, $0xb8;
	[tilespmem:$0x15200] =	vst v63  }
0x46: {  	_ =	swait.ge [sflag:s23], $0x4000  }
0x47: {  	[sflag:s23] =	ssyncset.done $0x0  }
0x48: {  	s29 =	sadd.s32 s28, s13;
	[sflag:s23] =	ssyncadd.s32 $0xFFFFC000  }
0x49: {  	[hbm4b:s29+s2] =	stream.linear.scatter [tilespmem:s18], [sflag:$0x5], $0x4000, $0x38;
	[tilespmem:$0x15200] =	vst v63  }
0x4a: {  	_ =	swait.ge [sflag:s16], $0x4000  }
0x4b: {  	[sflag:s16] =	ssyncset.done $0x0  }
0x4c: {  	[sflag:s16] =	ssyncadd.s32 $0xFFFFC000  }
0x4d: {  	_ =	swait.ge [sflag:s24], $0x4000  }
0x4e: {  	[sflag:s24] =	ssyncset.done $0x0  }
0x4f: {  	s29 =	sadd.s32 s28, s12;
	[sflag:s24] =	ssyncadd.s32 $0xFFFFC000  }
0x50: {  	[hbm4b:s29+s2] =	stream.linear.scatter [tilespmem:s19], [sflag:$0x5], $0x4000, $0x38;
	[tilespmem:$0x15200] =	vst v63  }
0x51: {  	_ =	swait.ge [sflag:s16], $0x4000  }
0x52: {  	[sflag:s16] =	ssyncset.done $0x0  }
0x53: {  	s29 =	sadd.s32 $0x80, s0;
	[sflag:s16] =	ssyncadd.s32 $0xFFFFC000  }
0x54: {  	[tilespmem:s18], [sflag:$0x1] =	stream.indirect.gather [hbm4b:s3+s20], $0x80, s29, s20, $0xb8;
	[tilespmem:$0x15200] =	vst v63  }
0x55: {  	s29 =	sadd.s32 $0x80, s31  }
0x56: {  	[tilespmem:s19], [sflag:$0x3] =	stream.indirect.gather [hbm4b:s4+s20], $0x80, s29, s20, $0xb8;
	[tilespmem:$0x15200] =	vst v63  }
0x57: {  	_ =	swait.ge [sflag:s25], $0x4000  }
0x58: {  	[sflag:s25] =	ssyncset.done $0x0  }
0x59: {  	s29 =	sadd.s32 s28, s14;
	[sflag:s25] =	ssyncadd.s32 $0xFFFFC000  }
0x5a: {  	[hbm4b:s29+s2] =	stream.linear.scatter [tilespmem:s21], [sflag:$0x5], $0x4000, $0x38;
	[tilespmem:$0x15200] =	vst v63  }
0x5b: {  	_ =	swait.ge [sflag:s16], $0x4000  }
0x5c: {  	[sflag:s16] =	ssyncset.done $0x0  }
0x5d: {  	[sflag:s16] =	ssyncadd.s32 $0xFFFFC000  }
0x5e: {  	_ =	swait.ge [sflag:s26], $0x4000  }
.Ltmp0:
0x5f: {  	[sflag:s26] =	ssyncset.done $0x0;
	(pc) =	sbr.rel @p0 .LBB2_2-.Ltmp0, $4  }
0x60: {  	s28 =	sadd.s32 s28, s15;
	[sflag:s26] =	ssyncadd.s32 $0xFFFFC000  }
0x61: {  	[hbm4b:s28+s2] =	stream.linear.scatter [tilespmem:s22], [sflag:$0x5], $0x4000, $0x38;
	[tilespmem:$0x15200] =	vst v63  }
0x62: {  	_ =	swait.ge [sflag:s16], $0x4000  }
0x63: {  	[sflag:s16] =	ssyncset.done $0x0  }
0x64: {  	[sflag:s16] =	ssyncadd.s32 $0xFFFFC000;
	s0 =	simm.s32 $0x2880  }
0x65: {  	[tilespmem:s21], [sflag:$0x2] =	stream.indirect.gather [hbm4b:s3+s20], $0x80, s0, s20, $0xb8;
	[tilespmem:$0x15200] =	vst v63  }
0x66: {  	s31 =	simm.s32 $0x5180  }
0x67: {  	[tilespmem:s22], [sflag:$0x4] =	stream.indirect.gather [hbm4b:s4+s20], $0x80, s31, s20, $0xb8;
	[tilespmem:$0x15200] =	vst v63  }
0x68: {  	_ =	swait.ge [sflag:s23], $0x4000  }
0x69: {  	[sflag:s23] =	ssyncset.done $0x0  }
0x6a: {  	[sflag:s23] =	ssyncadd.s32 $0xFFFFC000  }
0x6b: {  	[hbm4b:s8+s2] =	stream.linear.scatter [tilespmem:s18], [sflag:$0x5], $0x4000, $0x38;
	[tilespmem:$0x15200] =	vst v63  }
0x6c: {  	_ =	swait.ge [sflag:s16], $0x4000  }
0x6d: {  	[sflag:s16] =	ssyncset.done $0x0  }
0x6e: {  	[sflag:s16] =	ssyncadd.s32 $0xFFFFC000  }
0x6f: {  	_ =	swait.ge [sflag:s24], $0x4000  }
0x70: {  	[sflag:s24] =	ssyncset.done $0x0  }
0x71: {  	[sflag:s24] =	ssyncadd.s32 $0xFFFFC000  }
0x72: {  	[hbm4b:s9+s2] =	stream.linear.scatter [tilespmem:s19], [sflag:$0x5], $0x4000, $0x38;
	[tilespmem:$0x15200] =	vst v63  }
0x73: {  	_ =	swait.ge [sflag:s16], $0x4000  }
0x74: {  	[sflag:s16] =	ssyncset.done $0x0  }
0x75: {  	[sflag:s16] =	ssyncadd.s32 $0xFFFFC000  }
0x76: {  	_ =	swait.ge [sflag:s25], $0x4000  }
0x77: {  	[sflag:s25] =	ssyncset.done $0x0  }
0x78: {  	[sflag:s25] =	ssyncadd.s32 $0xFFFFC000  }
0x79: {  	[hbm4b:s10+s2] =	stream.linear.scatter [tilespmem:s21], [sflag:$0x5], $0x4000, $0x38;
	[tilespmem:$0x15200] =	vst v63  }
0x7a: {  	_ =	swait.ge [sflag:s16], $0x4000  }
0x7b: {  	[sflag:s16] =	ssyncset.done $0x0  }
0x7c: {  	[sflag:s16] =	ssyncadd.s32 $0xFFFFC000  }
0x7d: {  	s30 =	sadd.s32 $0x1, s30;
	_ =	swait.ge [sflag:s26], $0x4000  }
0x7e: {  	p0 =	sne.s32 s30, s7;
	[sflag:s26] =	ssyncset.done $0x0  }
.Ltmp1:
0x7f: {  	[sflag:s26] =	ssyncadd.s32 $0xFFFFC000;
	(pc) =	sbr.rel @p0 .LBB2_1-.Ltmp1, $4  }
0x80: {  	[hbm4b:s11+s2] =	stream.linear.scatter [tilespmem:s22], [sflag:$0x5], $0x4000, $0x38;
	[tilespmem:$0x15200] =	vst v63  }
0x81: {  	_ =	swait.ge [sflag:s16], $0x4000  }
0x82: {  	[sflag:s16] =	ssyncset.done $0x0  }
0x83: {  	[sflag:s16] =	ssyncadd.s32 $0xFFFFC000  }
0x84: {  	_ =	sfence.sel $0x180000  }
0x85: {  	[bflag:$0x0] =	sbarrier.arrive $0xFFFF  }
0x86: {  	_ =	strace $0x90000047  }
0x87: {  	s0 =	stileid.u32;
	[bflag:$0x2] =	sbarrier.arrive $0xFFFF  }
0x88: {  	p0 =	sne.s32 s0, $0x0;
	s0 =	rddreg [dreg:$0x1]  }
0x89: {  	s0 =	sadd.s32 @!p0 $0x100000, s0  }
0x8a: {  	[sflag:s0] =	ssyncadd.tile.s32 @!p0 $0x1;
	_ =	shalt  }
.Lfunc_end2:
_tile_overlayer_lowered:
.L_overlay_start_2:
0x8b: {  	(tag) =	ssettag $0x2  }
0x8c: {  	s0 =	rddreg [dreg:$0x0];
	s2 =	stileid.u32  }
0x8d: {  	s1 =	rddreg [dreg:$0x1];
	p0 =	sne.s32 s2, $0x0  }
0x8e: {  	s3 =	rddreg [dreg:$0x2];
	[bflag:$0x3] =	sbarrier.arrive $0xFFFF;
	s2 =	simm.s32 @!p0 $0x1C05  }
0x8f: {  	[timem:s3], [sflag:s2] =	dma.local @!p0 [hbm:s0], s1  }
0x90: {  	s0 =	simm.s32 @!p0 $0x5  }
0x91: {  	_ =	swait.ge @!p0 [sflag:s0], s1  }
0x92: {  	s1 =	ssub.s32 @!p0 $0x0, s1;
	[sflag:s0] =	ssyncset.done @!p0 $0x0  }
0x93: {  	[sflag:s0] =	ssyncadd.s32 @!p0 s1  }
0x94: {  	[bflag:$0x3] =	sbarrier.arrive $0xFFFF  }
0x95: {  	_ =	shalt  }

// kernel: kernel.20.cloned.1.call-start
scs
__scs_entry_jumppad:
0x0: {  	(pc) =	sbr.rel $0x88, $3  }
0x1: {  	(tag) =	ssettag $0x0;
	lr =	simm.s32 $0x1  }
0x2: {  	[smem:$0x3F8D] =	sst lr;
	_ =	strace $0xD0000000  }
0x3: {  	_ = 	snop  }
0x4: {  	_ = 	snop  }
0x5: {  	_ = 	snop  }
0x6: {  	_ = 	snop  }
0x7: {  	_ = 	snop  }
__scs_overlays_trampoline_lowered:
0x8: {  	[smem:$0x3F9C] =	sst s0  }
0x9: {  	[smem:$0x3F9D] =	sst s1  }
0xa: {  	[smem:$0x3F9E] =	sst s2  }
0xb: {  	[smem:$0x3F9F] =	sst s3  }
0xc: {  	[smem:$0x3FA0] =	sst s4  }
0xd: {  	[smem:$0x3FA1] =	sst s5  }
0xe: {  	[smem:$0x3FA2] =	sst s6  }
0xf: {  	[smem:$0x3FA3] =	sst s7  }
0x10: {  	[smem:$0x3FA4] =	sst s8  }
0x11: {  	[smem:$0x3FA5] =	sst s9;
	s0 =	simm.s32 @!p0 $0x0  }
0x12: {  	s1 =	sld [smem:$0x3F8B];
	s0 =	simm.s32 @p0 $0x1  }
0x13: {  	[smem:$0x3FA6] =	sst s0;
	s0 =	simm.s32 @!p1 $0x0  }
0x14: {  	s2 =	sld [smem:$0x3F8A];
	s0 =	simm.s32 @p1 $0x1  }
0x15: {  	[smem:$0x3FA7] =	sst s0;
	s0 =	simm.s32 @!p2 $0x0  }
0x16: {  	s3 =	sld [smem:$0x3FDB];
	s0 =	simm.s32 @p2 $0x1  }
0x17: {  	s4 =	simm.s32 $0x1BF5;
	[smem:$0x3FA9] =	sst s0  }
0x18: {  	s0 =	sld [smem:$0x3F8C];
	_ =	swait.ge [sflag:s4], $0x0  }
0x19: {  	s7 =	sld [smem:$0x3F8D]  }
0x1a: {  	s8 =	sadd.s32 $0xFFFFE003, lr  }
0x1b: {  	s9 =	sadd.s32 $0xFFFFFEF7, lr;
	s5 =	simm.s32 $0xFFFFFFFF;
	p2 =	slt.u32 s8, $0xFFFFF086  }
0x1c: {  	p1 =	slt.u32 s9, $0xF7A;
	s5 =	simm.s32 @!p2 $0x0  }
0x1d: {  	s5 =	simm.s32 @p1 $0x1;
	p0 =	seq.s32 s7, s2  }
0x1e: {  	s7 =	smul.u32 @!p0 $0xF7A, s2;
	p2 =	seq.s32 @!p0 s5, $0x0  }
0x1f: {  	s9 =	smul.u32 $0xF7A, s1;
	s8 =	simm.s32 @!p0 $0x1BF5;
	p2 =	por !p2, p0  }
0x20: {  	[sflag:s8] =	ssyncset.s32 @!p0 $0xFFFFF086;
	s6 =	sadd.s32 @!p0 s3, s7;
	s7 =	simm.s32 @!p0 $0x108  }
0x21: {  	s3 =	sadd.s32 s3, s9;
	s6 =	sadd.s32 @!p0 $0x88, s6;
	s7 =	simm.s32 @p2 $0x1082  }
0x22: {  	[simem:s7], [sflag:s8] =	dma.local @!p0 [hbm:s6], $0xF7A  }
0x23: {  	s9 =	sor.u32 $0xD0000000, s2;
	s6 =	simm.s32 $0x108;
	_ =	swait.ge @!p0 [sflag:s8], $0x0  }
0x24: {  	s3 =	sadd.s32 $0x88, s3;
	s6 =	simm.s32 @!p1 $0x1082;
	[sflag:s4] =	ssyncset.s32 $0xFFFFF086  }
0x25: {  	[simem:s6], [sflag:s4] =	dma.local [hbm:s3], $0xF7A  }
0x26: {  	[smem:$0x3F8D] =	sst s1;
	(tag) =	ssettag s2;
	_ =	strace s9  }
0x27: {  	s1 =	sld [smem:$0x3F9D]  }
0x28: {  	s2 =	sld [smem:$0x3F9E]  }
0x29: {  	s4 =	sld [smem:$0x3FA0]  }
0x2a: {  	p0 =	seq.s32 s5, $0x0;
	s5 =	sld [smem:$0x3FA1]  }
0x2b: {  	s6 =	sld [smem:$0x3FA2]  }
0x2c: {  	s7 =	sld [smem:$0x3FA3]  }
0x2d: {  	s3 =	simm.s32 $0x108;
	s8 =	sld [smem:$0x3FA4]  }
0x2e: {  	s3 =	simm.s32 @!p0 $0x1082;
	s9 =	sld [smem:$0x3FA5]  }
0x2f: {  	lr =	sadd.s32 s0, s3;
	s0 =	sld [smem:$0x3F9C]  }
0x30: {  	s3 =	sld [smem:$0x3F9F]  }
0x31: {  	[smem:$0x3FA8] =	sst s10  }
0x32: {  	s10 =	sld [smem:$0x3FA6];
	_ =	sdelay $0x3  }
0x33: {  	p0 =	seq.s32 s10, $0x1;
	s10 =	sld [smem:$0x3FA8];
	_ =	sdelay $0x3  }
0x34: {  	[smem:$0x3FA8] =	sst s10  }
0x35: {  	s10 =	sld [smem:$0x3FA7];
	_ =	sdelay $0x3  }
0x36: {  	p1 =	seq.s32 s10, $0x1;
	s10 =	sld [smem:$0x3FA8];
	_ =	sdelay $0x3  }
0x37: {  	[smem:$0x3FA8] =	sst s10  }
0x38: {  	s10 =	sld [smem:$0x3FA9]  }
0x39: {  	_ = 	snop;
	(pc) =	sbr.ind lr, $3  }
0x3a: {  	_ = 	snop  }
0x3b: {  	_ = 	snop  }
0x3c: {  	p2 =	seq.s32 s10, $0x1;
	s10 =	sld [smem:$0x3FA8]  }
0x3d: {  	_ =	shalt  }
0x3e: {  	_ =	shalt  }
0x3f: {  	_ =	shalt  }
0x40: {  	_ =	shalt  }
0x41: {  	_ =	shalt  }
0x42: {  	_ =	shalt  }
0x43: {  	_ =	shalt  }
0x44: {  	_ =	shalt  }
0x45: {  	_ =	shalt  }
0x46: {  	_ =	shalt  }
0x47: {  	_ =	shalt  }
0x48: {  	_ =	shalt  }
0x49: {  	_ =	shalt  }
0x4a: {  	_ =	shalt  }
0x4b: {  	_ =	shalt  }
0x4c: {  	_ =	shalt  }
0x4d: {  	_ =	shalt  }
0x4e: {  	_ =	shalt  }
0x4f: {  	_ =	shalt  }
0x50: {  	_ =	shalt  }
0x51: {  	_ =	shalt  }
0x52: {  	_ =	shalt  }
0x53: {  	_ =	shalt  }
0x54: {  	_ =	shalt  }
0x55: {  	_ =	shalt  }
0x56: {  	_ =	shalt  }
0x57: {  	_ =	shalt  }
0x58: {  	_ =	shalt  }
0x59: {  	_ =	shalt  }
0x5a: {  	_ =	shalt  }
0x5b: {  	_ =	shalt  }
0x5c: {  	_ =	shalt  }
0x5d: {  	_ =	shalt  }
0x5e: {  	_ =	shalt  }
0x5f: {  	_ =	shalt  }
0x60: {  	_ =	shalt  }
0x61: {  	_ =	shalt  }
0x62: {  	_ =	shalt  }
0x63: {  	_ =	shalt  }
0x64: {  	_ =	shalt  }
0x65: {  	_ =	shalt  }
0x66: {  	_ =	shalt  }
0x67: {  	_ =	shalt  }
0x68: {  	_ =	shalt  }
0x69: {  	_ =	shalt  }
0x6a: {  	_ =	shalt  }
0x6b: {  	_ =	shalt  }
0x6c: {  	_ =	shalt  }
0x6d: {  	_ =	shalt  }
0x6e: {  	_ =	shalt  }
0x6f: {  	_ =	shalt  }
0x70: {  	_ =	shalt  }
0x71: {  	_ =	shalt  }
0x72: {  	_ =	shalt  }
0x73: {  	_ =	shalt  }
0x74: {  	_ =	shalt  }
0x75: {  	_ =	shalt  }
0x76: {  	_ =	shalt  }
0x77: {  	_ =	shalt  }
0x78: {  	_ =	shalt  }
0x79: {  	_ =	shalt  }
0x7a: {  	_ =	shalt  }
0x7b: {  	_ =	shalt  }
0x7c: {  	_ =	shalt  }
0x7d: {  	_ =	shalt  }
0x7e: {  	_ =	shalt  }
0x7f: {  	_ =	shalt  }
0x80: {  	_ =	shalt  }
0x81: {  	_ =	shalt  }
0x82: {  	_ =	shalt  }
0x83: {  	_ =	shalt  }
0x84: {  	_ =	shalt  }
0x85: {  	_ =	shalt  }
0x86: {  	_ =	shalt  }
0x87: {  	_ =	shalt  }
.Lfunc_end0:
.L_simem_size_0:
called_computation.1_lowered:
.L_overlay_start_0:
0x88: {  	s2 =	sld [smem:$0x3FD9]  }
0x89: {  	s3 =	sld [smem:$0x3FFE];
	_ =	sdelay $0x1  }
0x8a: {  	s1 =	srdreg.scid  }
0x8b: {  	s0 =	sand.u32 $0x1, s1  }
0x8c: {  	s17 =	sshll.u32 s0, $0xA;
	s2 =	sadd.s32 s3, s2  }
0x8d: {  	s2 =	sadd.s32 s2, s17  }
0x8e: {  	[smem:$0x3FB4] =	sst s2  }
0x8f: {  	_ = 	snop  }
0x90: {  	s2 =	sld [smem:$0x3FD0];
	(tm) =	ssettm $0x1  }
0x91: {  	s18 =	sld [smem:$0x3FFB];
	_ =	sdelay $0x3  }
0x92: {  	_ =	strace s18  }
0x93: {  	s3 =	sld [smem:$0x3FFC];
	_ =	sdelay $0x3  }
0x94: {  	_ =	strace s3  }
0x95: {  	s3 =	sld [smem:$0x3FFD];
	_ =	sdelay $0x3  }
0x96: {  	_ =	strace s3  }
0x97: {  	_ =	strace $0x8FFFFFFF  }
0x98: {  	s19 =	sld [smem:$0x3FDB];
	_ =	sdelay $0x1  }
0x99: {  	s4 =	simm.s32 $_scs_section_size  }
0x9a: {  	s5 =	simm.s32 $_size__tile_overlayer_lowered;
	s6 =	simm.s32 $_tile_overlayer_lowered  }
0x9b: {  	s22 =	simm.s32 $0x1BFF;
	s21 =	sshll.u32 s6, $0x1;
	s3 =	sadd.s32 s4, s19  }
0x9c: {  	s7 =	simm.s32 $0x0;
	s20 =	sshll.u32 s5, $0x1;
	s5 =	sadd.s32 s21, s3  }
0x9d: {  	[timem:s7], [sflag:s22] =	dma.local [hbm:s5], s20  }
0x9e: {  	_ =	swait.ge [sflag:s22], s20  }
0x9f: {  	s4 =	ssub.s32 $0x0, s20;
	[sflag:s22] =	ssyncset.done $0x0  }
0xa0: {  	[sflag:s22] =	ssyncadd.s32 s4;
	_ =	sdelay $0x1  }
0xa1: {  	s23 =	simm.s32 $0x1B8B  }
0xa2: {  	_ =	swait.ge [sflag:s23], $0x1  }
0xa3: {  	[sflag:s23] =	ssyncset.done $0x0  }
0xa4: {  	s25 =	simm.s32 $0x1B8E;
	s24 =	sld [smem:$0x3FFE];
	[sflag:s23] =	ssyncadd.s32 $0xFFFFFFFF  }
0xa5: {  	s26 =	simm.s32 $execute0_lowered;
	[smem:$0x3FD2] =	sst s25  }
0xa6: {  	s5 =	sshll.u32 s26, $0x1;
	_ =	strace $0x80000049;
	[dreg:$0x1] =	wrdreg $0xFFFFFFFF  }
0xa7: {  	s28 =	simm.s32 $_size_execute0_lowered;
	s3 =	sadd.s32 s3, s5;
	[dreg:$0x0] =	wrdreg $0x0  }
0xa8: {  	s5 =	sshll.u32 s28, $0x1;
	[dreg:$0x2] =	wrdreg s3  }
0xa9: {  	[dreg:$0x3] =	wrdreg s5  }
0xaa: {  	[dreg:$0x4] =	wrdreg $0xC0  }
0xab: {  	_ =	task [dreg:s7], $0x5FFFF  }
0xac: {  	[dreg:$0x1] =	wrdreg $0xFFFFFFFF  }
0xad: {  	[dreg:$0x0] =	wrdreg $0x60  }
0xae: {  	[dreg:$0x2] =	wrdreg s24  }
0xaf: {  	[dreg:$0x3] =	wrdreg s2  }
0xb0: {  	[dreg:$0x4] =	wrdreg $0xD2000  }
0xb1: {  	[dreg:$0x5] =	wrdreg $0x9  }
0xb2: {  	_ =	task.clear_ibuf [dreg:s7], $0x6FFFF;
	_ =	strace $0x90000049  }
0xb3: {  	s29 =	simm.s32 $0x9;
	_ =	strace $0x8000004B  }
0xb4: {  	_ =	swait.ge [sflag:s29], $0x1  }
0xb5: {  	[sflag:s29] =	ssyncadd.s32 $0xFFFFFFFF  }
0xb6: {  	_ =	strace $0x9000004B  }
0xb7: {  	_ =	sfence  }
0xb8: {  	s30 =	sld [smem:$0x0];
	_ =	sdelay $0x2  }
0xb9: {  	s31 =	sshll.u32 s1, $0xD;
	s1 =	sshrl.u32 s1, $0x2  }
0xba: {  	s3 =	sand.u32 $0x4000, s31;
	s1 =	sadd.s32 s1, s30  }
0xbb: {  	s0 =	sor.u32 s3, s0;
	s1 =	sshll.u32 s1, $0x11  }
0xbc: {  	s0 =	sor.u32 s1, s0  }
0xbd: {  	s0 =	sadd.s32 $0x8F2B, s0  }
0xbe: {  	[sflag:s0] =	ssyncadd.remote.s32 $0x1  }
0xbf: {  	_ =	sfence.sel $0xFFFF  }
0xc0: {  	[dreg:$0x0] =	wrdreg $0xFFFFFFFF;
	(pc) =	sbr.abs _section_cstart, $3  }
0xc1: {  	[dreg:$0x1] =	wrdreg $0xFFFFFFFF  }
0xc2: {  	_ =	task.clear_ibuf [dreg:s7], $0x2FFFF;
	_ =	strace $0x9FFFFFFF  }
0xc3: {  	(tm) =	ssettm $0x7FFFFFFF  }
tec
execute0_lowered:
.L_overlay_start_1:
0x0: {  	(tag) =	ssettag $0x1  }
0x1: {  	s5 =	rddreg [dreg:$0x0]  }
0x2: {  	s6 =	rddreg [dreg:$0x1]  }
0x3: {  	s2 =	rddreg [dreg:$0x2]  }
0x4: {  	s0 =	rddreg [dreg:$0x3]  }
0x5: {  	s1 =	stileid.u32;
	s4 =	srdreg.scid;
	s3 =	simm.s32 $0x0  }
0x6: {  	s14 =	simm.s32 $0x5200;
	s15 =	simm.s32 $0x9200;
	s16 =	simm.s32 $0x1  }
0x7: {  	s17 =	simm.s32 $0x80;
	s18 =	simm.s32 $0x2;
	s7 =	smul.u32 $0x52000, s1  }
0x8: {  	s19 =	simm.s32 $0x5100;
	s20 =	simm.s32 $0x5180;
	s10 =	smul.u32 $0xC800, s1  }
0x9: {  	s21 =	simm.s32 $0x0;
	s8 =	sand.u32 $0x1, s4;
	s25 =	smul.u32 $0x5200, s1  }
0xa: {  	[smem:$0x7FF] =	sst s3;
	s4 =	sadd.s32 $0x1CA00, s5;
	s13 =	smul.u32 $0x32000, s1  }
0xb: {  	s30 =	sshll.u32 s1, $0x6;
	s9 =	smul.u32 $0xC8000, s8;
	_ =	strace $0x8000004A  }
0xc: {  	s26 =	ssub.s32 $0x2, s8;
	s8 =	smul.u32 $0x52000, s8;
	s11 =	sadd.s32 s7, s5  }
0xd: {  	s12 =	sshrl.u32 s26, $0x1;
	s29 =	sshrl.u32 s13, $0x2;
	s9 =	sadd.s32 s10, s9  }
0xe: {  	s10 =	ssub.s32 s26, s12;
	s28 =	sadd.s32 s25, s8;
	s13 =	sadd.s32 s29, s2  }
0xf: {  	s7 =	sadd.s32 $0xAAC400, s11;
	s9 =	sshrl.u32 s9, $0x3;
	s31 =	sshrl.u32 s28, $0x3  }
0x10: {  	s12 =	sshrl.u32 s13, $0x3;
	s13 =	simm.s32 $0x3;
	s9 =	sadd.s32 s9, s5  }
0x11: {  	s5 =	sor.u32 $0x1C03, s30;
	s6 =	sadd.s32 s6, s31;
	s8 =	sadd.s32 $0x1E400, s9  }
0x12: {  	s9 =	smax.u32 s10, $0x1;
	s10 =	sadd.s32 $0xAFDC00, s11;
	s11 =	sadd.s32 $0xAAD400, s11  }
.LBB2_1:
0x13: {  	[spmem:s12], [sflag:s5] =	dma.local [hbm:s4], $0x1900  }
0x14: {  	_ =	swait.ge [sflag:s13], $0x1900  }
0x15: {  	[sflag:s13] =	ssyncset.done $0x0  }
0x16: {  	[sflag:s13] =	ssyncadd.s32 $0xFFFFE700  }
0x17: {  	[bflag:$0x0] =	sbarrier.arrive $0xFFFF  }
0x18: {  	[tilespmem:s3], [sflag:$0x3] =	stream.linear.gather [hbm4b:s6+s3], $0x5200, $0x38;
	[tilespmem:$0x19A00] =	vst v63  }
0x19: {  	_ =	swait.ge [sflag:s13], $0x5200  }
0x1a: {  	[sflag:s13] =	ssyncset.done $0x0  }
0x1b: {  	[sflag:s13] =	ssyncadd.s32 $0xFFFFAE00  }
0x1c: {  	[tilespmem:s14], [sflag:$0x1] =	stream.linear.gather [hbm4b:s7+s3], $0x4000, $0x38;
	[tilespmem:$0x19A00] =	vst v63  }
0x1d: {  	s22 =	sadd.s32 $0xFFFFF800, s11  }
0x1e: {  	[tilespmem:s15], [sflag:$0x2] =	stream.linear.gather [hbm4b:s22+s3], $0x4000, $0x38;
	[tilespmem:$0x19A00] =	vst v63  }
0x1f: {  	_ =	swait.ge [sflag:s16], $0x4000  }
0x20: {  	[sflag:s16] =	ssyncset.done $0x0  }
0x21: {  	s30 =	simm.s32 $0x0;
	[sflag:s16] =	ssyncadd.s32 $0xFFFFC000  }
0x22: {  	[spmem:s2] =	stream.indirect.scatter.add.f32 [tilespmem:s14], [sflag:$0x3], $0x80, s30, s17, $0xb8;
	[tilespmem:$0x19A00] =	vst v63  }
0x23: {  	_ =	swait.ge [sflag:s13], $0x4000  }
0x24: {  	[sflag:s13] =	ssyncset.done $0x0  }
0x25: {  	[sflag:s13] =	ssyncadd.s32 $0xFFFFC000  }
0x26: {  	[tilespmem:s14], [sflag:$0x1] =	stream.linear.gather [hbm4b:s11+s3], $0x4000, $0x38;
	[tilespmem:$0x19A00] =	vst v63  }
0x27: {  	_ =	swait.ge [sflag:s18], $0x4000  }
0x28: {  	[sflag:s18] =	ssyncset.done $0x0  }
0x29: {  	s31 =	simm.s32 $0x80;
	[sflag:s18] =	ssyncadd.s32 $0xFFFFC000  }
0x2a: {  	[spmem:s2] =	stream.indirect.scatter.add.f32 [tilespmem:s15], [sflag:$0x3], $0x80, s31, s17, $0xb8;
	[tilespmem:$0x19A00] =	vst v63  }
0x2b: {  	s23 =	simm.s32 $0x400;
	_ =	swait.ge [sflag:s13], $0x4000  }
0x2c: {  	s24 =	simm.s32 $0x800;
	s22 =	sadd.s32 $0x1000, s11;
	[sflag:s13] =	ssyncset.done $0x0  }
.LBB2_2:
0x2d: {  	p0 =	sne.s32 s24, $0x14000;
	s25 =	sadd.s32 $0xFFFFF800, s22;
	[sflag:s13] =	ssyncadd.s32 $0xFFFFC000  }
0x2e: {  	[tilespmem:s15], [sflag:$0x2] =	stream.linear.gather [hbm4b:s25+s3], $0x4000, $0x38;
	[tilespmem:$0x19A00] =	vst v63  }
0x2f: {  	s25 =	smov.u32 s24;
	s24 =	sadd.s32 $0x400, s24;
	_ =	swait.ge [sflag:s16], $0x4000  }
0x30: {  	[sflag:s16] =	ssyncset.done $0x0  }
0x31: {  	s26 =	sshra.s32 s23, $0x2;
	s23 =	smov.u32 s25;
	[sflag:s16] =	ssyncadd.s32 $0xFFFFC000  }
0x32: {  	[spmem:s2] =	stream.indirect.scatter.add.f32 [tilespmem:s14], [sflag:$0x3], $0x80, s26, s17, $0xb8;
	[tilespmem:$0x19A00] =	vst v63  }
0x33: {  	_ =	swait.ge [sflag:s13], $0x4000  }
0x34: {  	[sflag:s13] =	ssyncset.done $0x0  }
0x35: {  	[sflag:s13] =	ssyncadd.s32 $0xFFFFC000  }
0x36: {  	[tilespmem:s14], [sflag:$0x1] =	stream.linear.gather [hbm4b:s22+s3], $0x4000, $0x38;
	[tilespmem:$0x19A00] =	vst v63  }
0x37: {  	_ =	swait.ge [sflag:s18], $0x4000  }
.Ltmp0:
0x38: {  	[sflag:s18] =	ssyncset.done $0x0;
	(pc) =	sbr.rel @p0 .LBB2_2-.Ltmp0, $4  }
0x39: {  	s25 =	sadd.s32 $0x80, s26;
	[sflag:s18] =	ssyncadd.s32 $0xFFFFC000  }
0x3a: {  	[spmem:s2] =	stream.indirect.scatter.add.f32 [tilespmem:s15], [sflag:$0x3], $0x80, s25, s17, $0xb8;
	[tilespmem:$0x19A00] =	vst v63  }
0x3b: {  	_ =	swait.ge [sflag:s13], $0x4000  }
0x3c: {  	s22 =	sadd.s32 $0x1000, s22;
	[sflag:s13] =	ssyncset.done $0x0  }
0x3d: {  	s24 =	sadd.s32 $0xFFFFF800, s22;
	[sflag:s13] =	ssyncadd.s32 $0xFFFFC000  }
0x3e: {  	[tilespmem:s15], [sflag:$0x2] =	stream.linear.gather [hbm4b:s24+s3], $0x4000, $0x38;
	[tilespmem:$0x19A00] =	vst v63  }
0x3f: {  	_ =	swait.ge [sflag:s16], $0x4000  }
0x40: {  	[sflag:s16] =	ssyncset.done $0x0  }
0x41: {  	s23 =	sshra.s32 s23, $0x2;
	[sflag:s16] =	ssyncadd.s32 $0xFFFFC000  }
0x42: {  	[spmem:s2] =	stream.indirect.scatter.add.f32 [tilespmem:s14], [sflag:$0x3], $0x80, s23, s17, $0xb8;
	[tilespmem:$0x19A00] =	vst v63  }
0x43: {  	_ =	swait.ge [sflag:s13], $0x4000  }
0x44: {  	[sflag:s13] =	ssyncset.done $0x0  }
0x45: {  	[sflag:s13] =	ssyncadd.s32 $0xFFFFC000  }
0x46: {  	[tilespmem:s14], [sflag:$0x1] =	stream.linear.gather [hbm4b:s22+s3], $0x4000, $0x38;
	[tilespmem:$0x19A00] =	vst v63  }
0x47: {  	_ =	swait.ge [sflag:s18], $0x4000  }
0x48: {  	[sflag:s18] =	ssyncset.done $0x0  }
0x49: {  	s31 =	sadd.s32 $0x80, s23;
	[sflag:s18] =	ssyncadd.s32 $0xFFFFC000  }
0x4a: {  	[spmem:s2] =	stream.indirect.scatter.add.f32 [tilespmem:s15], [sflag:$0x3], $0x80, s31, s17, $0xb8;
	[tilespmem:$0x19A00] =	vst v63  }
0x4b: {  	_ =	swait.ge [sflag:s13], $0x4000  }
0x4c: {  	[sflag:s13] =	ssyncset.done $0x0  }
0x4d: {  	[sflag:s13] =	ssyncadd.s32 $0xFFFFC000  }
0x4e: {  	[tilespmem:s15], [sflag:$0x2] =	stream.linear.gather [hbm4b:s10+s3], $0x4000, $0x38;
	[tilespmem:$0x19A00] =	vst v63  }
0x4f: {  	_ =	swait.ge [sflag:s16], $0x4000  }
0x50: {  	[sflag:s16] =	ssyncset.done $0x0  }
0x51: {  	[sflag:s16] =	ssyncadd.s32 $0xFFFFC000  }
0x52: {  	[spmem:s2] =	stream.indirect.scatter.add.f32 [tilespmem:s14], [sflag:$0x3], $0x80, s19, s17, $0xb8;
	[tilespmem:$0x19A00] =	vst v63  }
0x53: {  	_ =	swait.ge [sflag:s13], $0x4000  }
0x54: {  	[sflag:s13] =	ssyncset.done $0x0  }
0x55: {  	[sflag:s13] =	ssyncadd.s32 $0xFFFFC000  }
0x56: {  	_ =	swait.ge [sflag:s18], $0x4000  }
0x57: {  	[sflag:s18] =	ssyncset.done $0x0  }
0x58: {  	[sflag:s18] =	ssyncadd.s32 $0xFFFFC000  }
0x59: {  	[spmem:s2] =	stream.indirect.scatter.add.f32 [tilespmem:s15], [sflag:$0x3], $0x80, s20, s17, $0xb8;
	[tilespmem:$0x19A00] =	vst v63  }
0x5a: {  	_ =	swait.ge [sflag:s13], $0x4000  }
0x5b: {  	s21 =	sadd.s32 $0x1, s21;
	[sflag:s13] =	ssyncset.done $0x0  }
0x5c: {  	p0 =	sne.s32 s21, s9;
	[sflag:s13] =	ssyncadd.s32 $0xFFFFC000  }
.Ltmp1:
0x5d: {  	[bflag:$0x0] =	sbarrier.arrive $0xFFFF;
	(pc) =	sbr.rel @p0 .LBB2_1-.Ltmp1, $4  }
0x5e: {  	[hbm:s8], [sflag:s5] =	dma.local [spmem:s12], $0x1900  }
0x5f: {  	_ =	swait.ge [sflag:s13], $0x1900  }
0x60: {  	[sflag:s13] =	ssyncset.done $0x0  }
0x61: {  	[sflag:s13] =	ssyncadd.s32 $0xFFFFE700  }
0x62: {  	_ =	sfence.sel $0x180000  }
0x63: {  	[bflag:$0x0] =	sbarrier.arrive $0xFFFF  }
0x64: {  	p0 =	sne.s32 s1, $0x0;
	_ =	strace $0x9000004A  }
0x65: {  	s0 =	sadd.s32 @!p0 $0x100000, s0;
	[bflag:$0x2] =	sbarrier.arrive $0xFFFF  }
0x66: {  	[sflag:s0] =	ssyncadd.tile.s32 @!p0 $0x1;
	_ =	shalt  }
.Lfunc_end2:
_tile_overlayer_lowered:
.L_overlay_start_2:
0x67: {  	(tag) =	ssettag $0x2  }
0x68: {  	s0 =	rddreg [dreg:$0x0];
	s2 =	stileid.u32  }
0x69: {  	s1 =	rddreg [dreg:$0x1];
	p0 =	sne.s32 s2, $0x0  }
0x6a: {  	s3 =	rddreg [dreg:$0x2];
	[bflag:$0x3] =	sbarrier.arrive $0xFFFF;
	s2 =	simm.s32 @!p0 $0x1C03  }
0x6b: {  	[timem:s3], [sflag:s2] =	dma.local @!p0 [hbm:s0], s1  }
0x6c: {  	s0 =	simm.s32 @!p0 $0x3  }
0x6d: {  	_ =	swait.ge @!p0 [sflag:s0], s1  }
0x6e: {  	s1 =	ssub.s32 @!p0 $0x0, s1;
	[sflag:s0] =	ssyncset.done @!p0 $0x0  }
0x6f: {  	[sflag:s0] =	ssyncadd.s32 @!p0 s1  }
0x70: {  	[bflag:$0x3] =	sbarrier.arrive $0xFFFF  }
0x71: {  	_ =	shalt  }

// kernel: kernel.23.cloned.1.call-start
scs
__scs_entry_jumppad:
0x0: {  	(pc) =	sbr.rel $0x88, $3  }
0x1: {  	(tag) =	ssettag $0x0;
	lr =	simm.s32 $0x1  }
0x2: {  	[smem:$0x3F8D] =	sst lr;
	_ =	strace $0xD0000000  }
0x3: {  	_ = 	snop  }
0x4: {  	_ = 	snop  }
0x5: {  	_ = 	snop  }
0x6: {  	_ = 	snop  }
0x7: {  	_ = 	snop  }
__scs_overlays_trampoline_lowered:
0x8: {  	[smem:$0x3F9C] =	sst s0  }
0x9: {  	[smem:$0x3F9D] =	sst s1  }
0xa: {  	[smem:$0x3F9E] =	sst s2  }
0xb: {  	[smem:$0x3F9F] =	sst s3  }
0xc: {  	[smem:$0x3FA0] =	sst s4  }
0xd: {  	[smem:$0x3FA1] =	sst s5  }
0xe: {  	[smem:$0x3FA2] =	sst s6  }
0xf: {  	[smem:$0x3FA3] =	sst s7  }
0x10: {  	[smem:$0x3FA4] =	sst s8  }
0x11: {  	[smem:$0x3FA5] =	sst s9;
	s0 =	simm.s32 @!p0 $0x0  }
0x12: {  	s1 =	sld [smem:$0x3F8B];
	s0 =	simm.s32 @p0 $0x1  }
0x13: {  	[smem:$0x3FA6] =	sst s0;
	s0 =	simm.s32 @!p1 $0x0  }
0x14: {  	s2 =	sld [smem:$0x3F8A];
	s0 =	simm.s32 @p1 $0x1  }
0x15: {  	[smem:$0x3FA7] =	sst s0;
	s0 =	simm.s32 @!p2 $0x0  }
0x16: {  	s3 =	sld [smem:$0x3FDB];
	s0 =	simm.s32 @p2 $0x1  }
0x17: {  	s4 =	simm.s32 $0x1BF5;
	[smem:$0x3FA9] =	sst s0  }
0x18: {  	s0 =	sld [smem:$0x3F8C];
	_ =	swait.ge [sflag:s4], $0x0  }
0x19: {  	s7 =	sld [smem:$0x3F8D]  }
0x1a: {  	s8 =	sadd.s32 $0xFFFFE003, lr  }
0x1b: {  	s9 =	sadd.s32 $0xFFFFFEF7, lr;
	s5 =	simm.s32 $0xFFFFFFFF;
	p2 =	slt.u32 s8, $0xFFFFF086  }
0x1c: {  	p1 =	slt.u32 s9, $0xF7A;
	s5 =	simm.s32 @!p2 $0x0  }
0x1d: {  	s5 =	simm.s32 @p1 $0x1;
	p0 =	seq.s32 s7, s2  }
0x1e: {  	s7 =	smul.u32 @!p0 $0xF7A, s2;
	p2 =	seq.s32 @!p0 s5, $0x0  }
0x1f: {  	s9 =	smul.u32 $0xF7A, s1;
	s8 =	simm.s32 @!p0 $0x1BF5;
	p2 =	por !p2, p0  }
0x20: {  	[sflag:s8] =	ssyncset.s32 @!p0 $0xFFFFF086;
	s6 =	sadd.s32 @!p0 s3, s7;
	s7 =	simm.s32 @!p0 $0x108  }
0x21: {  	s3 =	sadd.s32 s3, s9;
	s6 =	sadd.s32 @!p0 $0x88, s6;
	s7 =	simm.s32 @p2 $0x1082  }
0x22: {  	[simem:s7], [sflag:s8] =	dma.local @!p0 [hbm:s6], $0xF7A  }
0x23: {  	s9 =	sor.u32 $0xD0000000, s2;
	s6 =	simm.s32 $0x108;
	_ =	swait.ge @!p0 [sflag:s8], $0x0  }
0x24: {  	s3 =	sadd.s32 $0x88, s3;
	s6 =	simm.s32 @!p1 $0x1082;
	[sflag:s4] =	ssyncset.s32 $0xFFFFF086  }
0x25: {  	[simem:s6], [sflag:s4] =	dma.local [hbm:s3], $0xF7A  }
0x26: {  	[smem:$0x3F8D] =	sst s1;
	(tag) =	ssettag s2;
	_ =	strace s9  }
0x27: {  	s1 =	sld [smem:$0x3F9D]  }
0x28: {  	s2 =	sld [smem:$0x3F9E]  }
0x29: {  	s4 =	sld [smem:$0x3FA0]  }
0x2a: {  	p0 =	seq.s32 s5, $0x0;
	s5 =	sld [smem:$0x3FA1]  }
0x2b: {  	s6 =	sld [smem:$0x3FA2]  }
0x2c: {  	s7 =	sld [smem:$0x3FA3]  }
0x2d: {  	s3 =	simm.s32 $0x108;
	s8 =	sld [smem:$0x3FA4]  }
0x2e: {  	s3 =	simm.s32 @!p0 $0x1082;
	s9 =	sld [smem:$0x3FA5]  }
0x2f: {  	lr =	sadd.s32 s0, s3;
	s0 =	sld [smem:$0x3F9C]  }
0x30: {  	s3 =	sld [smem:$0x3F9F]  }
0x31: {  	[smem:$0x3FA8] =	sst s10  }
0x32: {  	s10 =	sld [smem:$0x3FA6];
	_ =	sdelay $0x3  }
0x33: {  	p0 =	seq.s32 s10, $0x1;
	s10 =	sld [smem:$0x3FA8];
	_ =	sdelay $0x3  }
0x34: {  	[smem:$0x3FA8] =	sst s10  }
0x35: {  	s10 =	sld [smem:$0x3FA7];
	_ =	sdelay $0x3  }
0x36: {  	p1 =	seq.s32 s10, $0x1;
	s10 =	sld [smem:$0x3FA8];
	_ =	sdelay $0x3  }
0x37: {  	[smem:$0x3FA8] =	sst s10  }
0x38: {  	s10 =	sld [smem:$0x3FA9]  }
0x39: {  	_ = 	snop;
	(pc) =	sbr.ind lr, $3  }
0x3a: {  	_ = 	snop  }
0x3b: {  	_ = 	snop  }
0x3c: {  	p2 =	seq.s32 s10, $0x1;
	s10 =	sld [smem:$0x3FA8]  }
0x3d: {  	_ =	shalt  }
0x3e: {  	_ =	shalt  }
0x3f: {  	_ =	shalt  }
0x40: {  	_ =	shalt  }
0x41: {  	_ =	shalt  }
0x42: {  	_ =	shalt  }
0x43: {  	_ =	shalt  }
0x44: {  	_ =	shalt  }
0x45: {  	_ =	shalt  }
0x46: {  	_ =	shalt  }
0x47: {  	_ =	shalt  }
0x48: {  	_ =	shalt  }
0x49: {  	_ =	shalt  }
0x4a: {  	_ =	shalt  }
0x4b: {  	_ =	shalt  }
0x4c: {  	_ =	shalt  }
0x4d: {  	_ =	shalt  }
0x4e: {  	_ =	shalt  }
0x4f: {  	_ =	shalt  }
0x50: {  	_ =	shalt  }
0x51: {  	_ =	shalt  }
0x52: {  	_ =	shalt  }
0x53: {  	_ =	shalt  }
0x54: {  	_ =	shalt  }
0x55: {  	_ =	shalt  }
0x56: {  	_ =	shalt  }
0x57: {  	_ =	shalt  }
0x58: {  	_ =	shalt  }
0x59: {  	_ =	shalt  }
0x5a: {  	_ =	shalt  }
0x5b: {  	_ =	shalt  }
0x5c: {  	_ =	shalt  }
0x5d: {  	_ =	shalt  }
0x5e: {  	_ =	shalt  }
0x5f: {  	_ =	shalt  }
0x60: {  	_ =	shalt  }
0x61: {  	_ =	shalt  }
0x62: {  	_ =	shalt  }
0x63: {  	_ =	shalt  }
0x64: {  	_ =	shalt  }
0x65: {  	_ =	shalt  }
0x66: {  	_ =	shalt  }
0x67: {  	_ =	shalt  }
0x68: {  	_ =	shalt  }
0x69: {  	_ =	shalt  }
0x6a: {  	_ =	shalt  }
0x6b: {  	_ =	shalt  }
0x6c: {  	_ =	shalt  }
0x6d: {  	_ =	shalt  }
0x6e: {  	_ =	shalt  }
0x6f: {  	_ =	shalt  }
0x70: {  	_ =	shalt  }
0x71: {  	_ =	shalt  }
0x72: {  	_ =	shalt  }
0x73: {  	_ =	shalt  }
0x74: {  	_ =	shalt  }
0x75: {  	_ =	shalt  }
0x76: {  	_ =	shalt  }
0x77: {  	_ =	shalt  }
0x78: {  	_ =	shalt  }
0x79: {  	_ =	shalt  }
0x7a: {  	_ =	shalt  }
0x7b: {  	_ =	shalt  }
0x7c: {  	_ =	shalt  }
0x7d: {  	_ =	shalt  }
0x7e: {  	_ =	shalt  }
0x7f: {  	_ =	shalt  }
0x80: {  	_ =	shalt  }
0x81: {  	_ =	shalt  }
0x82: {  	_ =	shalt  }
0x83: {  	_ =	shalt  }
0x84: {  	_ =	shalt  }
0x85: {  	_ =	shalt  }
0x86: {  	_ =	shalt  }
0x87: {  	_ =	shalt  }
.Lfunc_end0:
.L_simem_size_0:
called_computation.2_lowered:
.L_overlay_start_0:
0x88: {  	s2 =	sld [smem:$0x3FD9]  }
0x89: {  	s3 =	sld [smem:$0x3FFE];
	_ =	sdelay $0x1  }
0x8a: {  	s1 =	srdreg.scid  }
0x8b: {  	s0 =	sand.u32 $0x1, s1  }
0x8c: {  	s16 =	sshll.u32 s0, $0xA;
	s2 =	sadd.s32 s3, s2  }
0x8d: {  	s2 =	sadd.s32 s2, s16  }
0x8e: {  	[smem:$0x3FB4] =	sst s2  }
0x8f: {  	_ = 	snop  }
0x90: {  	(tm) =	ssettm $0x1  }
0x91: {  	s17 =	sld [smem:$0x3FFB];
	_ =	sdelay $0x3  }
0x92: {  	_ =	strace s17  }
0x93: {  	s2 =	sld [smem:$0x3FFC];
	_ =	sdelay $0x3  }
0x94: {  	_ =	strace s2  }
0x95: {  	s2 =	sld [smem:$0x3FFD];
	_ =	sdelay $0x3  }
0x96: {  	_ =	strace s2  }
0x97: {  	_ =	strace $0x8FFFFFFF  }
0x98: {  	s18 =	sld [smem:$0x3FDB];
	_ =	sdelay $0x1  }
0x99: {  	s19 =	simm.s32 $_scs_section_size  }
0x9a: {  	s4 =	simm.s32 $_size__tile_overlayer_lowered;
	s5 =	simm.s32 $_tile_overlayer_lowered  }
0x9b: {  	s22 =	simm.s32 $0x1BFF;
	s21 =	sshll.u32 s5, $0x1;
	s2 =	sadd.s32 s19, s18  }
0x9c: {  	s6 =	simm.s32 $0x0;
	s20 =	sshll.u32 s4, $0x1;
	s4 =	sadd.s32 s21, s2  }
0x9d: {  	[timem:s6], [sflag:s22] =	dma.local [hbm:s4], s20  }
0x9e: {  	_ =	swait.ge [sflag:s22], s20  }
0x9f: {  	s3 =	ssub.s32 $0x0, s20;
	[sflag:s22] =	ssyncset.done $0x0  }
0xa0: {  	[sflag:s22] =	ssyncadd.s32 s3;
	_ =	sdelay $0x1  }
0xa1: {  	s23 =	simm.s32 $0x1B8B  }
0xa2: {  	_ =	swait.ge [sflag:s23], $0x1  }
0xa3: {  	[sflag:s23] =	ssyncset.done $0x0  }
0xa4: {  	s25 =	simm.s32 $0x1B8E;
	s24 =	sld [smem:$0x3FFE];
	[sflag:s23] =	ssyncadd.s32 $0xFFFFFFFF  }
0xa5: {  	s26 =	simm.s32 $execute0_lowered;
	[smem:$0x3FD2] =	sst s25  }
0xa6: {  	s4 =	sshll.u32 s26, $0x1;
	_ =	strace $0x8000004C;
	[dreg:$0x1] =	wrdreg $0xFFFFFFFF  }
0xa7: {  	s28 =	simm.s32 $_size_execute0_lowered;
	s2 =	sadd.s32 s2, s4;
	[dreg:$0x0] =	wrdreg $0x0  }
0xa8: {  	s4 =	sshll.u32 s28, $0x1;
	[dreg:$0x2] =	wrdreg s2  }
0xa9: {  	[dreg:$0x3] =	wrdreg s4  }
0xaa: {  	[dreg:$0x4] =	wrdreg $0xC0  }
0xab: {  	_ =	task [dreg:s6], $0x5FFFF  }
0xac: {  	[dreg:$0x1] =	wrdreg $0xFFFFFFFF  }
0xad: {  	[dreg:$0x0] =	wrdreg $0x60  }
0xae: {  	[dreg:$0x2] =	wrdreg s24  }
0xaf: {  	[dreg:$0x3] =	wrdreg $0x9  }
0xb0: {  	_ =	task.clear_ibuf [dreg:s6], $0x4FFFF;
	_ =	strace $0x9000004C  }
0xb1: {  	s29 =	simm.s32 $0x9;
	_ =	strace $0x8000004E  }
0xb2: {  	_ =	swait.ge [sflag:s29], $0x1  }
0xb3: {  	[sflag:s29] =	ssyncadd.s32 $0xFFFFFFFF  }
0xb4: {  	_ =	strace $0x9000004E  }
0xb5: {  	_ =	sfence  }
0xb6: {  	s30 =	sld [smem:$0x0];
	_ =	sdelay $0x2  }
0xb7: {  	s31 =	sshll.u32 s1, $0xD;
	s1 =	sshrl.u32 s1, $0x2  }
0xb8: {  	s3 =	sand.u32 $0x4000, s31;
	s1 =	sadd.s32 s1, s30  }
0xb9: {  	s0 =	sor.u32 s3, s0;
	s1 =	sshll.u32 s1, $0x11  }
0xba: {  	s0 =	sor.u32 s1, s0  }
0xbb: {  	s0 =	sadd.s32 $0x8F2B, s0  }
0xbc: {  	[sflag:s0] =	ssyncadd.remote.s32 $0x1  }
0xbd: {  	_ =	sfence.sel $0xFFFF  }
0xbe: {  	[dreg:$0x0] =	wrdreg $0xFFFFFFFF;
	(pc) =	sbr.abs _section_cstart, $3  }
0xbf: {  	[dreg:$0x1] =	wrdreg $0xFFFFFFFF  }
0xc0: {  	_ =	task.clear_ibuf [dreg:s6], $0x2FFFF;
	_ =	strace $0x9FFFFFFF  }
0xc1: {  	(tm) =	ssettm $0x7FFFFFFF  }
tec
execute0_lowered:
.L_overlay_start_1:
0x0: {  	(tag) =	ssettag $0x1  }
0x1: {  	s0 =	srdreg.scid  }
0x2: {  	s15 =	stileid.u32;
	s1 =	rddreg [dreg:$0x0]  }
0x3: {  	s2 =	simm.s32 $0x0;
	s17 =	simm.s32 $0x2900;
	s18 =	simm.s32 $0x5200  }
0x4: {  	s19 =	simm.s32 $0xD200;
	s20 =	simm.s32 $0x80;
	s21 =	simm.s32 $0x9200  }
0x5: {  	s22 =	simm.s32 $0x11200;
	s23 =	simm.s32 $0x1;
	s24 =	simm.s32 $0x3  }
0x6: {  	s25 =	simm.s32 $0x2;
	s26 =	simm.s32 $0x4;
	s11 =	smul.u32 $0x290000, s15  }
0x7: {  	s0 =	sand.u32 $0x1, s0;
	s3 =	sshll.u32 s15, $0x1;
	s15 =	smul.u32 $0x52000, s15  }
0x8: {  	s30 =	simm.s32 $0x0;
	[smem:$0x7FF] =	sst s2;
	s12 =	smul.u32 $0x148000, s0  }
0x9: {  	s6 =	sor.u32 s0, s3;
	s7 =	ssub.s32 $0x2, s0;
	s0 =	smul.u32 $0x29000, s0  }
0xa: {  	s4 =	sadd.s32 $0x50C00, s1;
	s13 =	sadd.s32 $0x77E00, s1;
	s5 =	smul.u32 $0x2900, s6  }
0xb: {  	_ =	strace $0x8000004D;
	s3 =	sadd.s32 $0x1E400, s1;
	s9 =	smul.u32 $0x148000, s6  }
0xc: {  	s29 =	sshrl.u32 s7, $0x1;
	s10 =	smul.u32 $0x29000, s6;
	s16 =	sadd.s32 s15, s13  }
0xd: {  	s7 =	ssub.s32 s7, s29;
	s12 =	sadd.s32 s12, s11;
	s16 =	sadd.s32 s0, s16  }
0xe: {  	s5 =	sshrl.u32 s5, $0x3;
	s9 =	sshrl.u32 s9, $0x3;
	s7 =	smax.u32 s7, $0x1  }
0xf: {  	s14 =	sadd.s32 $0x28800, s10;
	s31 =	sshrl.u32 s12, $0x3;
	s8 =	sadd.s32 s5, s1  }
0x10: {  	s1 =	sadd.s32 $0xAAC400, s1;
	s9 =	sadd.s32 $0x28000, s9;
	s5 =	sadd.s32 $0x8200, s8  }
0x11: {  	s6 =	sadd.s32 $0x12600, s8;
	s8 =	sadd.s32 s13, s9;
	s9 =	sadd.s32 s1, s9  }
0x12: {  	s11 =	sadd.s32 s1, s14;
	s12 =	sadd.s32 s31, s1;
	s1 =	sadd.s32 s15, s1  }
0x13: {  	s10 =	sadd.s32 s13, s14;
	s13 =	sadd.s32 s31, s13;
	s0 =	sadd.s32 s0, s1  }
0x14: {  	s14 =	sadd.s32 $0x800, s16;
	s16 =	simm.s32 $0x5;
	s15 =	sadd.s32 $0x800, s0  }
.LBB2_1:
0x15: {  	[tilespmem:s2], [sflag:$0x5] =	stream.linear.gather [hbm4b:s5+s2], $0x2900, $0x38;
	[tilespmem:$0x15200] =	vst v63  }
0x16: {  	_ =	swait.ge [sflag:s16], $0x2900  }
0x17: {  	[sflag:s16] =	ssyncset.done $0x0  }
0x18: {  	[sflag:s16] =	ssyncadd.s32 $0xFFFFD700  }
0x19: {  	[tilespmem:s17], [sflag:$0x5] =	stream.linear.gather [hbm4b:s6+s2], $0x2900, $0x38;
	[tilespmem:$0x15200] =	vst v63  }
0x1a: {  	_ =	swait.ge [sflag:s16], $0x2900  }
0x1b: {  	[sflag:s16] =	ssyncset.done $0x0  }
0x1c: {  	[sflag:s16] =	ssyncadd.s32 $0xFFFFD700  }
0x1d: {  	[tilespmem:s18], [sflag:$0x1] =	stream.indirect.gather [hbm4b:s3+s20], $0x80, s2, s20, $0xb8;
	[tilespmem:$0x15200] =	vst v63  }
0x1e: {  	_ = 	snop  }
0x1f: {  	[tilespmem:s19], [sflag:$0x3] =	stream.indirect.gather [hbm4b:s4+s20], $0x80, s17, s20, $0xb8;
	[tilespmem:$0x15200] =	vst v63  }
0x20: {  	_ = 	snop  }
0x21: {  	[tilespmem:s21], [sflag:$0x2] =	stream.indirect.gather [hbm4b:s3+s20], $0x80, s20, s20, $0xb8;
	[tilespmem:$0x15200] =	vst v63  }
0x22: {  	s31 =	simm.s32 $0x2980  }
0x23: {  	[tilespmem:s22], [sflag:$0x4] =	stream.indirect.gather [hbm4b:s4+s20], $0x80, s31, s20, $0xb8;
	[tilespmem:$0x15200] =	vst v63  }
0x24: {  	_ =	swait.ge [sflag:s23], $0x4000  }
0x25: {  	[sflag:s23] =	ssyncset.done $0x0  }
0x26: {  	s0 =	sadd.s32 $0x0, s13;
	[sflag:s23] =	ssyncadd.s32 $0xFFFFC000  }
0x27: {  	[hbm4b:s0+s2] =	stream.linear.scatter [tilespmem:s18], [sflag:$0x5], $0x4000, $0x38;
	[tilespmem:$0x15200] =	vst v63  }
0x28: {  	_ =	swait.ge [sflag:s16], $0x4000  }
0x29: {  	[sflag:s16] =	ssyncset.done $0x0  }
0x2a: {  	[sflag:s16] =	ssyncadd.s32 $0xFFFFC000  }
0x2b: {  	_ =	swait.ge [sflag:s24], $0x4000  }
0x2c: {  	[sflag:s24] =	ssyncset.done $0x0  }
0x2d: {  	s28 =	sadd.s32 $0x0, s12;
	[sflag:s24] =	ssyncadd.s32 $0xFFFFC000  }
0x2e: {  	[hbm4b:s28+s2] =	stream.linear.scatter [tilespmem:s19], [sflag:$0x5], $0x4000, $0x38;
	[tilespmem:$0x15200] =	vst v63  }
0x2f: {  	_ =	swait.ge [sflag:s16], $0x4000  }
0x30: {  	[sflag:s16] =	ssyncset.done $0x0  }
0x31: {  	s29 =	simm.s32 $0x100;
	[sflag:s16] =	ssyncadd.s32 $0xFFFFC000  }
0x32: {  	[tilespmem:s18], [sflag:$0x1] =	stream.indirect.gather [hbm4b:s3+s20], $0x80, s29, s20, $0xb8;
	[tilespmem:$0x15200] =	vst v63  }
0x33: {  	s1 =	simm.s32 $0x2A00  }
0x34: {  	[tilespmem:s19], [sflag:$0x3] =	stream.indirect.gather [hbm4b:s4+s20], $0x80, s1, s20, $0xb8;
	[tilespmem:$0x15200] =	vst v63  }
0x35: {  	_ =	swait.ge [sflag:s25], $0x4000  }
0x36: {  	[sflag:s25] =	ssyncset.done $0x0  }
0x37: {  	s28 =	sadd.s32 $0x0, s14;
	[sflag:s25] =	ssyncadd.s32 $0xFFFFC000  }
0x38: {  	[hbm4b:s28+s2] =	stream.linear.scatter [tilespmem:s21], [sflag:$0x5], $0x4000, $0x38;
	[tilespmem:$0x15200] =	vst v63  }
0x39: {  	_ =	swait.ge [sflag:s16], $0x4000  }
0x3a: {  	[sflag:s16] =	ssyncset.done $0x0  }
0x3b: {  	[sflag:s16] =	ssyncadd.s32 $0xFFFFC000  }
0x3c: {  	_ =	swait.ge [sflag:s26], $0x4000  }
0x3d: {  	[sflag:s26] =	ssyncset.done $0x0  }
0x3e: {  	s29 =	sadd.s32 $0x0, s15;
	[sflag:s26] =	ssyncadd.s32 $0xFFFFC000  }
0x3f: {  	[hbm4b:s29+s2] =	stream.linear.scatter [tilespmem:s22], [sflag:$0x5], $0x4000, $0x38;
	[tilespmem:$0x15200] =	vst v63  }
0x40: {  	_ =	swait.ge [sflag:s16], $0x4000  }
0x41: {  	s0 =	simm.s32 $0x80;
	s1 =	simm.s32 $0x1000;
	[sflag:s16] =	ssyncset.done $0x0  }
.LBB2_2:
0x42: {  	[sflag:s16] =	ssyncadd.s32 $0xFFFFC000;
	s0 =	sadd.s32 $0x100, s0;
	s31 =	sadd.s32 $0x100, s31  }
0x43: {  	[tilespmem:s21], [sflag:$0x2] =	stream.indirect.gather [hbm4b:s3+s20], $0x80, s0, s20, $0xb8;
	[tilespmem:$0x15200] =	vst v63  }
0x44: {  	p0 =	sne.s32 s1, $0x27000;
	s28 =	smov.u32 s1;
	s1 =	sadd.s32 $0x1000, s1  }
0x45: {  	[tilespmem:s22], [sflag:$0x4] =	stream.indirect.gather [hbm4b:s4+s20], $0x80, s31, s20, $0xb8;
	[tilespmem:$0x15200] =	vst v63  }
0x46: {  	_ =	swait.ge [sflag:s23], $0x4000  }
0x47: {  	[sflag:s23] =	ssyncset.done $0x0  }
0x48: {  	s29 =	sadd.s32 s28, s13;
	[sflag:s23] =	ssyncadd.s32 $0xFFFFC000  }
0x49: {  	[hbm4b:s29+s2] =	stream.linear.scatter [tilespmem:s18], [sflag:$0x5], $0x4000, $0x38;
	[tilespmem:$0x15200] =	vst v63  }
0x4a: {  	_ =	swait.ge [sflag:s16], $0x4000  }
0x4b: {  	[sflag:s16] =	ssyncset.done $0x0  }
0x4c: {  	[sflag:s16] =	ssyncadd.s32 $0xFFFFC000  }
0x4d: {  	_ =	swait.ge [sflag:s24], $0x4000  }
0x4e: {  	[sflag:s24] =	ssyncset.done $0x0  }
0x4f: {  	s29 =	sadd.s32 s28, s12;
	[sflag:s24] =	ssyncadd.s32 $0xFFFFC000  }
0x50: {  	[hbm4b:s29+s2] =	stream.linear.scatter [tilespmem:s19], [sflag:$0x5], $0x4000, $0x38;
	[tilespmem:$0x15200] =	vst v63  }
0x51: {  	_ =	swait.ge [sflag:s16], $0x4000  }
0x52: {  	[sflag:s16] =	ssyncset.done $0x0  }
0x53: {  	s29 =	sadd.s32 $0x80, s0;
	[sflag:s16] =	ssyncadd.s32 $0xFFFFC000  }
0x54: {  	[tilespmem:s18], [sflag:$0x1] =	stream.indirect.gather [hbm4b:s3+s20], $0x80, s29, s20, $0xb8;
	[tilespmem:$0x15200] =	vst v63  }
0x55: {  	s29 =	sadd.s32 $0x80, s31  }
0x56: {  	[tilespmem:s19], [sflag:$0x3] =	stream.indirect.gather [hbm4b:s4+s20], $0x80, s29, s20, $0xb8;
	[tilespmem:$0x15200] =	vst v63  }
0x57: {  	_ =	swait.ge [sflag:s25], $0x4000  }
0x58: {  	[sflag:s25] =	ssyncset.done $0x0  }
0x59: {  	s29 =	sadd.s32 s28, s14;
	[sflag:s25] =	ssyncadd.s32 $0xFFFFC000  }
0x5a: {  	[hbm4b:s29+s2] =	stream.linear.scatter [tilespmem:s21], [sflag:$0x5], $0x4000, $0x38;
	[tilespmem:$0x15200] =	vst v63  }
0x5b: {  	_ =	swait.ge [sflag:s16], $0x4000  }
0x5c: {  	[sflag:s16] =	ssyncset.done $0x0  }
0x5d: {  	[sflag:s16] =	ssyncadd.s32 $0xFFFFC000  }
0x5e: {  	_ =	swait.ge [sflag:s26], $0x4000  }
.Ltmp0:
0x5f: {  	[sflag:s26] =	ssyncset.done $0x0;
	(pc) =	sbr.rel @p0 .LBB2_2-.Ltmp0, $4  }
0x60: {  	s28 =	sadd.s32 s28, s15;
	[sflag:s26] =	ssyncadd.s32 $0xFFFFC000  }
0x61: {  	[hbm4b:s28+s2] =	stream.linear.scatter [tilespmem:s22], [sflag:$0x5], $0x4000, $0x38;
	[tilespmem:$0x15200] =	vst v63  }
0x62: {  	_ =	swait.ge [sflag:s16], $0x4000  }
0x63: {  	[sflag:s16] =	ssyncset.done $0x0  }
0x64: {  	[sflag:s16] =	ssyncadd.s32 $0xFFFFC000;
	s0 =	simm.s32 $0x2880  }
0x65: {  	[tilespmem:s21], [sflag:$0x2] =	stream.indirect.gather [hbm4b:s3+s20], $0x80, s0, s20, $0xb8;
	[tilespmem:$0x15200] =	vst v63  }
0x66: {  	s31 =	simm.s32 $0x5180  }
0x67: {  	[tilespmem:s22], [sflag:$0x4] =	stream.indirect.gather [hbm4b:s4+s20], $0x80, s31, s20, $0xb8;
	[tilespmem:$0x15200] =	vst v63  }
0x68: {  	_ =	swait.ge [sflag:s23], $0x4000  }
0x69: {  	[sflag:s23] =	ssyncset.done $0x0  }
0x6a: {  	[sflag:s23] =	ssyncadd.s32 $0xFFFFC000  }
0x6b: {  	[hbm4b:s8+s2] =	stream.linear.scatter [tilespmem:s18], [sflag:$0x5], $0x4000, $0x38;
	[tilespmem:$0x15200] =	vst v63  }
0x6c: {  	_ =	swait.ge [sflag:s16], $0x4000  }
0x6d: {  	[sflag:s16] =	ssyncset.done $0x0  }
0x6e: {  	[sflag:s16] =	ssyncadd.s32 $0xFFFFC000  }
0x6f: {  	_ =	swait.ge [sflag:s24], $0x4000  }
0x70: {  	[sflag:s24] =	ssyncset.done $0x0  }
0x71: {  	[sflag:s24] =	ssyncadd.s32 $0xFFFFC000  }
0x72: {  	[hbm4b:s9+s2] =	stream.linear.scatter [tilespmem:s19], [sflag:$0x5], $0x4000, $0x38;
	[tilespmem:$0x15200] =	vst v63  }
0x73: {  	_ =	swait.ge [sflag:s16], $0x4000  }
0x74: {  	[sflag:s16] =	ssyncset.done $0x0  }
0x75: {  	[sflag:s16] =	ssyncadd.s32 $0xFFFFC000  }
0x76: {  	_ =	swait.ge [sflag:s25], $0x4000  }
0x77: {  	[sflag:s25] =	ssyncset.done $0x0  }
0x78: {  	[sflag:s25] =	ssyncadd.s32 $0xFFFFC000  }
0x79: {  	[hbm4b:s10+s2] =	stream.linear.scatter [tilespmem:s21], [sflag:$0x5], $0x4000, $0x38;
	[tilespmem:$0x15200] =	vst v63  }
0x7a: {  	_ =	swait.ge [sflag:s16], $0x4000  }
0x7b: {  	[sflag:s16] =	ssyncset.done $0x0  }
0x7c: {  	[sflag:s16] =	ssyncadd.s32 $0xFFFFC000  }
0x7d: {  	s30 =	sadd.s32 $0x1, s30;
	_ =	swait.ge [sflag:s26], $0x4000  }
0x7e: {  	p0 =	sne.s32 s30, s7;
	[sflag:s26] =	ssyncset.done $0x0  }
.Ltmp1:
0x7f: {  	[sflag:s26] =	ssyncadd.s32 $0xFFFFC000;
	(pc) =	sbr.rel @p0 .LBB2_1-.Ltmp1, $4  }
0x80: {  	[hbm4b:s11+s2] =	stream.linear.scatter [tilespmem:s22], [sflag:$0x5], $0x4000, $0x38;
	[tilespmem:$0x15200] =	vst v63  }
0x81: {  	_ =	swait.ge [sflag:s16], $0x4000  }
0x82: {  	[sflag:s16] =	ssyncset.done $0x0  }
0x83: {  	[sflag:s16] =	ssyncadd.s32 $0xFFFFC000  }
0x84: {  	_ =	sfence.sel $0x180000  }
0x85: {  	[bflag:$0x0] =	sbarrier.arrive $0xFFFF  }
0x86: {  	_ =	strace $0x9000004D  }
0x87: {  	s0 =	stileid.u32;
	[bflag:$0x2] =	sbarrier.arrive $0xFFFF  }
0x88: {  	p0 =	sne.s32 s0, $0x0;
	s0 =	rddreg [dreg:$0x1]  }
0x89: {  	s0 =	sadd.s32 @!p0 $0x100000, s0  }
0x8a: {  	[sflag:s0] =	ssyncadd.tile.s32 @!p0 $0x1;
	_ =	shalt  }
.Lfunc_end2:
_tile_overlayer_lowered:
.L_overlay_start_2:
0x8b: {  	(tag) =	ssettag $0x2  }
0x8c: {  	s0 =	rddreg [dreg:$0x0];
	s2 =	stileid.u32  }
0x8d: {  	s1 =	rddreg [dreg:$0x1];
	p0 =	sne.s32 s2, $0x0  }
0x8e: {  	s3 =	rddreg [dreg:$0x2];
	[bflag:$0x3] =	sbarrier.arrive $0xFFFF;
	s2 =	simm.s32 @!p0 $0x1C05  }
0x8f: {  	[timem:s3], [sflag:s2] =	dma.local @!p0 [hbm:s0], s1  }
0x90: {  	s0 =	simm.s32 @!p0 $0x5  }
0x91: {  	_ =	swait.ge @!p0 [sflag:s0], s1  }
0x92: {  	s1 =	ssub.s32 @!p0 $0x0, s1;
	[sflag:s0] =	ssyncset.done @!p0 $0x0  }
0x93: {  	[sflag:s0] =	ssyncadd.s32 @!p0 s1  }
0x94: {  	[bflag:$0x3] =	sbarrier.arrive $0xFFFF  }
0x95: {  	_ =	shalt  }

// kernel: kernel.26.cloned.1.call-start
scs
__scs_entry_jumppad:
0x0: {  	(pc) =	sbr.rel $0x88, $3  }
0x1: {  	(tag) =	ssettag $0x0;
	lr =	simm.s32 $0x1  }
0x2: {  	[smem:$0x3F8D] =	sst lr;
	_ =	strace $0xD0000000  }
0x3: {  	_ = 	snop  }
0x4: {  	_ = 	snop  }
0x5: {  	_ = 	snop  }
0x6: {  	_ = 	snop  }
0x7: {  	_ = 	snop  }
__scs_overlays_trampoline_lowered:
0x8: {  	[smem:$0x3F9C] =	sst s0  }
0x9: {  	[smem:$0x3F9D] =	sst s1  }
0xa: {  	[smem:$0x3F9E] =	sst s2  }
0xb: {  	[smem:$0x3F9F] =	sst s3  }
0xc: {  	[smem:$0x3FA0] =	sst s4  }
0xd: {  	[smem:$0x3FA1] =	sst s5  }
0xe: {  	[smem:$0x3FA2] =	sst s6  }
0xf: {  	[smem:$0x3FA3] =	sst s7  }
0x10: {  	[smem:$0x3FA4] =	sst s8  }
0x11: {  	[smem:$0x3FA5] =	sst s9;
	s0 =	simm.s32 @!p0 $0x0  }
0x12: {  	s1 =	sld [smem:$0x3F8B];
	s0 =	simm.s32 @p0 $0x1  }
0x13: {  	[smem:$0x3FA6] =	sst s0;
	s0 =	simm.s32 @!p1 $0x0  }
0x14: {  	s2 =	sld [smem:$0x3F8A];
	s0 =	simm.s32 @p1 $0x1  }
0x15: {  	[smem:$0x3FA7] =	sst s0;
	s0 =	simm.s32 @!p2 $0x0  }
0x16: {  	s3 =	sld [smem:$0x3FDB];
	s0 =	simm.s32 @p2 $0x1  }
0x17: {  	s4 =	simm.s32 $0x1BF5;
	[smem:$0x3FA9] =	sst s0  }
0x18: {  	s0 =	sld [smem:$0x3F8C];
	_ =	swait.ge [sflag:s4], $0x0  }
0x19: {  	s7 =	sld [smem:$0x3F8D]  }
0x1a: {  	s8 =	sadd.s32 $0xFFFFE003, lr  }
0x1b: {  	s9 =	sadd.s32 $0xFFFFFEF7, lr;
	s5 =	simm.s32 $0xFFFFFFFF;
	p2 =	slt.u32 s8, $0xFFFFF086  }
0x1c: {  	p1 =	slt.u32 s9, $0xF7A;
	s5 =	simm.s32 @!p2 $0x0  }
0x1d: {  	s5 =	simm.s32 @p1 $0x1;
	p0 =	seq.s32 s7, s2  }
0x1e: {  	s7 =	smul.u32 @!p0 $0xF7A, s2;
	p2 =	seq.s32 @!p0 s5, $0x0  }
0x1f: {  	s9 =	smul.u32 $0xF7A, s1;
	s8 =	simm.s32 @!p0 $0x1BF5;
	p2 =	por !p2, p0  }
0x20: {  	[sflag:s8] =	ssyncset.s32 @!p0 $0xFFFFF086;
	s6 =	sadd.s32 @!p0 s3, s7;
	s7 =	simm.s32 @!p0 $0x108  }
0x21: {  	s3 =	sadd.s32 s3, s9;
	s6 =	sadd.s32 @!p0 $0x88, s6;
	s7 =	simm.s32 @p2 $0x1082  }
0x22: {  	[simem:s7], [sflag:s8] =	dma.local @!p0 [hbm:s6], $0xF7A  }
0x23: {  	s9 =	sor.u32 $0xD0000000, s2;
	s6 =	simm.s32 $0x108;
	_ =	swait.ge @!p0 [sflag:s8], $0x0  }
0x24: {  	s3 =	sadd.s32 $0x88, s3;
	s6 =	simm.s32 @!p1 $0x1082;
	[sflag:s4] =	ssyncset.s32 $0xFFFFF086  }
0x25: {  	[simem:s6], [sflag:s4] =	dma.local [hbm:s3], $0xF7A  }
0x26: {  	[smem:$0x3F8D] =	sst s1;
	(tag) =	ssettag s2;
	_ =	strace s9  }
0x27: {  	s1 =	sld [smem:$0x3F9D]  }
0x28: {  	s2 =	sld [smem:$0x3F9E]  }
0x29: {  	s4 =	sld [smem:$0x3FA0]  }
0x2a: {  	p0 =	seq.s32 s5, $0x0;
	s5 =	sld [smem:$0x3FA1]  }
0x2b: {  	s6 =	sld [smem:$0x3FA2]  }
0x2c: {  	s7 =	sld [smem:$0x3FA3]  }
0x2d: {  	s3 =	simm.s32 $0x108;
	s8 =	sld [smem:$0x3FA4]  }
0x2e: {  	s3 =	simm.s32 @!p0 $0x1082;
	s9 =	sld [smem:$0x3FA5]  }
0x2f: {  	lr =	sadd.s32 s0, s3;
	s0 =	sld [smem:$0x3F9C]  }
0x30: {  	s3 =	sld [smem:$0x3F9F]  }
0x31: {  	[smem:$0x3FA8] =	sst s10  }
0x32: {  	s10 =	sld [smem:$0x3FA6];
	_ =	sdelay $0x3  }
0x33: {  	p0 =	seq.s32 s10, $0x1;
	s10 =	sld [smem:$0x3FA8];
	_ =	sdelay $0x3  }
0x34: {  	[smem:$0x3FA8] =	sst s10  }
0x35: {  	s10 =	sld [smem:$0x3FA7];
	_ =	sdelay $0x3  }
0x36: {  	p1 =	seq.s32 s10, $0x1;
	s10 =	sld [smem:$0x3FA8];
	_ =	sdelay $0x3  }
0x37: {  	[smem:$0x3FA8] =	sst s10  }
0x38: {  	s10 =	sld [smem:$0x3FA9]  }
0x39: {  	_ = 	snop;
	(pc) =	sbr.ind lr, $3  }
0x3a: {  	_ = 	snop  }
0x3b: {  	_ = 	snop  }
0x3c: {  	p2 =	seq.s32 s10, $0x1;
	s10 =	sld [smem:$0x3FA8]  }
0x3d: {  	_ =	shalt  }
0x3e: {  	_ =	shalt  }
0x3f: {  	_ =	shalt  }
0x40: {  	_ =	shalt  }
0x41: {  	_ =	shalt  }
0x42: {  	_ =	shalt  }
0x43: {  	_ =	shalt  }
0x44: {  	_ =	shalt  }
0x45: {  	_ =	shalt  }
0x46: {  	_ =	shalt  }
0x47: {  	_ =	shalt  }
0x48: {  	_ =	shalt  }
0x49: {  	_ =	shalt  }
0x4a: {  	_ =	shalt  }
0x4b: {  	_ =	shalt  }
0x4c: {  	_ =	shalt  }
0x4d: {  	_ =	shalt  }
0x4e: {  	_ =	shalt  }
0x4f: {  	_ =	shalt  }
0x50: {  	_ =	shalt  }
0x51: {  	_ =	shalt  }
0x52: {  	_ =	shalt  }
0x53: {  	_ =	shalt  }
0x54: {  	_ =	shalt  }
0x55: {  	_ =	shalt  }
0x56: {  	_ =	shalt  }
0x57: {  	_ =	shalt  }
0x58: {  	_ =	shalt  }
0x59: {  	_ =	shalt  }
0x5a: {  	_ =	shalt  }
0x5b: {  	_ =	shalt  }
0x5c: {  	_ =	shalt  }
0x5d: {  	_ =	shalt  }
0x5e: {  	_ =	shalt  }
0x5f: {  	_ =	shalt  }
0x60: {  	_ =	shalt  }
0x61: {  	_ =	shalt  }
0x62: {  	_ =	shalt  }
0x63: {  	_ =	shalt  }
0x64: {  	_ =	shalt  }
0x65: {  	_ =	shalt  }
0x66: {  	_ =	shalt  }
0x67: {  	_ =	shalt  }
0x68: {  	_ =	shalt  }
0x69: {  	_ =	shalt  }
0x6a: {  	_ =	shalt  }
0x6b: {  	_ =	shalt  }
0x6c: {  	_ =	shalt  }
0x6d: {  	_ =	shalt  }
0x6e: {  	_ =	shalt  }
0x6f: {  	_ =	shalt  }
0x70: {  	_ =	shalt  }
0x71: {  	_ =	shalt  }
0x72: {  	_ =	shalt  }
0x73: {  	_ =	shalt  }
0x74: {  	_ =	shalt  }
0x75: {  	_ =	shalt  }
0x76: {  	_ =	shalt  }
0x77: {  	_ =	shalt  }
0x78: {  	_ =	shalt  }
0x79: {  	_ =	shalt  }
0x7a: {  	_ =	shalt  }
0x7b: {  	_ =	shalt  }
0x7c: {  	_ =	shalt  }
0x7d: {  	_ =	shalt  }
0x7e: {  	_ =	shalt  }
0x7f: {  	_ =	shalt  }
0x80: {  	_ =	shalt  }
0x81: {  	_ =	shalt  }
0x82: {  	_ =	shalt  }
0x83: {  	_ =	shalt  }
0x84: {  	_ =	shalt  }
0x85: {  	_ =	shalt  }
0x86: {  	_ =	shalt  }
0x87: {  	_ =	shalt  }
.Lfunc_end0:
.L_simem_size_0:
called_computation.3_lowered:
.L_overlay_start_0:
0x88: {  	s2 =	sld [smem:$0x3FD9]  }
0x89: {  	s3 =	sld [smem:$0x3FFE];
	_ =	sdelay $0x1  }
0x8a: {  	s1 =	srdreg.scid  }
0x8b: {  	s0 =	sand.u32 $0x1, s1  }
0x8c: {  	s17 =	sshll.u32 s0, $0xA;
	s2 =	sadd.s32 s3, s2  }
0x8d: {  	s2 =	sadd.s32 s2, s17  }
0x8e: {  	[smem:$0x3FB4] =	sst s2  }
0x8f: {  	_ = 	snop  }
0x90: {  	s2 =	sld [smem:$0x3FD0];
	(tm) =	ssettm $0x1  }
0x91: {  	s18 =	sld [smem:$0x3FFB];
	_ =	sdelay $0x3  }
0x92: {  	_ =	strace s18  }
0x93: {  	s3 =	sld [smem:$0x3FFC];
	_ =	sdelay $0x3  }
0x94: {  	_ =	strace s3  }
0x95: {  	s3 =	sld [smem:$0x3FFD];
	_ =	sdelay $0x3  }
0x96: {  	_ =	strace s3  }
0x97: {  	_ =	strace $0x8FFFFFFF  }
0x98: {  	s19 =	sld [smem:$0x3FDB];
	_ =	sdelay $0x1  }
0x99: {  	s4 =	simm.s32 $_scs_section_size  }
0x9a: {  	s5 =	simm.s32 $_size__tile_overlayer_lowered;
	s6 =	simm.s32 $_tile_overlayer_lowered  }
0x9b: {  	s22 =	simm.s32 $0x1BFF;
	s21 =	sshll.u32 s6, $0x1;
	s3 =	sadd.s32 s4, s19  }
0x9c: {  	s7 =	simm.s32 $0x0;
	s20 =	sshll.u32 s5, $0x1;
	s5 =	sadd.s32 s21, s3  }
0x9d: {  	[timem:s7], [sflag:s22] =	dma.local [hbm:s5], s20  }
0x9e: {  	_ =	swait.ge [sflag:s22], s20  }
0x9f: {  	s4 =	ssub.s32 $0x0, s20;
	[sflag:s22] =	ssyncset.done $0x0  }
0xa0: {  	[sflag:s22] =	ssyncadd.s32 s4;
	_ =	sdelay $0x1  }
0xa1: {  	s23 =	simm.s32 $0x1B8B  }
0xa2: {  	_ =	swait.ge [sflag:s23], $0x1  }
0xa3: {  	[sflag:s23] =	ssyncset.done $0x0  }
0xa4: {  	s25 =	simm.s32 $0x1B8E;
	s24 =	sld [smem:$0x3FFE];
	[sflag:s23] =	ssyncadd.s32 $0xFFFFFFFF  }
0xa5: {  	s26 =	simm.s32 $execute0_lowered;
	[smem:$0x3FD2] =	sst s25  }
0xa6: {  	s5 =	sshll.u32 s26, $0x1;
	_ =	strace $0x8000004F;
	[dreg:$0x1] =	wrdreg $0xFFFFFFFF  }
0xa7: {  	s28 =	simm.s32 $_size_execute0_lowered;
	s3 =	sadd.s32 s3, s5;
	[dreg:$0x0] =	wrdreg $0x0  }
0xa8: {  	s5 =	sshll.u32 s28, $0x1;
	[dreg:$0x2] =	wrdreg s3  }
0xa9: {  	[dreg:$0x3] =	wrdreg s5  }
0xaa: {  	[dreg:$0x4] =	wrdreg $0xC0  }
0xab: {  	_ =	task [dreg:s7], $0x5FFFF  }
0xac: {  	[dreg:$0x1] =	wrdreg $0xFFFFFFFF  }
0xad: {  	[dreg:$0x0] =	wrdreg $0x60  }
0xae: {  	[dreg:$0x2] =	wrdreg s24  }
0xaf: {  	[dreg:$0x3] =	wrdreg s2  }
0xb0: {  	[dreg:$0x4] =	wrdreg $0xD2000  }
0xb1: {  	[dreg:$0x5] =	wrdreg $0x9  }
0xb2: {  	_ =	task.clear_ibuf [dreg:s7], $0x6FFFF;
	_ =	strace $0x9000004F  }
0xb3: {  	s29 =	simm.s32 $0x9;
	_ =	strace $0x80000051  }
0xb4: {  	_ =	swait.ge [sflag:s29], $0x1  }
0xb5: {  	[sflag:s29] =	ssyncadd.s32 $0xFFFFFFFF  }
0xb6: {  	_ =	strace $0x90000051  }
0xb7: {  	_ =	sfence  }
0xb8: {  	s30 =	sld [smem:$0x0];
	_ =	sdelay $0x2  }
0xb9: {  	s31 =	sshll.u32 s1, $0xD;
	s1 =	sshrl.u32 s1, $0x2  }
0xba: {  	s3 =	sand.u32 $0x4000, s31;
	s1 =	sadd.s32 s1, s30  }
0xbb: {  	s0 =	sor.u32 s3, s0;
	s1 =	sshll.u32 s1, $0x11  }
0xbc: {  	s0 =	sor.u32 s1, s0  }
0xbd: {  	s0 =	sadd.s32 $0x8F2B, s0  }
0xbe: {  	[sflag:s0] =	ssyncadd.remote.s32 $0x1  }
0xbf: {  	_ =	sfence.sel $0xFFFF  }
0xc0: {  	[dreg:$0x0] =	wrdreg $0xFFFFFFFF;
	(pc) =	sbr.abs _section_cstart, $3  }
0xc1: {  	[dreg:$0x1] =	wrdreg $0xFFFFFFFF  }
0xc2: {  	_ =	task.clear_ibuf [dreg:s7], $0x2FFFF;
	_ =	strace $0x9FFFFFFF  }
0xc3: {  	(tm) =	ssettm $0x7FFFFFFF  }
tec
execute0_lowered:
.L_overlay_start_1:
0x0: {  	(tag) =	ssettag $0x1  }
0x1: {  	s5 =	rddreg [dreg:$0x0]  }
0x2: {  	s6 =	rddreg [dreg:$0x1]  }
0x3: {  	s2 =	rddreg [dreg:$0x2]  }
0x4: {  	s0 =	rddreg [dreg:$0x3]  }
0x5: {  	s1 =	stileid.u32;
	s4 =	srdreg.scid;
	s3 =	simm.s32 $0x0  }
0x6: {  	s14 =	simm.s32 $0x5200;
	s15 =	simm.s32 $0x9200;
	s16 =	simm.s32 $0x1  }
0x7: {  	s17 =	simm.s32 $0x80;
	s18 =	simm.s32 $0x2;
	s7 =	smul.u32 $0x52000, s1  }
0x8: {  	s19 =	simm.s32 $0x5100;
	s20 =	simm.s32 $0x5180;
	s10 =	smul.u32 $0xC800, s1  }
0x9: {  	s21 =	simm.s32 $0x0;
	s8 =	sand.u32 $0x1, s4;
	s25 =	smul.u32 $0x5200, s1  }
0xa: {  	[smem:$0x7FF] =	sst s3;
	s4 =	sadd.s32 $0x1CA00, s5;
	s13 =	smul.u32 $0x32000, s1  }
0xb: {  	s30 =	sshll.u32 s1, $0x6;
	s9 =	smul.u32 $0xC8000, s8;
	_ =	strace $0x80000050  }
0xc: {  	s26 =	ssub.s32 $0x2, s8;
	s8 =	smul.u32 $0x52000, s8;
	s11 =	sadd.s32 s7, s5  }
0xd: {  	s12 =	sshrl.u32 s26, $0x1;
	s29 =	sshrl.u32 s13, $0x2;
	s9 =	sadd.s32 s10, s9  }
0xe: {  	s10 =	ssub.s32 s26, s12;
	s28 =	sadd.s32 s25, s8;
	s13 =	sadd.s32 s29, s2  }
0xf: {  	s7 =	sadd.s32 $0xFCC400, s11;
	s9 =	sshrl.u32 s9, $0x3;
	s31 =	sshrl.u32 s28, $0x3  }
0x10: {  	s12 =	sshrl.u32 s13, $0x3;
	s13 =	simm.s32 $0x3;
	s9 =	sadd.s32 s9, s5  }
0x11: {  	s5 =	sor.u32 $0x1C03, s30;
	s6 =	sadd.s32 s6, s31;
	s8 =	sadd.s32 $0x1E400, s9  }
0x12: {  	s9 =	smax.u32 s10, $0x1;
	s10 =	sadd.s32 $0x101DC00, s11;
	s11 =	sadd.s32 $0xFCD400, s11  }
.LBB2_1:
0x13: {  	[spmem:s12], [sflag:s5] =	dma.local [hbm:s4], $0x1900  }
0x14: {  	_ =	swait.ge [sflag:s13], $0x1900  }
0x15: {  	[sflag:s13] =	ssyncset.done $0x0  }
0x16: {  	[sflag:s13] =	ssyncadd.s32 $0xFFFFE700  }
0x17: {  	[bflag:$0x0] =	sbarrier.arrive $0xFFFF  }
0x18: {  	[tilespmem:s3], [sflag:$0x3] =	stream.linear.gather [hbm4b:s6+s3], $0x5200, $0x38;
	[tilespmem:$0x19A00] =	vst v63  }
0x19: {  	_ =	swait.ge [sflag:s13], $0x5200  }
0x1a: {  	[sflag:s13] =	ssyncset.done $0x0  }
0x1b: {  	[sflag:s13] =	ssyncadd.s32 $0xFFFFAE00  }
0x1c: {  	[tilespmem:s14], [sflag:$0x1] =	stream.linear.gather [hbm4b:s7+s3], $0x4000, $0x38;
	[tilespmem:$0x19A00] =	vst v63  }
0x1d: {  	s22 =	sadd.s32 $0xFFFFF800, s11  }
0x1e: {  	[tilespmem:s15], [sflag:$0x2] =	stream.linear.gather [hbm4b:s22+s3], $0x4000, $0x38;
	[tilespmem:$0x19A00] =	vst v63  }
0x1f: {  	_ =	swait.ge [sflag:s16], $0x4000  }
0x20: {  	[sflag:s16] =	ssyncset.done $0x0  }
0x21: {  	s30 =	simm.s32 $0x0;
	[sflag:s16] =	ssyncadd.s32 $0xFFFFC000  }
0x22: {  	[spmem:s2] =	stream.indirect.scatter.add.f32 [tilespmem:s14], [sflag:$0x3], $0x80, s30, s17, $0xb8;
	[tilespmem:$0x19A00] =	vst v63  }
0x23: {  	_ =	swait.ge [sflag:s13], $0x4000  }
0x24: {  	[sflag:s13] =	ssyncset.done $0x0  }
0x25: {  	[sflag:s13] =	ssyncadd.s32 $0xFFFFC000  }
0x26: {  	[tilespmem:s14], [sflag:$0x1] =	stream.linear.gather [hbm4b:s11+s3], $0x4000, $0x38;
	[tilespmem:$0x19A00] =	vst v63  }
0x27: {  	_ =	swait.ge [sflag:s18], $0x4000  }
0x28: {  	[sflag:s18] =	ssyncset.done $0x0  }
0x29: {  	s31 =	simm.s32 $0x80;
	[sflag:s18] =	ssyncadd.s32 $0xFFFFC000  }
0x2a: {  	[spmem:s2] =	stream.indirect.scatter.add.f32 [tilespmem:s15], [sflag:$0x3], $0x80, s31, s17, $0xb8;
	[tilespmem:$0x19A00] =	vst v63  }
0x2b: {  	s23 =	simm.s32 $0x400;
	_ =	swait.ge [sflag:s13], $0x4000  }
0x2c: {  	s24 =	simm.s32 $0x800;
	s22 =	sadd.s32 $0x1000, s11;
	[sflag:s13] =	ssyncset.done $0x0  }
.LBB2_2:
0x2d: {  	p0 =	sne.s32 s24, $0x14000;
	s25 =	sadd.s32 $0xFFFFF800, s22;
	[sflag:s13] =	ssyncadd.s32 $0xFFFFC000  }
0x2e: {  	[tilespmem:s15], [sflag:$0x2] =	stream.linear.gather [hbm4b:s25+s3], $0x4000, $0x38;
	[tilespmem:$0x19A00] =	vst v63  }
0x2f: {  	s25 =	smov.u32 s24;
	s24 =	sadd.s32 $0x400, s24;
	_ =	swait.ge [sflag:s16], $0x4000  }
0x30: {  	[sflag:s16] =	ssyncset.done $0x0  }
0x31: {  	s26 =	sshra.s32 s23, $0x2;
	s23 =	smov.u32 s25;
	[sflag:s16] =	ssyncadd.s32 $0xFFFFC000  }
0x32: {  	[spmem:s2] =	stream.indirect.scatter.add.f32 [tilespmem:s14], [sflag:$0x3], $0x80, s26, s17, $0xb8;
	[tilespmem:$0x19A00] =	vst v63  }
0x33: {  	_ =	swait.ge [sflag:s13], $0x4000  }
0x34: {  	[sflag:s13] =	ssyncset.done $0x0  }
0x35: {  	[sflag:s13] =	ssyncadd.s32 $0xFFFFC000  }
0x36: {  	[tilespmem:s14], [sflag:$0x1] =	stream.linear.gather [hbm4b:s22+s3], $0x4000, $0x38;
	[tilespmem:$0x19A00] =	vst v63  }
0x37: {  	_ =	swait.ge [sflag:s18], $0x4000  }
.Ltmp0:
0x38: {  	[sflag:s18] =	ssyncset.done $0x0;
	(pc) =	sbr.rel @p0 .LBB2_2-.Ltmp0, $4  }
0x39: {  	s25 =	sadd.s32 $0x80, s26;
	[sflag:s18] =	ssyncadd.s32 $0xFFFFC000  }
0x3a: {  	[spmem:s2] =	stream.indirect.scatter.add.f32 [tilespmem:s15], [sflag:$0x3], $0x80, s25, s17, $0xb8;
	[tilespmem:$0x19A00] =	vst v63  }
0x3b: {  	_ =	swait.ge [sflag:s13], $0x4000  }
0x3c: {  	s22 =	sadd.s32 $0x1000, s22;
	[sflag:s13] =	ssyncset.done $0x0  }
0x3d: {  	s24 =	sadd.s32 $0xFFFFF800, s22;
	[sflag:s13] =	ssyncadd.s32 $0xFFFFC000  }
0x3e: {  	[tilespmem:s15], [sflag:$0x2] =	stream.linear.gather [hbm4b:s24+s3], $0x4000, $0x38;
	[tilespmem:$0x19A00] =	vst v63  }
0x3f: {  	_ =	swait.ge [sflag:s16], $0x4000  }
0x40: {  	[sflag:s16] =	ssyncset.done $0x0  }
0x41: {  	s23 =	sshra.s32 s23, $0x2;
	[sflag:s16] =	ssyncadd.s32 $0xFFFFC000  }
0x42: {  	[spmem:s2] =	stream.indirect.scatter.add.f32 [tilespmem:s14], [sflag:$0x3], $0x80, s23, s17, $0xb8;
	[tilespmem:$0x19A00] =	vst v63  }
0x43: {  	_ =	swait.ge [sflag:s13], $0x4000  }
0x44: {  	[sflag:s13] =	ssyncset.done $0x0  }
0x45: {  	[sflag:s13] =	ssyncadd.s32 $0xFFFFC000  }
0x46: {  	[tilespmem:s14], [sflag:$0x1] =	stream.linear.gather [hbm4b:s22+s3], $0x4000, $0x38;
	[tilespmem:$0x19A00] =	vst v63  }
0x47: {  	_ =	swait.ge [sflag:s18], $0x4000  }
0x48: {  	[sflag:s18] =	ssyncset.done $0x0  }
0x49: {  	s31 =	sadd.s32 $0x80, s23;
	[sflag:s18] =	ssyncadd.s32 $0xFFFFC000  }
0x4a: {  	[spmem:s2] =	stream.indirect.scatter.add.f32 [tilespmem:s15], [sflag:$0x3], $0x80, s31, s17, $0xb8;
	[tilespmem:$0x19A00] =	vst v63  }
0x4b: {  	_ =	swait.ge [sflag:s13], $0x4000  }
0x4c: {  	[sflag:s13] =	ssyncset.done $0x0  }
0x4d: {  	[sflag:s13] =	ssyncadd.s32 $0xFFFFC000  }
0x4e: {  	[tilespmem:s15], [sflag:$0x2] =	stream.linear.gather [hbm4b:s10+s3], $0x4000, $0x38;
	[tilespmem:$0x19A00] =	vst v63  }
0x4f: {  	_ =	swait.ge [sflag:s16], $0x4000  }
0x50: {  	[sflag:s16] =	ssyncset.done $0x0  }
0x51: {  	[sflag:s16] =	ssyncadd.s32 $0xFFFFC000  }
0x52: {  	[spmem:s2] =	stream.indirect.scatter.add.f32 [tilespmem:s14], [sflag:$0x3], $0x80, s19, s17, $0xb8;
	[tilespmem:$0x19A00] =	vst v63  }
0x53: {  	_ =	swait.ge [sflag:s13], $0x4000  }
0x54: {  	[sflag:s13] =	ssyncset.done $0x0  }
0x55: {  	[sflag:s13] =	ssyncadd.s32 $0xFFFFC000  }
0x56: {  	_ =	swait.ge [sflag:s18], $0x4000  }
0x57: {  	[sflag:s18] =	ssyncset.done $0x0  }
0x58: {  	[sflag:s18] =	ssyncadd.s32 $0xFFFFC000  }
0x59: {  	[spmem:s2] =	stream.indirect.scatter.add.f32 [tilespmem:s15], [sflag:$0x3], $0x80, s20, s17, $0xb8;
	[tilespmem:$0x19A00] =	vst v63  }
0x5a: {  	_ =	swait.ge [sflag:s13], $0x4000  }
0x5b: {  	s21 =	sadd.s32 $0x1, s21;
	[sflag:s13] =	ssyncset.done $0x0  }
0x5c: {  	p0 =	sne.s32 s21, s9;
	[sflag:s13] =	ssyncadd.s32 $0xFFFFC000  }
.Ltmp1:
0x5d: {  	[bflag:$0x0] =	sbarrier.arrive $0xFFFF;
	(pc) =	sbr.rel @p0 .LBB2_1-.Ltmp1, $4  }
0x5e: {  	[hbm:s8], [sflag:s5] =	dma.local [spmem:s12], $0x1900  }
0x5f: {  	_ =	swait.ge [sflag:s13], $0x1900  }
0x60: {  	[sflag:s13] =	ssyncset.done $0x0  }
0x61: {  	[sflag:s13] =	ssyncadd.s32 $0xFFFFE700  }
0x62: {  	_ =	sfence.sel $0x180000  }
0x63: {  	[bflag:$0x0] =	sbarrier.arrive $0xFFFF  }
0x64: {  	p0 =	sne.s32 s1, $0x0;
	_ =	strace $0x90000050  }
0x65: {  	s0 =	sadd.s32 @!p0 $0x100000, s0;
	[bflag:$0x2] =	sbarrier.arrive $0xFFFF  }
0x66: {  	[sflag:s0] =	ssyncadd.tile.s32 @!p0 $0x1;
	_ =	shalt  }
.Lfunc_end2:
_tile_overlayer_lowered:
.L_overlay_start_2:
0x67: {  	(tag) =	ssettag $0x2  }
0x68: {  	s0 =	rddreg [dreg:$0x0];
	s2 =	stileid.u32  }
0x69: {  	s1 =	rddreg [dreg:$0x1];
	p0 =	sne.s32 s2, $0x0  }
0x6a: {  	s3 =	rddreg [dreg:$0x2];
	[bflag:$0x3] =	sbarrier.arrive $0xFFFF;
	s2 =	simm.s32 @!p0 $0x1C03  }
0x6b: {  	[timem:s3], [sflag:s2] =	dma.local @!p0 [hbm:s0], s1  }
0x6c: {  	s0 =	simm.s32 @!p0 $0x3  }
0x6d: {  	_ =	swait.ge @!p0 [sflag:s0], s1  }
0x6e: {  	s1 =	ssub.s32 @!p0 $0x0, s1;
	[sflag:s0] =	ssyncset.done @!p0 $0x0  }
0x6f: {  	[sflag:s0] =	ssyncadd.s32 @!p0 s1  }
0x70: {  	[bflag:$0x3] =	sbarrier.arrive $0xFFFF  }
0x71: {  	_ =	shalt  }

// kernel: kernel.29.cloned.1.call-start
scs
__scs_entry_jumppad:
0x0: {  	(pc) =	sbr.rel $0x88, $3  }
0x1: {  	(tag) =	ssettag $0x0;
	lr =	simm.s32 $0x1  }
0x2: {  	[smem:$0x3F8D] =	sst lr;
	_ =	strace $0xD0000000  }
0x3: {  	_ = 	snop  }
0x4: {  	_ = 	snop  }
0x5: {  	_ = 	snop  }
0x6: {  	_ = 	snop  }
0x7: {  	_ = 	snop  }
__scs_overlays_trampoline_lowered:
0x8: {  	[smem:$0x3F9C] =	sst s0  }
0x9: {  	[smem:$0x3F9D] =	sst s1  }
0xa: {  	[smem:$0x3F9E] =	sst s2  }
0xb: {  	[smem:$0x3F9F] =	sst s3  }
0xc: {  	[smem:$0x3FA0] =	sst s4  }
0xd: {  	[smem:$0x3FA1] =	sst s5  }
0xe: {  	[smem:$0x3FA2] =	sst s6  }
0xf: {  	[smem:$0x3FA3] =	sst s7  }
0x10: {  	[smem:$0x3FA4] =	sst s8  }
0x11: {  	[smem:$0x3FA5] =	sst s9;
	s0 =	simm.s32 @!p0 $0x0  }
0x12: {  	s1 =	sld [smem:$0x3F8B];
	s0 =	simm.s32 @p0 $0x1  }
0x13: {  	[smem:$0x3FA6] =	sst s0;
	s0 =	simm.s32 @!p1 $0x0  }
0x14: {  	s2 =	sld [smem:$0x3F8A];
	s0 =	simm.s32 @p1 $0x1  }
0x15: {  	[smem:$0x3FA7] =	sst s0;
	s0 =	simm.s32 @!p2 $0x0  }
0x16: {  	s3 =	sld [smem:$0x3FDB];
	s0 =	simm.s32 @p2 $0x1  }
0x17: {  	s4 =	simm.s32 $0x1BF5;
	[smem:$0x3FA9] =	sst s0  }
0x18: {  	s0 =	sld [smem:$0x3F8C];
	_ =	swait.ge [sflag:s4], $0x0  }
0x19: {  	s7 =	sld [smem:$0x3F8D]  }
0x1a: {  	s8 =	sadd.s32 $0xFFFFE003, lr  }
0x1b: {  	s9 =	sadd.s32 $0xFFFFFEF7, lr;
	s5 =	simm.s32 $0xFFFFFFFF;
	p2 =	slt.u32 s8, $0xFFFFF086  }
0x1c: {  	p1 =	slt.u32 s9, $0xF7A;
	s5 =	simm.s32 @!p2 $0x0  }
0x1d: {  	s5 =	simm.s32 @p1 $0x1;
	p0 =	seq.s32 s7, s2  }
0x1e: {  	s7 =	smul.u32 @!p0 $0xF7A, s2;
	p2 =	seq.s32 @!p0 s5, $0x0  }
0x1f: {  	s9 =	smul.u32 $0xF7A, s1;
	s8 =	simm.s32 @!p0 $0x1BF5;
	p2 =	por !p2, p0  }
0x20: {  	[sflag:s8] =	ssyncset.s32 @!p0 $0xFFFFF086;
	s6 =	sadd.s32 @!p0 s3, s7;
	s7 =	simm.s32 @!p0 $0x108  }
0x21: {  	s3 =	sadd.s32 s3, s9;
	s6 =	sadd.s32 @!p0 $0x88, s6;
	s7 =	simm.s32 @p2 $0x1082  }
0x22: {  	[simem:s7], [sflag:s8] =	dma.local @!p0 [hbm:s6], $0xF7A  }
0x23: {  	s9 =	sor.u32 $0xD0000000, s2;
	s6 =	simm.s32 $0x108;
	_ =	swait.ge @!p0 [sflag:s8], $0x0  }
0x24: {  	s3 =	sadd.s32 $0x88, s3;
	s6 =	simm.s32 @!p1 $0x1082;
	[sflag:s4] =	ssyncset.s32 $0xFFFFF086  }
0x25: {  	[simem:s6], [sflag:s4] =	dma.local [hbm:s3], $0xF7A  }
0x26: {  	[smem:$0x3F8D] =	sst s1;
	(tag) =	ssettag s2;
	_ =	strace s9  }
0x27: {  	s1 =	sld [smem:$0x3F9D]  }
0x28: {  	s2 =	sld [smem:$0x3F9E]  }
0x29: {  	s4 =	sld [smem:$0x3FA0]  }
0x2a: {  	p0 =	seq.s32 s5, $0x0;
	s5 =	sld [smem:$0x3FA1]  }
0x2b: {  	s6 =	sld [smem:$0x3FA2]  }
0x2c: {  	s7 =	sld [smem:$0x3FA3]  }
0x2d: {  	s3 =	simm.s32 $0x108;
	s8 =	sld [smem:$0x3FA4]  }
0x2e: {  	s3 =	simm.s32 @!p0 $0x1082;
	s9 =	sld [smem:$0x3FA5]  }
0x2f: {  	lr =	sadd.s32 s0, s3;
	s0 =	sld [smem:$0x3F9C]  }
0x30: {  	s3 =	sld [smem:$0x3F9F]  }
0x31: {  	[smem:$0x3FA8] =	sst s10  }
0x32: {  	s10 =	sld [smem:$0x3FA6];
	_ =	sdelay $0x3  }
0x33: {  	p0 =	seq.s32 s10, $0x1;
	s10 =	sld [smem:$0x3FA8];
	_ =	sdelay $0x3  }
0x34: {  	[smem:$0x3FA8] =	sst s10  }
0x35: {  	s10 =	sld [smem:$0x3FA7];
	_ =	sdelay $0x3  }
0x36: {  	p1 =	seq.s32 s10, $0x1;
	s10 =	sld [smem:$0x3FA8];
	_ =	sdelay $0x3  }
0x37: {  	[smem:$0x3FA8] =	sst s10  }
0x38: {  	s10 =	sld [smem:$0x3FA9]  }
0x39: {  	_ = 	snop;
	(pc) =	sbr.ind lr, $3  }
0x3a: {  	_ = 	snop  }
0x3b: {  	_ = 	snop  }
0x3c: {  	p2 =	seq.s32 s10, $0x1;
	s10 =	sld [smem:$0x3FA8]  }
0x3d: {  	_ =	shalt  }
0x3e: {  	_ =	shalt  }
0x3f: {  	_ =	shalt  }
0x40: {  	_ =	shalt  }
0x41: {  	_ =	shalt  }
0x42: {  	_ =	shalt  }
0x43: {  	_ =	shalt  }
0x44: {  	_ =	shalt  }
0x45: {  	_ =	shalt  }
0x46: {  	_ =	shalt  }
0x47: {  	_ =	shalt  }
0x48: {  	_ =	shalt  }
0x49: {  	_ =	shalt  }
0x4a: {  	_ =	shalt  }
0x4b: {  	_ =	shalt  }
0x4c: {  	_ =	shalt  }
0x4d: {  	_ =	shalt  }
0x4e: {  	_ =	shalt  }
0x4f: {  	_ =	shalt  }
0x50: {  	_ =	shalt  }
0x51: {  	_ =	shalt  }
0x52: {  	_ =	shalt  }
0x53: {  	_ =	shalt  }
0x54: {  	_ =	shalt  }
0x55: {  	_ =	shalt  }
0x56: {  	_ =	shalt  }
0x57: {  	_ =	shalt  }
0x58: {  	_ =	shalt  }
0x59: {  	_ =	shalt  }
0x5a: {  	_ =	shalt  }
0x5b: {  	_ =	shalt  }
0x5c: {  	_ =	shalt  }
0x5d: {  	_ =	shalt  }
0x5e: {  	_ =	shalt  }
0x5f: {  	_ =	shalt  }
0x60: {  	_ =	shalt  }
0x61: {  	_ =	shalt  }
0x62: {  	_ =	shalt  }
0x63: {  	_ =	shalt  }
0x64: {  	_ =	shalt  }
0x65: {  	_ =	shalt  }
0x66: {  	_ =	shalt  }
0x67: {  	_ =	shalt  }
0x68: {  	_ =	shalt  }
0x69: {  	_ =	shalt  }
0x6a: {  	_ =	shalt  }
0x6b: {  	_ =	shalt  }
0x6c: {  	_ =	shalt  }
0x6d: {  	_ =	shalt  }
0x6e: {  	_ =	shalt  }
0x6f: {  	_ =	shalt  }
0x70: {  	_ =	shalt  }
0x71: {  	_ =	shalt  }
0x72: {  	_ =	shalt  }
0x73: {  	_ =	shalt  }
0x74: {  	_ =	shalt  }
0x75: {  	_ =	shalt  }
0x76: {  	_ =	shalt  }
0x77: {  	_ =	shalt  }
0x78: {  	_ =	shalt  }
0x79: {  	_ =	shalt  }
0x7a: {  	_ =	shalt  }
0x7b: {  	_ =	shalt  }
0x7c: {  	_ =	shalt  }
0x7d: {  	_ =	shalt  }
0x7e: {  	_ =	shalt  }
0x7f: {  	_ =	shalt  }
0x80: {  	_ =	shalt  }
0x81: {  	_ =	shalt  }
0x82: {  	_ =	shalt  }
0x83: {  	_ =	shalt  }
0x84: {  	_ =	shalt  }
0x85: {  	_ =	shalt  }
0x86: {  	_ =	shalt  }
0x87: {  	_ =	shalt  }
.Lfunc_end0:
.L_simem_size_0:
called_computation.4_lowered:
.L_overlay_start_0:
0x88: {  	s2 =	sld [smem:$0x3FD9]  }
0x89: {  	s3 =	sld [smem:$0x3FFE];
	_ =	sdelay $0x1  }
0x8a: {  	s1 =	srdreg.scid  }
0x8b: {  	s0 =	sand.u32 $0x1, s1  }
0x8c: {  	s16 =	sshll.u32 s0, $0xA;
	s2 =	sadd.s32 s3, s2  }
0x8d: {  	s2 =	sadd.s32 s2, s16  }
0x8e: {  	[smem:$0x3FB4] =	sst s2  }
0x8f: {  	_ = 	snop  }
0x90: {  	(tm) =	ssettm $0x1  }
0x91: {  	s17 =	sld [smem:$0x3FFB];
	_ =	sdelay $0x3  }
0x92: {  	_ =	strace s17  }
0x93: {  	s2 =	sld [smem:$0x3FFC];
	_ =	sdelay $0x3  }
0x94: {  	_ =	strace s2  }
0x95: {  	s2 =	sld [smem:$0x3FFD];
	_ =	sdelay $0x3  }
0x96: {  	_ =	strace s2  }
0x97: {  	_ =	strace $0x8FFFFFFF  }
0x98: {  	s18 =	sld [smem:$0x3FDB];
	_ =	sdelay $0x1  }
0x99: {  	s19 =	simm.s32 $_scs_section_size  }
0x9a: {  	s4 =	simm.s32 $_size__tile_overlayer_lowered;
	s5 =	simm.s32 $_tile_overlayer_lowered  }
0x9b: {  	s22 =	simm.s32 $0x1BFF;
	s21 =	sshll.u32 s5, $0x1;
	s2 =	sadd.s32 s19, s18  }
0x9c: {  	s6 =	simm.s32 $0x0;
	s20 =	sshll.u32 s4, $0x1;
	s4 =	sadd.s32 s21, s2  }
0x9d: {  	[timem:s6], [sflag:s22] =	dma.local [hbm:s4], s20  }
0x9e: {  	_ =	swait.ge [sflag:s22], s20  }
0x9f: {  	s3 =	ssub.s32 $0x0, s20;
	[sflag:s22] =	ssyncset.done $0x0  }
0xa0: {  	[sflag:s22] =	ssyncadd.s32 s3;
	_ =	sdelay $0x1  }
0xa1: {  	s23 =	simm.s32 $0x1B8B  }
0xa2: {  	_ =	swait.ge [sflag:s23], $0x1  }
0xa3: {  	[sflag:s23] =	ssyncset.done $0x0  }
0xa4: {  	s25 =	simm.s32 $0x1B8E;
	s24 =	sld [smem:$0x3FFE];
	[sflag:s23] =	ssyncadd.s32 $0xFFFFFFFF  }
0xa5: {  	s26 =	simm.s32 $execute0_lowered;
	[smem:$0x3FD2] =	sst s25  }
0xa6: {  	s4 =	sshll.u32 s26, $0x1;
	_ =	strace $0x80000052;
	[dreg:$0x1] =	wrdreg $0xFFFFFFFF  }
0xa7: {  	s28 =	simm.s32 $_size_execute0_lowered;
	s2 =	sadd.s32 s2, s4;
	[dreg:$0x0] =	wrdreg $0x0  }
0xa8: {  	s4 =	sshll.u32 s28, $0x1;
	[dreg:$0x2] =	wrdreg s2  }
0xa9: {  	[dreg:$0x3] =	wrdreg s4  }
0xaa: {  	[dreg:$0x4] =	wrdreg $0xC0  }
0xab: {  	_ =	task [dreg:s6], $0x5FFFF  }
0xac: {  	[dreg:$0x1] =	wrdreg $0xFFFFFFFF  }
0xad: {  	[dreg:$0x0] =	wrdreg $0x60  }
0xae: {  	[dreg:$0x2] =	wrdreg s24  }
0xaf: {  	[dreg:$0x3] =	wrdreg $0x9  }
0xb0: {  	_ =	task.clear_ibuf [dreg:s6], $0x4FFFF;
	_ =	strace $0x90000052  }
0xb1: {  	s29 =	simm.s32 $0x9;
	_ =	strace $0x80000054  }
0xb2: {  	_ =	swait.ge [sflag:s29], $0x1  }
0xb3: {  	[sflag:s29] =	ssyncadd.s32 $0xFFFFFFFF  }
0xb4: {  	_ =	strace $0x90000054  }
0xb5: {  	_ =	sfence  }
0xb6: {  	s30 =	sld [smem:$0x0];
	_ =	sdelay $0x2  }
0xb7: {  	s31 =	sshll.u32 s1, $0xD;
	s1 =	sshrl.u32 s1, $0x2  }
0xb8: {  	s3 =	sand.u32 $0x4000, s31;
	s1 =	sadd.s32 s1, s30  }
0xb9: {  	s0 =	sor.u32 s3, s0;
	s1 =	sshll.u32 s1, $0x11  }
0xba: {  	s0 =	sor.u32 s1, s0  }
0xbb: {  	s0 =	sadd.s32 $0x8F2B, s0  }
0xbc: {  	[sflag:s0] =	ssyncadd.remote.s32 $0x1  }
0xbd: {  	_ =	sfence.sel $0xFFFF  }
0xbe: {  	[dreg:$0x0] =	wrdreg $0xFFFFFFFF;
	(pc) =	sbr.abs _section_cstart, $3  }
0xbf: {  	[dreg:$0x1] =	wrdreg $0xFFFFFFFF  }
0xc0: {  	_ =	task.clear_ibuf [dreg:s6], $0x2FFFF;
	_ =	strace $0x9FFFFFFF  }
0xc1: {  	(tm) =	ssettm $0x7FFFFFFF  }
tec
execute0_lowered:
.L_overlay_start_1:
0x0: {  	(tag) =	ssettag $0x1  }
0x1: {  	s0 =	srdreg.scid  }
0x2: {  	s15 =	stileid.u32;
	s1 =	rddreg [dreg:$0x0]  }
0x3: {  	s2 =	simm.s32 $0x0;
	s17 =	simm.s32 $0x2900;
	s18 =	simm.s32 $0x5200  }
0x4: {  	s19 =	simm.s32 $0xD200;
	s20 =	simm.s32 $0x80;
	s21 =	simm.s32 $0x9200  }
0x5: {  	s22 =	simm.s32 $0x11200;
	s23 =	simm.s32 $0x1;
	s24 =	simm.s32 $0x3  }
0x6: {  	s25 =	simm.s32 $0x2;
	s26 =	simm.s32 $0x4;
	s11 =	smul.u32 $0x290000, s15  }
0x7: {  	s0 =	sand.u32 $0x1, s0;
	s3 =	sshll.u32 s15, $0x1;
	s15 =	smul.u32 $0x52000, s15  }
0x8: {  	s30 =	simm.s32 $0x0;
	[smem:$0x7FF] =	sst s2;
	s12 =	smul.u32 $0x148000, s0  }
0x9: {  	s6 =	sor.u32 s0, s3;
	s7 =	ssub.s32 $0x2, s0;
	s0 =	smul.u32 $0x29000, s0  }
0xa: {  	s4 =	sadd.s32 $0x50C00, s1;
	s13 =	sadd.s32 $0x77E00, s1;
	s5 =	smul.u32 $0x2900, s6  }
0xb: {  	_ =	strace $0x80000053;
	s3 =	sadd.s32 $0x1E400, s1;
	s9 =	smul.u32 $0x148000, s6  }
0xc: {  	s29 =	sshrl.u32 s7, $0x1;
	s10 =	smul.u32 $0x29000, s6;
	s16 =	sadd.s32 s15, s13  }
0xd: {  	s7 =	ssub.s32 s7, s29;
	s12 =	sadd.s32 s12, s11;
	s16 =	sadd.s32 s0, s16  }
0xe: {  	s5 =	sshrl.u32 s5, $0x3;
	s9 =	sshrl.u32 s9, $0x3;
	s7 =	smax.u32 s7, $0x1  }
0xf: {  	s14 =	sadd.s32 $0x28800, s10;
	s31 =	sshrl.u32 s12, $0x3;
	s8 =	sadd.s32 s5, s1  }
0x10: {  	s1 =	sadd.s32 $0xAAC400, s1;
	s9 =	sadd.s32 $0x28000, s9;
	s5 =	sadd.s32 $0x8200, s8  }
0x11: {  	s6 =	sadd.s32 $0x12600, s8;
	s8 =	sadd.s32 s13, s9;
	s9 =	sadd.s32 s1, s9  }
0x12: {  	s11 =	sadd.s32 s1, s14;
	s12 =	sadd.s32 s31, s1;
	s1 =	sadd.s32 s15, s1  }
0x13: {  	s10 =	sadd.s32 s13, s14;
	s13 =	sadd.s32 s31, s13;
	s0 =	sadd.s32 s0, s1  }
0x14: {  	s14 =	sadd.s32 $0x800, s16;
	s16 =	simm.s32 $0x5;
	s15 =	sadd.s32 $0x800, s0  }
.LBB2_1:
0x15: {  	[tilespmem:s2], [sflag:$0x5] =	stream.linear.gather [hbm4b:s5+s2], $0x2900, $0x38;
	[tilespmem:$0x15200] =	vst v63  }
0x16: {  	_ =	swait.ge [sflag:s16], $0x2900  }
0x17: {  	[sflag:s16] =	ssyncset.done $0x0  }
0x18: {  	[sflag:s16] =	ssyncadd.s32 $0xFFFFD700  }
0x19: {  	[tilespmem:s17], [sflag:$0x5] =	stream.linear.gather [hbm4b:s6+s2], $0x2900, $0x38;
	[tilespmem:$0x15200] =	vst v63  }
0x1a: {  	_ =	swait.ge [sflag:s16], $0x2900  }
0x1b: {  	[sflag:s16] =	ssyncset.done $0x0  }
0x1c: {  	[sflag:s16] =	ssyncadd.s32 $0xFFFFD700  }
0x1d: {  	[tilespmem:s18], [sflag:$0x1] =	stream.indirect.gather [hbm4b:s3+s20], $0x80, s2, s20, $0xb8;
	[tilespmem:$0x15200] =	vst v63  }
0x1e: {  	_ = 	snop  }
0x1f: {  	[tilespmem:s19], [sflag:$0x3] =	stream.indirect.gather [hbm4b:s4+s20], $0x80, s17, s20, $0xb8;
	[tilespmem:$0x15200] =	vst v63  }
0x20: {  	_ = 	snop  }
0x21: {  	[tilespmem:s21], [sflag:$0x2] =	stream.indirect.gather [hbm4b:s3+s20], $0x80, s20, s20, $0xb8;
	[tilespmem:$0x15200] =	vst v63  }
0x22: {  	s31 =	simm.s32 $0x2980  }
0x23: {  	[tilespmem:s22], [sflag:$0x4] =	stream.indirect.gather [hbm4b:s4+s20], $0x80, s31, s20, $0xb8;
	[tilespmem:$0x15200] =	vst v63  }
0x24: {  	_ =	swait.ge [sflag:s23], $0x4000  }
0x25: {  	[sflag:s23] =	ssyncset.done $0x0  }
0x26: {  	s0 =	sadd.s32 $0x0, s13;
	[sflag:s23] =	ssyncadd.s32 $0xFFFFC000  }
0x27: {  	[hbm4b:s0+s2] =	stream.linear.scatter [tilespmem:s18], [sflag:$0x5], $0x4000, $0x38;
	[tilespmem:$0x15200] =	vst v63  }
0x28: {  	_ =	swait.ge [sflag:s16], $0x4000  }
0x29: {  	[sflag:s16] =	ssyncset.done $0x0  }
0x2a: {  	[sflag:s16] =	ssyncadd.s32 $0xFFFFC000  }
0x2b: {  	_ =	swait.ge [sflag:s24], $0x4000  }
0x2c: {  	[sflag:s24] =	ssyncset.done $0x0  }
0x2d: {  	s28 =	sadd.s32 $0x0, s12;
	[sflag:s24] =	ssyncadd.s32 $0xFFFFC000  }
0x2e: {  	[hbm4b:s28+s2] =	stream.linear.scatter [tilespmem:s19], [sflag:$0x5], $0x4000, $0x38;
	[tilespmem:$0x15200] =	vst v63  }
0x2f: {  	_ =	swait.ge [sflag:s16], $0x4000  }
0x30: {  	[sflag:s16] =	ssyncset.done $0x0  }
0x31: {  	s29 =	simm.s32 $0x100;
	[sflag:s16] =	ssyncadd.s32 $0xFFFFC000  }
0x32: {  	[tilespmem:s18], [sflag:$0x1] =	stream.indirect.gather [hbm4b:s3+s20], $0x80, s29, s20, $0xb8;
	[tilespmem:$0x15200] =	vst v63  }
0x33: {  	s1 =	simm.s32 $0x2A00  }
0x34: {  	[tilespmem:s19], [sflag:$0x3] =	stream.indirect.gather [hbm4b:s4+s20], $0x80, s1, s20, $0xb8;
	[tilespmem:$0x15200] =	vst v63  }
0x35: {  	_ =	swait.ge [sflag:s25], $0x4000  }
0x36: {  	[sflag:s25] =	ssyncset.done $0x0  }
0x37: {  	s28 =	sadd.s32 $0x0, s14;
	[sflag:s25] =	ssyncadd.s32 $0xFFFFC000  }
0x38: {  	[hbm4b:s28+s2] =	stream.linear.scatter [tilespmem:s21], [sflag:$0x5], $0x4000, $0x38;
	[tilespmem:$0x15200] =	vst v63  }
0x39: {  	_ =	swait.ge [sflag:s16], $0x4000  }
0x3a: {  	[sflag:s16] =	ssyncset.done $0x0  }
0x3b: {  	[sflag:s16] =	ssyncadd.s32 $0xFFFFC000  }
0x3c: {  	_ =	swait.ge [sflag:s26], $0x4000  }
0x3d: {  	[sflag:s26] =	ssyncset.done $0x0  }
0x3e: {  	s29 =	sadd.s32 $0x0, s15;
	[sflag:s26] =	ssyncadd.s32 $0xFFFFC000  }
0x3f: {  	[hbm4b:s29+s2] =	stream.linear.scatter [tilespmem:s22], [sflag:$0x5], $0x4000, $0x38;
	[tilespmem:$0x15200] =	vst v63  }
0x40: {  	_ =	swait.ge [sflag:s16], $0x4000  }
0x41: {  	s0 =	simm.s32 $0x80;
	s1 =	simm.s32 $0x1000;
	[sflag:s16] =	ssyncset.done $0x0  }
.LBB2_2:
0x42: {  	[sflag:s16] =	ssyncadd.s32 $0xFFFFC000;
	s0 =	sadd.s32 $0x100, s0;
	s31 =	sadd.s32 $0x100, s31  }
0x43: {  	[tilespmem:s21], [sflag:$0x2] =	stream.indirect.gather [hbm4b:s3+s20], $0x80, s0, s20, $0xb8;
	[tilespmem:$0x15200] =	vst v63  }
0x44: {  	p0 =	sne.s32 s1, $0x27000;
	s28 =	smov.u32 s1;
	s1 =	sadd.s32 $0x1000, s1  }
0x45: {  	[tilespmem:s22], [sflag:$0x4] =	stream.indirect.gather [hbm4b:s4+s20], $0x80, s31, s20, $0xb8;
	[tilespmem:$0x15200] =	vst v63  }
0x46: {  	_ =	swait.ge [sflag:s23], $0x4000  }
0x47: {  	[sflag:s23] =	ssyncset.done $0x0  }
0x48: {  	s29 =	sadd.s32 s28, s13;
	[sflag:s23] =	ssyncadd.s32 $0xFFFFC000  }
0x49: {  	[hbm4b:s29+s2] =	stream.linear.scatter [tilespmem:s18], [sflag:$0x5], $0x4000, $0x38;
	[tilespmem:$0x15200] =	vst v63  }
0x4a: {  	_ =	swait.ge [sflag:s16], $0x4000  }
0x4b: {  	[sflag:s16] =	ssyncset.done $0x0  }
0x4c: {  	[sflag:s16] =	ssyncadd.s32 $0xFFFFC000  }
0x4d: {  	_ =	swait.ge [sflag:s24], $0x4000  }
0x4e: {  	[sflag:s24] =	ssyncset.done $0x0  }
0x4f: {  	s29 =	sadd.s32 s28, s12;
	[sflag:s24] =	ssyncadd.s32 $0xFFFFC000  }
0x50: {  	[hbm4b:s29+s2] =	stream.linear.scatter [tilespmem:s19], [sflag:$0x5], $0x4000, $0x38;
	[tilespmem:$0x15200] =	vst v63  }
0x51: {  	_ =	swait.ge [sflag:s16], $0x4000  }
0x52: {  	[sflag:s16] =	ssyncset.done $0x0  }
0x53: {  	s29 =	sadd.s32 $0x80, s0;
	[sflag:s16] =	ssyncadd.s32 $0xFFFFC000  }
0x54: {  	[tilespmem:s18], [sflag:$0x1] =	stream.indirect.gather [hbm4b:s3+s20], $0x80, s29, s20, $0xb8;
	[tilespmem:$0x15200] =	vst v63  }
0x55: {  	s29 =	sadd.s32 $0x80, s31  }
0x56: {  	[tilespmem:s19], [sflag:$0x3] =	stream.indirect.gather [hbm4b:s4+s20], $0x80, s29, s20, $0xb8;
	[tilespmem:$0x15200] =	vst v63  }
0x57: {  	_ =	swait.ge [sflag:s25], $0x4000  }
0x58: {  	[sflag:s25] =	ssyncset.done $0x0  }
0x59: {  	s29 =	sadd.s32 s28, s14;
	[sflag:s25] =	ssyncadd.s32 $0xFFFFC000  }
0x5a: {  	[hbm4b:s29+s2] =	stream.linear.scatter [tilespmem:s21], [sflag:$0x5], $0x4000, $0x38;
	[tilespmem:$0x15200] =	vst v63  }
0x5b: {  	_ =	swait.ge [sflag:s16], $0x4000  }
0x5c: {  	[sflag:s16] =	ssyncset.done $0x0  }
0x5d: {  	[sflag:s16] =	ssyncadd.s32 $0xFFFFC000  }
0x5e: {  	_ =	swait.ge [sflag:s26], $0x4000  }
.Ltmp0:
0x5f: {  	[sflag:s26] =	ssyncset.done $0x0;
	(pc) =	sbr.rel @p0 .LBB2_2-.Ltmp0, $4  }
0x60: {  	s28 =	sadd.s32 s28, s15;
	[sflag:s26] =	ssyncadd.s32 $0xFFFFC000  }
0x61: {  	[hbm4b:s28+s2] =	stream.linear.scatter [tilespmem:s22], [sflag:$0x5], $0x4000, $0x38;
	[tilespmem:$0x15200] =	vst v63  }
0x62: {  	_ =	swait.ge [sflag:s16], $0x4000  }
0x63: {  	[sflag:s16] =	ssyncset.done $0x0  }
0x64: {  	[sflag:s16] =	ssyncadd.s32 $0xFFFFC000;
	s0 =	simm.s32 $0x2880  }
0x65: {  	[tilespmem:s21], [sflag:$0x2] =	stream.indirect.gather [hbm4b:s3+s20], $0x80, s0, s20, $0xb8;
	[tilespmem:$0x15200] =	vst v63  }
0x66: {  	s31 =	simm.s32 $0x5180  }
0x67: {  	[tilespmem:s22], [sflag:$0x4] =	stream.indirect.gather [hbm4b:s4+s20], $0x80, s31, s20, $0xb8;
	[tilespmem:$0x15200] =	vst v63  }
0x68: {  	_ =	swait.ge [sflag:s23], $0x4000  }
0x69: {  	[sflag:s23] =	ssyncset.done $0x0  }
0x6a: {  	[sflag:s23] =	ssyncadd.s32 $0xFFFFC000  }
0x6b: {  	[hbm4b:s8+s2] =	stream.linear.scatter [tilespmem:s18], [sflag:$0x5], $0x4000, $0x38;
	[tilespmem:$0x15200] =	vst v63  }
0x6c: {  	_ =	swait.ge [sflag:s16], $0x4000  }
0x6d: {  	[sflag:s16] =	ssyncset.done $0x0  }
0x6e: {  	[sflag:s16] =	ssyncadd.s32 $0xFFFFC000  }
0x6f: {  	_ =	swait.ge [sflag:s24], $0x4000  }
0x70: {  	[sflag:s24] =	ssyncset.done $0x0  }
0x71: {  	[sflag:s24] =	ssyncadd.s32 $0xFFFFC000  }
0x72: {  	[hbm4b:s9+s2] =	stream.linear.scatter [tilespmem:s19], [sflag:$0x5], $0x4000, $0x38;
	[tilespmem:$0x15200] =	vst v63  }
0x73: {  	_ =	swait.ge [sflag:s16], $0x4000  }
0x74: {  	[sflag:s16] =	ssyncset.done $0x0  }
0x75: {  	[sflag:s16] =	ssyncadd.s32 $0xFFFFC000  }
0x76: {  	_ =	swait.ge [sflag:s25], $0x4000  }
0x77: {  	[sflag:s25] =	ssyncset.done $0x0  }
0x78: {  	[sflag:s25] =	ssyncadd.s32 $0xFFFFC000  }
0x79: {  	[hbm4b:s10+s2] =	stream.linear.scatter [tilespmem:s21], [sflag:$0x5], $0x4000, $0x38;
	[tilespmem:$0x15200] =	vst v63  }
0x7a: {  	_ =	swait.ge [sflag:s16], $0x4000  }
0x7b: {  	[sflag:s16] =	ssyncset.done $0x0  }
0x7c: {  	[sflag:s16] =	ssyncadd.s32 $0xFFFFC000  }
0x7d: {  	s30 =	sadd.s32 $0x1, s30;
	_ =	swait.ge [sflag:s26], $0x4000  }
0x7e: {  	p0 =	sne.s32 s30, s7;
	[sflag:s26] =	ssyncset.done $0x0  }
.Ltmp1:
0x7f: {  	[sflag:s26] =	ssyncadd.s32 $0xFFFFC000;
	(pc) =	sbr.rel @p0 .LBB2_1-.Ltmp1, $4  }
0x80: {  	[hbm4b:s11+s2] =	stream.linear.scatter [tilespmem:s22], [sflag:$0x5], $0x4000, $0x38;
	[tilespmem:$0x15200] =	vst v63  }
0x81: {  	_ =	swait.ge [sflag:s16], $0x4000  }
0x82: {  	[sflag:s16] =	ssyncset.done $0x0  }
0x83: {  	[sflag:s16] =	ssyncadd.s32 $0xFFFFC000  }
0x84: {  	_ =	sfence.sel $0x180000  }
0x85: {  	[bflag:$0x0] =	sbarrier.arrive $0xFFFF  }
0x86: {  	_ =	strace $0x90000053  }
0x87: {  	s0 =	stileid.u32;
	[bflag:$0x2] =	sbarrier.arrive $0xFFFF  }
0x88: {  	p0 =	sne.s32 s0, $0x0;
	s0 =	rddreg [dreg:$0x1]  }
0x89: {  	s0 =	sadd.s32 @!p0 $0x100000, s0  }
0x8a: {  	[sflag:s0] =	ssyncadd.tile.s32 @!p0 $0x1;
	_ =	shalt  }
.Lfunc_end2:
_tile_overlayer_lowered:
.L_overlay_start_2:
0x8b: {  	(tag) =	ssettag $0x2  }
0x8c: {  	s0 =	rddreg [dreg:$0x0];
	s2 =	stileid.u32  }
0x8d: {  	s1 =	rddreg [dreg:$0x1];
	p0 =	sne.s32 s2, $0x0  }
0x8e: {  	s3 =	rddreg [dreg:$0x2];
	[bflag:$0x3] =	sbarrier.arrive $0xFFFF;
	s2 =	simm.s32 @!p0 $0x1C05  }
0x8f: {  	[timem:s3], [sflag:s2] =	dma.local @!p0 [hbm:s0], s1  }
0x90: {  	s0 =	simm.s32 @!p0 $0x5  }
0x91: {  	_ =	swait.ge @!p0 [sflag:s0], s1  }
0x92: {  	s1 =	ssub.s32 @!p0 $0x0, s1;
	[sflag:s0] =	ssyncset.done @!p0 $0x0  }
0x93: {  	[sflag:s0] =	ssyncadd.s32 @!p0 s1  }
0x94: {  	[bflag:$0x3] =	sbarrier.arrive $0xFFFF  }
0x95: {  	_ =	shalt  }

// kernel: kernel.32.cloned.1.call-start
scs
__scs_entry_jumppad:
0x0: {  	(pc) =	sbr.rel $0x88, $3  }
0x1: {  	(tag) =	ssettag $0x0;
	lr =	simm.s32 $0x1  }
0x2: {  	[smem:$0x3F8D] =	sst lr;
	_ =	strace $0xD0000000  }
0x3: {  	_ = 	snop  }
0x4: {  	_ = 	snop  }
0x5: {  	_ = 	snop  }
0x6: {  	_ = 	snop  }
0x7: {  	_ = 	snop  }
__scs_overlays_trampoline_lowered:
0x8: {  	[smem:$0x3F9C] =	sst s0  }
0x9: {  	[smem:$0x3F9D] =	sst s1  }
0xa: {  	[smem:$0x3F9E] =	sst s2  }
0xb: {  	[smem:$0x3F9F] =	sst s3  }
0xc: {  	[smem:$0x3FA0] =	sst s4  }
0xd: {  	[smem:$0x3FA1] =	sst s5  }
0xe: {  	[smem:$0x3FA2] =	sst s6  }
0xf: {  	[smem:$0x3FA3] =	sst s7  }
0x10: {  	[smem:$0x3FA4] =	sst s8  }
0x11: {  	[smem:$0x3FA5] =	sst s9;
	s0 =	simm.s32 @!p0 $0x0  }
0x12: {  	s1 =	sld [smem:$0x3F8B];
	s0 =	simm.s32 @p0 $0x1  }
0x13: {  	[smem:$0x3FA6] =	sst s0;
	s0 =	simm.s32 @!p1 $0x0  }
0x14: {  	s2 =	sld [smem:$0x3F8A];
	s0 =	simm.s32 @p1 $0x1  }
0x15: {  	[smem:$0x3FA7] =	sst s0;
	s0 =	simm.s32 @!p2 $0x0  }
0x16: {  	s3 =	sld [smem:$0x3FDB];
	s0 =	simm.s32 @p2 $0x1  }
0x17: {  	s4 =	simm.s32 $0x1BF5;
	[smem:$0x3FA9] =	sst s0  }
0x18: {  	s0 =	sld [smem:$0x3F8C];
	_ =	swait.ge [sflag:s4], $0x0  }
0x19: {  	s7 =	sld [smem:$0x3F8D]  }
0x1a: {  	s8 =	sadd.s32 $0xFFFFE003, lr  }
0x1b: {  	s9 =	sadd.s32 $0xFFFFFEF7, lr;
	s5 =	simm.s32 $0xFFFFFFFF;
	p2 =	slt.u32 s8, $0xFFFFF086  }
0x1c: {  	p1 =	slt.u32 s9, $0xF7A;
	s5 =	simm.s32 @!p2 $0x0  }
0x1d: {  	s5 =	simm.s32 @p1 $0x1;
	p0 =	seq.s32 s7, s2  }
0x1e: {  	s7 =	smul.u32 @!p0 $0xF7A, s2;
	p2 =	seq.s32 @!p0 s5, $0x0  }
0x1f: {  	s9 =	smul.u32 $0xF7A, s1;
	s8 =	simm.s32 @!p0 $0x1BF5;
	p2 =	por !p2, p0  }
0x20: {  	[sflag:s8] =	ssyncset.s32 @!p0 $0xFFFFF086;
	s6 =	sadd.s32 @!p0 s3, s7;
	s7 =	simm.s32 @!p0 $0x108  }
0x21: {  	s3 =	sadd.s32 s3, s9;
	s6 =	sadd.s32 @!p0 $0x88, s6;
	s7 =	simm.s32 @p2 $0x1082  }
0x22: {  	[simem:s7], [sflag:s8] =	dma.local @!p0 [hbm:s6], $0xF7A  }
0x23: {  	s9 =	sor.u32 $0xD0000000, s2;
	s6 =	simm.s32 $0x108;
	_ =	swait.ge @!p0 [sflag:s8], $0x0  }
0x24: {  	s3 =	sadd.s32 $0x88, s3;
	s6 =	simm.s32 @!p1 $0x1082;
	[sflag:s4] =	ssyncset.s32 $0xFFFFF086  }
0x25: {  	[simem:s6], [sflag:s4] =	dma.local [hbm:s3], $0xF7A  }
0x26: {  	[smem:$0x3F8D] =	sst s1;
	(tag) =	ssettag s2;
	_ =	strace s9  }
0x27: {  	s1 =	sld [smem:$0x3F9D]  }
0x28: {  	s2 =	sld [smem:$0x3F9E]  }
0x29: {  	s4 =	sld [smem:$0x3FA0]  }
0x2a: {  	p0 =	seq.s32 s5, $0x0;
	s5 =	sld [smem:$0x3FA1]  }
0x2b: {  	s6 =	sld [smem:$0x3FA2]  }
0x2c: {  	s7 =	sld [smem:$0x3FA3]  }
0x2d: {  	s3 =	simm.s32 $0x108;
	s8 =	sld [smem:$0x3FA4]  }
0x2e: {  	s3 =	simm.s32 @!p0 $0x1082;
	s9 =	sld [smem:$0x3FA5]  }
0x2f: {  	lr =	sadd.s32 s0, s3;
	s0 =	sld [smem:$0x3F9C]  }
0x30: {  	s3 =	sld [smem:$0x3F9F]  }
0x31: {  	[smem:$0x3FA8] =	sst s10  }
0x32: {  	s10 =	sld [smem:$0x3FA6];
	_ =	sdelay $0x3  }
0x33: {  	p0 =	seq.s32 s10, $0x1;
	s10 =	sld [smem:$0x3FA8];
	_ =	sdelay $0x3  }
0x34: {  	[smem:$0x3FA8] =	sst s10  }
0x35: {  	s10 =	sld [smem:$0x3FA7];
	_ =	sdelay $0x3  }
0x36: {  	p1 =	seq.s32 s10, $0x1;
	s10 =	sld [smem:$0x3FA8];
	_ =	sdelay $0x3  }
0x37: {  	[smem:$0x3FA8] =	sst s10  }
0x38: {  	s10 =	sld [smem:$0x3FA9]  }
0x39: {  	_ = 	snop;
	(pc) =	sbr.ind lr, $3  }
0x3a: {  	_ = 	snop  }
0x3b: {  	_ = 	snop  }
0x3c: {  	p2 =	seq.s32 s10, $0x1;
	s10 =	sld [smem:$0x3FA8]  }
0x3d: {  	_ =	shalt  }
0x3e: {  	_ =	shalt  }
0x3f: {  	_ =	shalt  }
0x40: {  	_ =	shalt  }
0x41: {  	_ =	shalt  }
0x42: {  	_ =	shalt  }
0x43: {  	_ =	shalt  }
0x44: {  	_ =	shalt  }
0x45: {  	_ =	shalt  }
0x46: {  	_ =	shalt  }
0x47: {  	_ =	shalt  }
0x48: {  	_ =	shalt  }
0x49: {  	_ =	shalt  }
0x4a: {  	_ =	shalt  }
0x4b: {  	_ =	shalt  }
0x4c: {  	_ =	shalt  }
0x4d: {  	_ =	shalt  }
0x4e: {  	_ =	shalt  }
0x4f: {  	_ =	shalt  }
0x50: {  	_ =	shalt  }
0x51: {  	_ =	shalt  }
0x52: {  	_ =	shalt  }
0x53: {  	_ =	shalt  }
0x54: {  	_ =	shalt  }
0x55: {  	_ =	shalt  }
0x56: {  	_ =	shalt  }
0x57: {  	_ =	shalt  }
0x58: {  	_ =	shalt  }
0x59: {  	_ =	shalt  }
0x5a: {  	_ =	shalt  }
0x5b: {  	_ =	shalt  }
0x5c: {  	_ =	shalt  }
0x5d: {  	_ =	shalt  }
0x5e: {  	_ =	shalt  }
0x5f: {  	_ =	shalt  }
0x60: {  	_ =	shalt  }
0x61: {  	_ =	shalt  }
0x62: {  	_ =	shalt  }
0x63: {  	_ =	shalt  }
0x64: {  	_ =	shalt  }
0x65: {  	_ =	shalt  }
0x66: {  	_ =	shalt  }
0x67: {  	_ =	shalt  }
0x68: {  	_ =	shalt  }
0x69: {  	_ =	shalt  }
0x6a: {  	_ =	shalt  }
0x6b: {  	_ =	shalt  }
0x6c: {  	_ =	shalt  }
0x6d: {  	_ =	shalt  }
0x6e: {  	_ =	shalt  }
0x6f: {  	_ =	shalt  }
0x70: {  	_ =	shalt  }
0x71: {  	_ =	shalt  }
0x72: {  	_ =	shalt  }
0x73: {  	_ =	shalt  }
0x74: {  	_ =	shalt  }
0x75: {  	_ =	shalt  }
0x76: {  	_ =	shalt  }
0x77: {  	_ =	shalt  }
0x78: {  	_ =	shalt  }
0x79: {  	_ =	shalt  }
0x7a: {  	_ =	shalt  }
0x7b: {  	_ =	shalt  }
0x7c: {  	_ =	shalt  }
0x7d: {  	_ =	shalt  }
0x7e: {  	_ =	shalt  }
0x7f: {  	_ =	shalt  }
0x80: {  	_ =	shalt  }
0x81: {  	_ =	shalt  }
0x82: {  	_ =	shalt  }
0x83: {  	_ =	shalt  }
0x84: {  	_ =	shalt  }
0x85: {  	_ =	shalt  }
0x86: {  	_ =	shalt  }
0x87: {  	_ =	shalt  }
.Lfunc_end0:
.L_simem_size_0:
called_computation.5_lowered:
.L_overlay_start_0:
0x88: {  	s2 =	sld [smem:$0x3FD9]  }
0x89: {  	s3 =	sld [smem:$0x3FFE];
	_ =	sdelay $0x1  }
0x8a: {  	s1 =	srdreg.scid  }
0x8b: {  	s0 =	sand.u32 $0x1, s1  }
0x8c: {  	s17 =	sshll.u32 s0, $0xA;
	s2 =	sadd.s32 s3, s2  }
0x8d: {  	s2 =	sadd.s32 s2, s17  }
0x8e: {  	[smem:$0x3FB4] =	sst s2  }
0x8f: {  	_ = 	snop  }
0x90: {  	s2 =	sld [smem:$0x3FD0];
	(tm) =	ssettm $0x1  }
0x91: {  	s18 =	sld [smem:$0x3FFB];
	_ =	sdelay $0x3  }
0x92: {  	_ =	strace s18  }
0x93: {  	s3 =	sld [smem:$0x3FFC];
	_ =	sdelay $0x3  }
0x94: {  	_ =	strace s3  }
0x95: {  	s3 =	sld [smem:$0x3FFD];
	_ =	sdelay $0x3  }
0x96: {  	_ =	strace s3  }
0x97: {  	_ =	strace $0x8FFFFFFF  }
0x98: {  	s19 =	sld [smem:$0x3FDB];
	_ =	sdelay $0x1  }
0x99: {  	s4 =	simm.s32 $_scs_section_size  }
0x9a: {  	s5 =	simm.s32 $_size__tile_overlayer_lowered;
	s6 =	simm.s32 $_tile_overlayer_lowered  }
0x9b: {  	s22 =	simm.s32 $0x1BFF;
	s21 =	sshll.u32 s6, $0x1;
	s3 =	sadd.s32 s4, s19  }
0x9c: {  	s7 =	simm.s32 $0x0;
	s20 =	sshll.u32 s5, $0x1;
	s5 =	sadd.s32 s21, s3  }
0x9d: {  	[timem:s7], [sflag:s22] =	dma.local [hbm:s5], s20  }
0x9e: {  	_ =	swait.ge [sflag:s22], s20  }
0x9f: {  	s4 =	ssub.s32 $0x0, s20;
	[sflag:s22] =	ssyncset.done $0x0  }
0xa0: {  	[sflag:s22] =	ssyncadd.s32 s4;
	_ =	sdelay $0x1  }
0xa1: {  	s23 =	simm.s32 $0x1B8B  }
0xa2: {  	_ =	swait.ge [sflag:s23], $0x1  }
0xa3: {  	[sflag:s23] =	ssyncset.done $0x0  }
0xa4: {  	s25 =	simm.s32 $0x1B8E;
	s24 =	sld [smem:$0x3FFE];
	[sflag:s23] =	ssyncadd.s32 $0xFFFFFFFF  }
0xa5: {  	s26 =	simm.s32 $execute0_lowered;
	[smem:$0x3FD2] =	sst s25  }
0xa6: {  	s5 =	sshll.u32 s26, $0x1;
	_ =	strace $0x80000055;
	[dreg:$0x1] =	wrdreg $0xFFFFFFFF  }
0xa7: {  	s28 =	simm.s32 $_size_execute0_lowered;
	s3 =	sadd.s32 s3, s5;
	[dreg:$0x0] =	wrdreg $0x0  }
0xa8: {  	s5 =	sshll.u32 s28, $0x1;
	[dreg:$0x2] =	wrdreg s3  }
0xa9: {  	[dreg:$0x3] =	wrdreg s5  }
0xaa: {  	[dreg:$0x4] =	wrdreg $0xC0  }
0xab: {  	_ =	task [dreg:s7], $0x5FFFF  }
0xac: {  	[dreg:$0x1] =	wrdreg $0xFFFFFFFF  }
0xad: {  	[dreg:$0x0] =	wrdreg $0x60  }
0xae: {  	[dreg:$0x2] =	wrdreg s24  }
0xaf: {  	[dreg:$0x3] =	wrdreg s2  }
0xb0: {  	[dreg:$0x4] =	wrdreg $0xD2000  }
0xb1: {  	[dreg:$0x5] =	wrdreg $0x9  }
0xb2: {  	_ =	task.clear_ibuf [dreg:s7], $0x6FFFF;
	_ =	strace $0x90000055  }
0xb3: {  	s29 =	simm.s32 $0x9;
	_ =	strace $0x80000057  }
0xb4: {  	_ =	swait.ge [sflag:s29], $0x1  }
0xb5: {  	[sflag:s29] =	ssyncadd.s32 $0xFFFFFFFF  }
0xb6: {  	_ =	strace $0x90000057  }
0xb7: {  	_ =	sfence  }
0xb8: {  	s30 =	sld [smem:$0x0];
	_ =	sdelay $0x2  }
0xb9: {  	s31 =	sshll.u32 s1, $0xD;
	s1 =	sshrl.u32 s1, $0x2  }
0xba: {  	s3 =	sand.u32 $0x4000, s31;
	s1 =	sadd.s32 s1, s30  }
0xbb: {  	s0 =	sor.u32 s3, s0;
	s1 =	sshll.u32 s1, $0x11  }
0xbc: {  	s0 =	sor.u32 s1, s0  }
0xbd: {  	s0 =	sadd.s32 $0x8F2B, s0  }
0xbe: {  	[sflag:s0] =	ssyncadd.remote.s32 $0x1  }
0xbf: {  	_ =	sfence.sel $0xFFFF  }
0xc0: {  	[dreg:$0x0] =	wrdreg $0xFFFFFFFF;
	(pc) =	sbr.abs _section_cstart, $3  }
0xc1: {  	[dreg:$0x1] =	wrdreg $0xFFFFFFFF  }
0xc2: {  	_ =	task.clear_ibuf [dreg:s7], $0x2FFFF;
	_ =	strace $0x9FFFFFFF  }
0xc3: {  	(tm) =	ssettm $0x7FFFFFFF  }
tec
execute0_lowered:
.L_overlay_start_1:
0x0: {  	(tag) =	ssettag $0x1  }
0x1: {  	s5 =	rddreg [dreg:$0x0]  }
0x2: {  	s6 =	rddreg [dreg:$0x1]  }
0x3: {  	s2 =	rddreg [dreg:$0x2]  }
0x4: {  	s0 =	rddreg [dreg:$0x3]  }
0x5: {  	s1 =	stileid.u32;
	s4 =	srdreg.scid;
	s3 =	simm.s32 $0x0  }
0x6: {  	s14 =	simm.s32 $0x5200;
	s15 =	simm.s32 $0x9200;
	s16 =	simm.s32 $0x1  }
0x7: {  	s17 =	simm.s32 $0x80;
	s18 =	simm.s32 $0x2;
	s7 =	smul.u32 $0x52000, s1  }
0x8: {  	s19 =	simm.s32 $0x5100;
	s20 =	simm.s32 $0x5180;
	s10 =	smul.u32 $0xC800, s1  }
0x9: {  	s21 =	simm.s32 $0x0;
	s8 =	sand.u32 $0x1, s4;
	s25 =	smul.u32 $0x5200, s1  }
0xa: {  	[smem:$0x7FF] =	sst s3;
	s4 =	sadd.s32 $0x1CA00, s5;
	s13 =	smul.u32 $0x32000, s1  }
0xb: {  	s30 =	sshll.u32 s1, $0x6;
	s9 =	smul.u32 $0xC8000, s8;
	_ =	strace $0x80000056  }
0xc: {  	s26 =	ssub.s32 $0x2, s8;
	s8 =	smul.u32 $0x52000, s8;
	s11 =	sadd.s32 s7, s5  }
0xd: {  	s12 =	sshrl.u32 s26, $0x1;
	s29 =	sshrl.u32 s13, $0x2;
	s9 =	sadd.s32 s10, s9  }
0xe: {  	s10 =	ssub.s32 s26, s12;
	s28 =	sadd.s32 s25, s8;
	s13 =	sadd.s32 s29, s2  }
0xf: {  	s7 =	sadd.s32 $0xFCC400, s11;
	s9 =	sshrl.u32 s9, $0x3;
	s31 =	sshrl.u32 s28, $0x3  }
0x10: {  	s12 =	sshrl.u32 s13, $0x3;
	s13 =	simm.s32 $0x3;
	s9 =	sadd.s32 s9, s5  }
0x11: {  	s5 =	sor.u32 $0x1C03, s30;
	s6 =	sadd.s32 s6, s31;
	s8 =	sadd.s32 $0x1E400, s9  }
0x12: {  	s9 =	smax.u32 s10, $0x1;
	s10 =	sadd.s32 $0x101DC00, s11;
	s11 =	sadd.s32 $0xFCD400, s11  }
.LBB2_1:
0x13: {  	[spmem:s12], [sflag:s5] =	dma.local [hbm:s4], $0x1900  }
0x14: {  	_ =	swait.ge [sflag:s13], $0x1900  }
0x15: {  	[sflag:s13] =	ssyncset.done $0x0  }
0x16: {  	[sflag:s13] =	ssyncadd.s32 $0xFFFFE700  }
0x17: {  	[bflag:$0x0] =	sbarrier.arrive $0xFFFF  }
0x18: {  	[tilespmem:s3], [sflag:$0x3] =	stream.linear.gather [hbm4b:s6+s3], $0x5200, $0x38;
	[tilespmem:$0x19A00] =	vst v63  }
0x19: {  	_ =	swait.ge [sflag:s13], $0x5200  }
0x1a: {  	[sflag:s13] =	ssyncset.done $0x0  }
0x1b: {  	[sflag:s13] =	ssyncadd.s32 $0xFFFFAE00  }
0x1c: {  	[tilespmem:s14], [sflag:$0x1] =	stream.linear.gather [hbm4b:s7+s3], $0x4000, $0x38;
	[tilespmem:$0x19A00] =	vst v63  }
0x1d: {  	s22 =	sadd.s32 $0xFFFFF800, s11  }
0x1e: {  	[tilespmem:s15], [sflag:$0x2] =	stream.linear.gather [hbm4b:s22+s3], $0x4000, $0x38;
	[tilespmem:$0x19A00] =	vst v63  }
0x1f: {  	_ =	swait.ge [sflag:s16], $0x4000  }
0x20: {  	[sflag:s16] =	ssyncset.done $0x0  }
0x21: {  	s30 =	simm.s32 $0x0;
	[sflag:s16] =	ssyncadd.s32 $0xFFFFC000  }
0x22: {  	[spmem:s2] =	stream.indirect.scatter.add.f32 [tilespmem:s14], [sflag:$0x3], $0x80, s30, s17, $0xb8;
	[tilespmem:$0x19A00] =	vst v63  }
0x23: {  	_ =	swait.ge [sflag:s13], $0x4000  }
0x24: {  	[sflag:s13] =	ssyncset.done $0x0  }
0x25: {  	[sflag:s13] =	ssyncadd.s32 $0xFFFFC000  }
0x26: {  	[tilespmem:s14], [sflag:$0x1] =	stream.linear.gather [hbm4b:s11+s3], $0x4000, $0x38;
	[tilespmem:$0x19A00] =	vst v63  }
0x27: {  	_ =	swait.ge [sflag:s18], $0x4000  }
0x28: {  	[sflag:s18] =	ssyncset.done $0x0  }
0x29: {  	s31 =	simm.s32 $0x80;
	[sflag:s18] =	ssyncadd.s32 $0xFFFFC000  }
0x2a: {  	[spmem:s2] =	stream.indirect.scatter.add.f32 [tilespmem:s15], [sflag:$0x3], $0x80, s31, s17, $0xb8;
	[tilespmem:$0x19A00] =	vst v63  }
0x2b: {  	s23 =	simm.s32 $0x400;
	_ =	swait.ge [sflag:s13], $0x4000  }
0x2c: {  	s24 =	simm.s32 $0x800;
	s22 =	sadd.s32 $0x1000, s11;
	[sflag:s13] =	ssyncset.done $0x0  }
.LBB2_2:
0x2d: {  	p0 =	sne.s32 s24, $0x14000;
	s25 =	sadd.s32 $0xFFFFF800, s22;
	[sflag:s13] =	ssyncadd.s32 $0xFFFFC000  }
0x2e: {  	[tilespmem:s15], [sflag:$0x2] =	stream.linear.gather [hbm4b:s25+s3], $0x4000, $0x38;
	[tilespmem:$0x19A00] =	vst v63  }
0x2f: {  	s25 =	smov.u32 s24;
	s24 =	sadd.s32 $0x400, s24;
	_ =	swait.ge [sflag:s16], $0x4000  }
0x30: {  	[sflag:s16] =	ssyncset.done $0x0  }
0x31: {  	s26 =	sshra.s32 s23, $0x2;
	s23 =	smov.u32 s25;
	[sflag:s16] =	ssyncadd.s32 $0xFFFFC000  }
0x32: {  	[spmem:s2] =	stream.indirect.scatter.add.f32 [tilespmem:s14], [sflag:$0x3], $0x80, s26, s17, $0xb8;
	[tilespmem:$0x19A00] =	vst v63  }
0x33: {  	_ =	swait.ge [sflag:s13], $0x4000  }
0x34: {  	[sflag:s13] =	ssyncset.done $0x0  }
0x35: {  	[sflag:s13] =	ssyncadd.s32 $0xFFFFC000  }
0x36: {  	[tilespmem:s14], [sflag:$0x1] =	stream.linear.gather [hbm4b:s22+s3], $0x4000, $0x38;
	[tilespmem:$0x19A00] =	vst v63  }
0x37: {  	_ =	swait.ge [sflag:s18], $0x4000  }
.Ltmp0:
0x38: {  	[sflag:s18] =	ssyncset.done $0x0;
	(pc) =	sbr.rel @p0 .LBB2_2-.Ltmp0, $4  }
0x39: {  	s25 =	sadd.s32 $0x80, s26;
	[sflag:s18] =	ssyncadd.s32 $0xFFFFC000  }
0x3a: {  	[spmem:s2] =	stream.indirect.scatter.add.f32 [tilespmem:s15], [sflag:$0x3], $0x80, s25, s17, $0xb8;
	[tilespmem:$0x19A00] =	vst v63  }
0x3b: {  	_ =	swait.ge [sflag:s13], $0x4000  }
0x3c: {  	s22 =	sadd.s32 $0x1000, s22;
	[sflag:s13] =	ssyncset.done $0x0  }
0x3d: {  	s24 =	sadd.s32 $0xFFFFF800, s22;
	[sflag:s13] =	ssyncadd.s32 $0xFFFFC000  }
0x3e: {  	[tilespmem:s15], [sflag:$0x2] =	stream.linear.gather [hbm4b:s24+s3], $0x4000, $0x38;
	[tilespmem:$0x19A00] =	vst v63  }
0x3f: {  	_ =	swait.ge [sflag:s16], $0x4000  }
0x40: {  	[sflag:s16] =	ssyncset.done $0x0  }
0x41: {  	s23 =	sshra.s32 s23, $0x2;
	[sflag:s16] =	ssyncadd.s32 $0xFFFFC000  }
0x42: {  	[spmem:s2] =	stream.indirect.scatter.add.f32 [tilespmem:s14], [sflag:$0x3], $0x80, s23, s17, $0xb8;
	[tilespmem:$0x19A00] =	vst v63  }
0x43: {  	_ =	swait.ge [sflag:s13], $0x4000  }
0x44: {  	[sflag:s13] =	ssyncset.done $0x0  }
0x45: {  	[sflag:s13] =	ssyncadd.s32 $0xFFFFC000  }
0x46: {  	[tilespmem:s14], [sflag:$0x1] =	stream.linear.gather [hbm4b:s22+s3], $0x4000, $0x38;
	[tilespmem:$0x19A00] =	vst v63  }
0x47: {  	_ =	swait.ge [sflag:s18], $0x4000  }
0x48: {  	[sflag:s18] =	ssyncset.done $0x0  }
0x49: {  	s31 =	sadd.s32 $0x80, s23;
	[sflag:s18] =	ssyncadd.s32 $0xFFFFC000  }
0x4a: {  	[spmem:s2] =	stream.indirect.scatter.add.f32 [tilespmem:s15], [sflag:$0x3], $0x80, s31, s17, $0xb8;
	[tilespmem:$0x19A00] =	vst v63  }
0x4b: {  	_ =	swait.ge [sflag:s13], $0x4000  }
0x4c: {  	[sflag:s13] =	ssyncset.done $0x0  }
0x4d: {  	[sflag:s13] =	ssyncadd.s32 $0xFFFFC000  }
0x4e: {  	[tilespmem:s15], [sflag:$0x2] =	stream.linear.gather [hbm4b:s10+s3], $0x4000, $0x38;
	[tilespmem:$0x19A00] =	vst v63  }
0x4f: {  	_ =	swait.ge [sflag:s16], $0x4000  }
0x50: {  	[sflag:s16] =	ssyncset.done $0x0  }
0x51: {  	[sflag:s16] =	ssyncadd.s32 $0xFFFFC000  }
0x52: {  	[spmem:s2] =	stream.indirect.scatter.add.f32 [tilespmem:s14], [sflag:$0x3], $0x80, s19, s17, $0xb8;
	[tilespmem:$0x19A00] =	vst v63  }
0x53: {  	_ =	swait.ge [sflag:s13], $0x4000  }
0x54: {  	[sflag:s13] =	ssyncset.done $0x0  }
0x55: {  	[sflag:s13] =	ssyncadd.s32 $0xFFFFC000  }
0x56: {  	_ =	swait.ge [sflag:s18], $0x4000  }
0x57: {  	[sflag:s18] =	ssyncset.done $0x0  }
0x58: {  	[sflag:s18] =	ssyncadd.s32 $0xFFFFC000  }
0x59: {  	[spmem:s2] =	stream.indirect.scatter.add.f32 [tilespmem:s15], [sflag:$0x3], $0x80, s20, s17, $0xb8;
	[tilespmem:$0x19A00] =	vst v63  }
0x5a: {  	_ =	swait.ge [sflag:s13], $0x4000  }
0x5b: {  	s21 =	sadd.s32 $0x1, s21;
	[sflag:s13] =	ssyncset.done $0x0  }
0x5c: {  	p0 =	sne.s32 s21, s9;
	[sflag:s13] =	ssyncadd.s32 $0xFFFFC000  }
.Ltmp1:
0x5d: {  	[bflag:$0x0] =	sbarrier.arrive $0xFFFF;
	(pc) =	sbr.rel @p0 .LBB2_1-.Ltmp1, $4  }
0x5e: {  	[hbm:s8], [sflag:s5] =	dma.local [spmem:s12], $0x1900  }
0x5f: {  	_ =	swait.ge [sflag:s13], $0x1900  }
0x60: {  	[sflag:s13] =	ssyncset.done $0x0  }
0x61: {  	[sflag:s13] =	ssyncadd.s32 $0xFFFFE700  }
0x62: {  	_ =	sfence.sel $0x180000  }
0x63: {  	[bflag:$0x0] =	sbarrier.arrive $0xFFFF  }
0x64: {  	p0 =	sne.s32 s1, $0x0;
	_ =	strace $0x90000056  }
0x65: {  	s0 =	sadd.s32 @!p0 $0x100000, s0;
	[bflag:$0x2] =	sbarrier.arrive $0xFFFF  }
0x66: {  	[sflag:s0] =	ssyncadd.tile.s32 @!p0 $0x1;
	_ =	shalt  }
.Lfunc_end2:
_tile_overlayer_lowered:
.L_overlay_start_2:
0x67: {  	(tag) =	ssettag $0x2  }
0x68: {  	s0 =	rddreg [dreg:$0x0];
	s2 =	stileid.u32  }
0x69: {  	s1 =	rddreg [dreg:$0x1];
	p0 =	sne.s32 s2, $0x0  }
0x6a: {  	s3 =	rddreg [dreg:$0x2];
	[bflag:$0x3] =	sbarrier.arrive $0xFFFF;
	s2 =	simm.s32 @!p0 $0x1C03  }
0x6b: {  	[timem:s3], [sflag:s2] =	dma.local @!p0 [hbm:s0], s1  }
0x6c: {  	s0 =	simm.s32 @!p0 $0x3  }
0x6d: {  	_ =	swait.ge @!p0 [sflag:s0], s1  }
0x6e: {  	s1 =	ssub.s32 @!p0 $0x0, s1;
	[sflag:s0] =	ssyncset.done @!p0 $0x0  }
0x6f: {  	[sflag:s0] =	ssyncadd.s32 @!p0 s1  }
0x70: {  	[bflag:$0x3] =	sbarrier.arrive $0xFFFF  }
0x71: {  	_ =	shalt  }

</sc_bundles>
